<compile_context>
chip_gen: v7x
topology: tpu7x:2x2x1
jax: 0.10.2.dev20260603
libtpu: 0.0.44.dev20260713+nightly
codegen_flags: <defaults>
</compile_context>

<pallas_src>
import functools

import jax
import jax.numpy as jnp
from jax import lax
from jax.experimental import pallas as pl
from jax.experimental.pallas import tpu as pltpu
from jax.experimental.pallas import tpu_sc as plsc

N = 10000
E = 320000
D = 128

NC = 2
NS = 16
NW = NC * NS
EPW = E // NW
CH = 80
NCHUNK = EPW // CH
NPAD = 10240
RPT = NPAD // NS
DEGW = 16

_MESH = plsc.VectorSubcoreMesh(core_axis_name="c", subcore_axis_name="s")


@functools.partial(
    pl.kernel,
    out_type=[
        jax.ShapeDtypeStruct((NC, NPAD, D), jnp.float32),
        jax.ShapeDtypeStruct((NC, NPAD, DEGW), jnp.float32),
    ],
    mesh=_MESH,
    compiler_params=pltpu.CompilerParams(use_tc_tiling_on_sc=False),
    scratch_types=[
        [pltpu.VMEM((2, CH), jnp.int32) for _ in range(6)],
        [pltpu.VMEM((CH, D), jnp.float32) for _ in range(3)],
        pltpu.VMEM((CH, DEGW), jnp.float32),
        pltpu.VMEM((CH, DEGW), jnp.float32),
        pltpu.VMEM_SHARED((NPAD, D), jnp.float32),
        pltpu.VMEM_SHARED((NPAD, DEGW), jnp.float32),
        [pltpu.SemaphoreType.DMA for _ in range(6)],
        [pltpu.SemaphoreType.DMA for _ in range(3)],
        [pltpu.SemaphoreType.DMA for _ in range(3)],
    ],
)
def _sc_scatter(ei_hbm, h_hbm, zeros_agg_hbm, zeros_deg_hbm, ones_hbm,
                agg_out, deg_out,
                idx_r, rows_r, ones_v, zdeg_v, agg_sh, deg_sh,
                sem_i, sem_g, sem_s):
    cid = lax.axis_index("c")
    sid = lax.axis_index("s")
    wid = sid * NC + cid
    wbase = wid * EPW

    zrow = rows_r[0]
    pltpu.sync_copy(ones_hbm, ones_v)
    pltpu.sync_copy(zeros_agg_hbm, zrow)
    pltpu.sync_copy(zeros_deg_hbm, zdeg_v)
    row0 = sid * RPT

    for j in range(RPT // CH):
        pltpu.async_copy(zrow, agg_sh.at[pl.ds(row0 + j * CH, CH)], sem_g[0])
        pltpu.async_copy(zdeg_v, deg_sh.at[pl.ds(row0 + j * CH, CH)], sem_g[1])
    for j in range(RPT // CH):
        pltpu.make_async_copy(zrow, agg_sh.at[pl.ds(row0, CH)], sem_g[0]).wait()
        pltpu.make_async_copy(zdeg_v, deg_sh.at[pl.ds(row0, CH)], sem_g[1]).wait()

    plsc.subcore_barrier()

    def fetch_idx(c, k):
        base = wbase + c * CH
        pltpu.async_copy(ei_hbm.at[:, pl.ds(base, CH)], idx_r[k], sem_i[k])

    def wait_idx(k):
        pltpu.make_async_copy(ei_hbm.at[:, pl.ds(0, CH)], idx_r[k], sem_i[k]).wait()

    def fire_gather(k, b):
        pltpu.async_copy(h_hbm.at[idx_r[k].at[0]], rows_r[b], sem_g[b])

    def wait_gather(k, b):
        pltpu.make_async_copy(h_hbm.at[idx_r[k].at[0]], rows_r[b], sem_g[b]).wait()

    def fire_scatter(k, b):
        pltpu.async_copy(rows_r[b], agg_sh.at[idx_r[k].at[1]], sem_s[b], add=True)
        pltpu.async_copy(ones_v, deg_sh.at[idx_r[k].at[1]], sem_s[b], add=True)

    def wait_scatter(k, b):
        pltpu.make_async_copy(rows_r[b], agg_sh.at[idx_r[k].at[1]], sem_s[b]).wait()
        pltpu.make_async_copy(ones_v, deg_sh.at[idx_r[k].at[1]], sem_s[b]).wait()

    def step(c, ki, kr):
        wait_scatter((ki - 3) % 6, kr)
        wait_idx(ki)
        fire_gather(ki, kr)
        wait_gather((ki - 1) % 6, (kr - 1) % 3)
        fire_scatter((ki - 1) % 6, (kr - 1) % 3)
        fetch_idx(c + 3, (ki + 3) % 6)

    for c in (0, 1, 2):
        fetch_idx(c, c)
    for c in (0, 1, 2):
        wait_idx(c)
        fire_gather(c, c)
        if c >= 1:
            wait_gather(c - 1, c - 1)
            fire_scatter(c - 1, c - 1)
        fetch_idx(c + 3, c + 3)

    NSTEADY = NCHUNK - 8
    @pl.loop(0, NSTEADY // 6)
    def _main(j):
        c0 = 3 + 6 * j
        for k in range(6):
            step(c0 + k, (3 + k) % 6, k % 3)

    for c in range(3 + 6 * (NSTEADY // 6), NCHUNK - 3):
        step(c, c % 6, c % 3)

    for c in range(NCHUNK - 3, NCHUNK):
        wait_scatter((c - 3) % 6, (c - 3) % 3)
        wait_idx(c % 6)
        fire_gather(c % 6, c % 3)
        wait_gather((c - 1) % 6, (c - 1) % 3)
        fire_scatter((c - 1) % 6, (c - 1) % 3)
    c = NCHUNK - 1
    wait_gather(c % 6, c % 3)
    fire_scatter(c % 6, c % 3)
    for c in range(NCHUNK - 3, NCHUNK):
        wait_scatter(c % 6, c % 3)

    plsc.subcore_barrier()
    pltpu.async_copy(agg_sh.at[pl.ds(row0, RPT)], agg_out.at[cid, pl.ds(row0, RPT)], sem_g[0])
    pltpu.async_copy(deg_sh.at[pl.ds(row0, RPT)], deg_out.at[cid, pl.ds(row0, RPT)], sem_g[1])
    pltpu.make_async_copy(agg_sh.at[pl.ds(row0, RPT)], agg_out.at[cid, pl.ds(row0, RPT)], sem_g[0]).wait()
    pltpu.make_async_copy(deg_sh.at[pl.ds(row0, RPT)], deg_out.at[cid, pl.ds(row0, RPT)], sem_g[1]).wait()


_TC_R = 2000


def _tc_body(h_ref, agg_ref, deg_ref, ws_ref, wn_ref, b_ref, out_ref):
    agg = agg_ref[0] + agg_ref[1]
    deg2 = deg_ref[0] + deg_ref[1]
    deg = jnp.sum(deg2, axis=1, keepdims=True)
    mean = agg * (1.0 / jnp.maximum(deg, 1.0))
    acc = jnp.dot(h_ref[...], ws_ref[...], preferred_element_type=jnp.float32)
    acc = acc + jnp.dot(mean, wn_ref[...], preferred_element_type=jnp.float32)
    acc = acc + b_ref[...]
    out_ref[...] = h_ref[...] + jnp.maximum(acc, 0.0)


def _tc_dense(h, agg_p, deg_p, W_self, W_neigh, b2):
    grid = (N // _TC_R,)
    return pl.pallas_call(
        _tc_body,
        grid=grid,
        in_specs=[
            pl.BlockSpec((_TC_R, D), lambda i: (i, 0)),
            pl.BlockSpec((NC, _TC_R, D), lambda i: (0, i, 0)),
            pl.BlockSpec((NC, _TC_R, DEGW), lambda i: (0, i, 0)),
            pl.BlockSpec((D, D), lambda i: (0, 0)),
            pl.BlockSpec((D, D), lambda i: (0, 0)),
            pl.BlockSpec((1, D), lambda i: (0, 0)),
        ],
        out_specs=pl.BlockSpec((_TC_R, D), lambda i: (i, 0)),
        out_shape=jax.ShapeDtypeStruct((N, D), jnp.float32),
    )(h, agg_p, deg_p, W_self, W_neigh, b2)


def kernel(h, edge_index, W_self, W_neigh, b):
    ei = edge_index.astype(jnp.int32)
    zeros_agg = jnp.zeros((CH, D), jnp.float32)
    zeros_deg = jnp.zeros((CH, DEGW), jnp.float32)
    ones16 = jnp.zeros((CH, DEGW), jnp.float32).at[:, 0].set(1.0)
    agg_p, deg_p = _sc_scatter(ei, h, zeros_agg, zeros_deg, ones16)
    return _tc_dense(h, agg_p, deg_p, W_self, W_neigh, b.reshape(1, D))

# --- scband reference (transcript-rebuilt; emitter-appended) ---
"""Pipeline reference for scband-graph-sage-layer-2001454759950 (READ-ONLY COPY).

The authoritative reference and input builder live on the scoring server;
editing this copy changes nothing except your own understanding.
"""

import jax, jax.numpy as jnp
import numpy as np

N = 10000
E = 320000
D = 128

def setup_inputs(seed: int = 0) -> dict:
    key = jax.random.key(seed)
    k1, k2, k3, k4, k5 = jax.random.split(key, 5)
    h = jax.random.normal(k1, (N, D), dtype=jnp.float32)
    edge_index = jax.random.randint(k2, (2, E), 0, N, dtype=jnp.int64)
    W_self = jax.random.normal(k3, (D, D), dtype=jnp.float32) * 0.05
    W_neigh = jax.random.normal(k4, (D, D), dtype=jnp.float32) * 0.05
    b = jax.random.normal(k5, (D,), dtype=jnp.float32) * 0.05
    return {"h": h, "edge_index": edge_index, "W_self": W_self, "W_neigh": W_neigh, "b": b}

def reference(h, edge_index, W_self, W_neigh, b):
    # GraphSageLayer forward: SAGEConv(mean) -> relu -> residual (no batchnorm, dropout=0)
    src = edge_index[0]
    dst = edge_index[1]
    h_in = h
    # mean aggregation of src features onto dst nodes (scatter-add + degree normalize)
    agg = jnp.zeros((N, D), dtype=h.dtype).at[dst].add(h[src])
    deg = jnp.zeros((N,), dtype=h.dtype).at[dst].add(1.0)
    mean_neigh = agg / jnp.maximum(deg, 1.0)[:, None]
    # DGL SAGEConv (mean): rst = fc_self(h) + fc_neigh(mean_neigh) + bias
    rst = h @ W_self + mean_neigh @ W_neigh + b
    rst = jax.nn.relu(rst)
    # residual (in_feats == out_feats)
    out = h_in + rst
    return out

if __name__ == "__main__":
    import jax
    _d = setup_inputs()
    print(jax.jit(kernel)(*tuple(_d.values())))

</pallas_src>

<mosaic_0001>
#map = affine_map<(d0, d1) -> (0, 0)>
#map1 = affine_map<(d0, d1) -> (0, 0, 0)>
module attributes {stable_mosaic.version = 14 : i64} {
  func.func @_sc_scatter(%arg0: i32, %arg1: i32, %arg2: memref<2x320000xi32, #tpu.memory_space<hbm>>, %arg3: memref<10000x128xf32, #tpu.memory_space<hbm>>, %arg4: memref<80x128xf32, #tpu.memory_space<hbm>>, %arg5: memref<80x16xf32, #tpu.memory_space<hbm>>, %arg6: memref<80x16xf32, #tpu.memory_space<hbm>>, %arg7: memref<2x10240x128xf32, #tpu.memory_space<hbm>>, %arg8: memref<2x10240x16xf32, #tpu.memory_space<hbm>>, %arg9: memref<2x80xi32, #tpu.memory_space<vmem>>, %arg10: memref<2x80xi32, #tpu.memory_space<vmem>>, %arg11: memref<2x80xi32, #tpu.memory_space<vmem>>, %arg12: memref<2x80xi32, #tpu.memory_space<vmem>>, %arg13: memref<2x80xi32, #tpu.memory_space<vmem>>, %arg14: memref<2x80xi32, #tpu.memory_space<vmem>>, %arg15: memref<80x128xf32, #tpu.memory_space<vmem>>, %arg16: memref<80x128xf32, #tpu.memory_space<vmem>>, %arg17: memref<80x128xf32, #tpu.memory_space<vmem>>, %arg18: memref<80x16xf32, #tpu.memory_space<vmem>>, %arg19: memref<80x16xf32, #tpu.memory_space<vmem>>, %arg20: memref<10240x128xf32, #tpu.memory_space<vmem_shared>>, %arg21: memref<10240x16xf32, #tpu.memory_space<vmem_shared>>, %arg22: memref<!tpu.dma_semaphore, #tpu.memory_space<semaphore_mem>>, %arg23: memref<!tpu.dma_semaphore, #tpu.memory_space<semaphore_mem>>, %arg24: memref<!tpu.dma_semaphore, #tpu.memory_space<semaphore_mem>>, %arg25: memref<!tpu.dma_semaphore, #tpu.memory_space<semaphore_mem>>, %arg26: memref<!tpu.dma_semaphore, #tpu.memory_space<semaphore_mem>>, %arg27: memref<!tpu.dma_semaphore, #tpu.memory_space<semaphore_mem>>, %arg28: memref<!tpu.dma_semaphore, #tpu.memory_space<semaphore_mem>>, %arg29: memref<!tpu.dma_semaphore, #tpu.memory_space<semaphore_mem>>, %arg30: memref<!tpu.dma_semaphore, #tpu.memory_space<semaphore_mem>>, %arg31: memref<!tpu.dma_semaphore, #tpu.memory_space<semaphore_mem>>, %arg32: memref<!tpu.dma_semaphore, #tpu.memory_space<semaphore_mem>>, %arg33: memref<!tpu.dma_semaphore, #tpu.memory_space<semaphore_mem>>) attributes {dimension_semantics = [#tpu.dimension_semantics<core_parallel>, #tpu.dimension_semantics<subcore_parallel>], iteration_bounds = array<i64: 2, 16>, scalar_prefetch = 0 : i64, scratch_operands = 25 : i64, tpu.core_type = #tpu.core_type<sc_vector_subcore>, window_params = [{transform_indices = #map}, {transform_indices = #map}, {transform_indices = #map}, {transform_indices = #map}, {transform_indices = #map}, {transform_indices = #map1}, {transform_indices = #map1}]} {
    %mul3A = arith.constant 2 : i32
    %mul3A_0 = arith.muli %arg1, %mul3A : i32
    %add3A = arith.addi %mul3A_0, %arg0 : i32
    %mul3A_1 = arith.constant 10000 : i32
    %mul3A_2 = arith.muli %add3A, %mul3A_1 : i32
    "tpu.region"() ({
      %run_scoped3A = tpu.sem_alloc : memref<!tpu.dma_semaphore, #tpu.memory_space<semaphore_mem>>
      tpu.enqueue_dma source(%arg6 : memref<80x16xf32, #tpu.memory_space<hbm>>) target(%arg18 : memref<80x16xf32, #tpu.memory_space<vmem>>) target_semaphore(%run_scoped3A : memref<!tpu.dma_semaphore, #tpu.memory_space<semaphore_mem>>)
      tpu.wait_dma2 semaphore(%run_scoped3A : memref<!tpu.dma_semaphore, #tpu.memory_space<semaphore_mem>>) src(%arg6 : memref<80x16xf32, #tpu.memory_space<hbm>>) dst(%arg18 : memref<80x16xf32, #tpu.memory_space<vmem>>)
      tpu.yield
    }) : () -> ()
    "tpu.region"() ({
      %run_scoped3A = tpu.sem_alloc : memref<!tpu.dma_semaphore, #tpu.memory_space<semaphore_mem>>
      tpu.enqueue_dma source(%arg4 : memref<80x128xf32, #tpu.memory_space<hbm>>) target(%arg15 : memref<80x128xf32, #tpu.memory_space<vmem>>) target_semaphore(%run_scoped3A : memref<!tpu.dma_semaphore, #tpu.memory_space<semaphore_mem>>)
      tpu.wait_dma2 semaphore(%run_scoped3A : memref<!tpu.dma_semaphore, #tpu.memory_space<semaphore_mem>>) src(%arg4 : memref<80x128xf32, #tpu.memory_space<hbm>>) dst(%arg15 : memref<80x128xf32, #tpu.memory_space<vmem>>)
      tpu.yield
    }) : () -> ()
    "tpu.region"() ({
      %run_scoped3A = tpu.sem_alloc : memref<!tpu.dma_semaphore, #tpu.memory_space<semaphore_mem>>
      tpu.enqueue_dma source(%arg5 : memref<80x16xf32, #tpu.memory_space<hbm>>) target(%arg19 : memref<80x16xf32, #tpu.memory_space<vmem>>) target_semaphore(%run_scoped3A : memref<!tpu.dma_semaphore, #tpu.memory_space<semaphore_mem>>)
      tpu.wait_dma2 semaphore(%run_scoped3A : memref<!tpu.dma_semaphore, #tpu.memory_space<semaphore_mem>>) src(%arg5 : memref<80x16xf32, #tpu.memory_space<hbm>>) dst(%arg19 : memref<80x16xf32, #tpu.memory_space<vmem>>)
      tpu.yield
    }) : () -> ()
    %mul3A_3 = arith.constant 640 : i32
    %mul3A_4 = arith.muli %arg1, %mul3A_3 : i32
    %add3A_5 = arith.constant 0 : i32
    %add3A_6 = arith.addi %mul3A_4, %add3A_5 : i32
    %dma_start3A = arith.constant 0 : i32
    %dma_start3A_7 = tpu.memref_slice %arg20[%add3A_6, %dma_start3A] : memref<10240x128xf32, #tpu.memory_space<vmem_shared>> -> memref<80x128xf32, #tpu.memory_space<vmem_shared>>
    %dma_start3A_8 = arith.constant 0 : i32
    %dma_start3A_9 = tpu.memref_slice %arg20[%add3A_6, %dma_start3A_8] : memref<10240x128xf32, #tpu.memory_space<vmem_shared>> -> memref<80x128xf32, #tpu.memory_space<vmem_shared>>
    tpu.enqueue_dma source(%arg15 : memref<80x128xf32, #tpu.memory_space<vmem>>) target(%dma_start3A_9 : memref<80x128xf32, #tpu.memory_space<vmem_shared>>) target_semaphore(%arg28 : memref<!tpu.dma_semaphore, #tpu.memory_space<semaphore_mem>>)
    %add3A_10 = arith.constant 0 : i32
    %add3A_11 = arith.addi %mul3A_4, %add3A_10 : i32
    %dma_start3A_12 = arith.constant 0 : i32
    %dma_start3A_13 = tpu.memref_slice %arg21[%add3A_11, %dma_start3A_12] : memref<10240x16xf32, #tpu.memory_space<vmem_shared>> -> memref<80x16xf32, #tpu.memory_space<vmem_shared>>
    %dma_start3A_14 = arith.constant 0 : i32
    %dma_start3A_15 = tpu.memref_slice %arg21[%add3A_11, %dma_start3A_14] : memref<10240x16xf32, #tpu.memory_space<vmem_shared>> -> memref<80x16xf32, #tpu.memory_space<vmem_shared>>
    tpu.enqueue_dma source(%arg19 : memref<80x16xf32, #tpu.memory_space<vmem>>) target(%dma_start3A_15 : memref<80x16xf32, #tpu.memory_space<vmem_shared>>) target_semaphore(%arg29 : memref<!tpu.dma_semaphore, #tpu.memory_space<semaphore_mem>>)
    %add3A_16 = arith.constant 80 : i32
    %add3A_17 = arith.addi %mul3A_4, %add3A_16 : i32
    %dma_start3A_18 = arith.constant 0 : i32
    %dma_start3A_19 = tpu.memref_slice %arg20[%add3A_17, %dma_start3A_18] : memref<10240x128xf32, #tpu.memory_space<vmem_shared>> -> memref<80x128xf32, #tpu.memory_space<vmem_shared>>
    %dma_start3A_20 = arith.constant 0 : i32
    %dma_start3A_21 = tpu.memref_slice %arg20[%add3A_17, %dma_start3A_20] : memref<10240x128xf32, #tpu.memory_space<vmem_shared>> -> memref<80x128xf32, #tpu.memory_space<vmem_shared>>
    tpu.enqueue_dma source(%arg15 : memref<80x128xf32, #tpu.memory_space<vmem>>) target(%dma_start3A_21 : memref<80x128xf32, #tpu.memory_space<vmem_shared>>) target_semaphore(%arg28 : memref<!tpu.dma_semaphore, #tpu.memory_space<semaphore_mem>>)
    %add3A_22 = arith.constant 80 : i32
    %add3A_23 = arith.addi %mul3A_4, %add3A_22 : i32
    %dma_start3A_24 = arith.constant 0 : i32
    %dma_start3A_25 = tpu.memref_slice %arg21[%add3A_23, %dma_start3A_24] : memref<10240x16xf32, #tpu.memory_space<vmem_shared>> -> memref<80x16xf32, #tpu.memory_space<vmem_shared>>
    %dma_start3A_26 = arith.constant 0 : i32
    %dma_start3A_27 = tpu.memref_slice %arg21[%add3A_23, %dma_start3A_26] : memref<10240x16xf32, #tpu.memory_space<vmem_shared>> -> memref<80x16xf32, #tpu.memory_space<vmem_shared>>
    tpu.enqueue_dma source(%arg19 : memref<80x16xf32, #tpu.memory_space<vmem>>) target(%dma_start3A_27 : memref<80x16xf32, #tpu.memory_space<vmem_shared>>) target_semaphore(%arg29 : memref<!tpu.dma_semaphore, #tpu.memory_space<semaphore_mem>>)
    %add3A_28 = arith.constant 160 : i32
    %add3A_29 = arith.addi %mul3A_4, %add3A_28 : i32
    %dma_start3A_30 = arith.constant 0 : i32
    %dma_start3A_31 = tpu.memref_slice %arg20[%add3A_29, %dma_start3A_30] : memref<10240x128xf32, #tpu.memory_space<vmem_shared>> -> memref<80x128xf32, #tpu.memory_space<vmem_shared>>
    %dma_start3A_32 = arith.constant 0 : i32
    %dma_start3A_33 = tpu.memref_slice %arg20[%add3A_29, %dma_start3A_32] : memref<10240x128xf32, #tpu.memory_space<vmem_shared>> -> memref<80x128xf32, #tpu.memory_space<vmem_shared>>
    tpu.enqueue_dma source(%arg15 : memref<80x128xf32, #tpu.memory_space<vmem>>) target(%dma_start3A_33 : memref<80x128xf32, #tpu.memory_space<vmem_shared>>) target_semaphore(%arg28 : memref<!tpu.dma_semaphore, #tpu.memory_space<semaphore_mem>>)
    %add3A_34 = arith.constant 160 : i32
    %add3A_35 = arith.addi %mul3A_4, %add3A_34 : i32
    %dma_start3A_36 = arith.constant 0 : i32
    %dma_start3A_37 = tpu.memref_slice %arg21[%add3A_35, %dma_start3A_36] : memref<10240x16xf32, #tpu.memory_space<vmem_shared>> -> memref<80x16xf32, #tpu.memory_space<vmem_shared>>
    %dma_start3A_38 = arith.constant 0 : i32
    %dma_start3A_39 = tpu.memref_slice %arg21[%add3A_35, %dma_start3A_38] : memref<10240x16xf32, #tpu.memory_space<vmem_shared>> -> memref<80x16xf32, #tpu.memory_space<vmem_shared>>
    tpu.enqueue_dma source(%arg19 : memref<80x16xf32, #tpu.memory_space<vmem>>) target(%dma_start3A_39 : memref<80x16xf32, #tpu.memory_space<vmem_shared>>) target_semaphore(%arg29 : memref<!tpu.dma_semaphore, #tpu.memory_space<semaphore_mem>>)
    %add3A_40 = arith.constant 240 : i32
    %add3A_41 = arith.addi %mul3A_4, %add3A_40 : i32
    %dma_start3A_42 = arith.constant 0 : i32
    %dma_start3A_43 = tpu.memref_slice %arg20[%add3A_41, %dma_start3A_42] : memref<10240x128xf32, #tpu.memory_space<vmem_shared>> -> memref<80x128xf32, #tpu.memory_space<vmem_shared>>
    %dma_start3A_44 = arith.constant 0 : i32
    %dma_start3A_45 = tpu.memref_slice %arg20[%add3A_41, %dma_start3A_44] : memref<10240x128xf32, #tpu.memory_space<vmem_shared>> -> memref<80x128xf32, #tpu.memory_space<vmem_shared>>
    tpu.enqueue_dma source(%arg15 : memref<80x128xf32, #tpu.memory_space<vmem>>) target(%dma_start3A_45 : memref<80x128xf32, #tpu.memory_space<vmem_shared>>) target_semaphore(%arg28 : memref<!tpu.dma_semaphore, #tpu.memory_space<semaphore_mem>>)
    %add3A_46 = arith.constant 240 : i32
    %add3A_47 = arith.addi %mul3A_4, %add3A_46 : i32
    %dma_start3A_48 = arith.constant 0 : i32
    %dma_start3A_49 = tpu.memref_slice %arg21[%add3A_47, %dma_start3A_48] : memref<10240x16xf32, #tpu.memory_space<vmem_shared>> -> memref<80x16xf32, #tpu.memory_space<vmem_shared>>
    %dma_start3A_50 = arith.constant 0 : i32
    %dma_start3A_51 = tpu.memref_slice %arg21[%add3A_47, %dma_start3A_50] : memref<10240x16xf32, #tpu.memory_space<vmem_shared>> -> memref<80x16xf32, #tpu.memory_space<vmem_shared>>
    tpu.enqueue_dma source(%arg19 : memref<80x16xf32, #tpu.memory_space<vmem>>) target(%dma_start3A_51 : memref<80x16xf32, #tpu.memory_space<vmem_shared>>) target_semaphore(%arg29 : memref<!tpu.dma_semaphore, #tpu.memory_space<semaphore_mem>>)
    %add3A_52 = arith.constant 320 : i32
    %add3A_53 = arith.addi %mul3A_4, %add3A_52 : i32
    %dma_start3A_54 = arith.constant 0 : i32
    %dma_start3A_55 = tpu.memref_slice %arg20[%add3A_53, %dma_start3A_54] : memref<10240x128xf32, #tpu.memory_space<vmem_shared>> -> memref<80x128xf32, #tpu.memory_space<vmem_shared>>
    %dma_start3A_56 = arith.constant 0 : i32
    %dma_start3A_57 = tpu.memref_slice %arg20[%add3A_53, %dma_start3A_56] : memref<10240x128xf32, #tpu.memory_space<vmem_shared>> -> memref<80x128xf32, #tpu.memory_space<vmem_shared>>
    tpu.enqueue_dma source(%arg15 : memref<80x128xf32, #tpu.memory_space<vmem>>) target(%dma_start3A_57 : memref<80x128xf32, #tpu.memory_space<vmem_shared>>) target_semaphore(%arg28 : memref<!tpu.dma_semaphore, #tpu.memory_space<semaphore_mem>>)
    %add3A_58 = arith.constant 320 : i32
    %add3A_59 = arith.addi %mul3A_4, %add3A_58 : i32
    %dma_start3A_60 = arith.constant 0 : i32
    %dma_start3A_61 = tpu.memref_slice %arg21[%add3A_59, %dma_start3A_60] : memref<10240x16xf32, #tpu.memory_space<vmem_shared>> -> memref<80x16xf32, #tpu.memory_space<vmem_shared>>
    %dma_start3A_62 = arith.constant 0 : i32
    %dma_start3A_63 = tpu.memref_slice %arg21[%add3A_59, %dma_start3A_62] : memref<10240x16xf32, #tpu.memory_space<vmem_shared>> -> memref<80x16xf32, #tpu.memory_space<vmem_shared>>
    tpu.enqueue_dma source(%arg19 : memref<80x16xf32, #tpu.memory_space<vmem>>) target(%dma_start3A_63 : memref<80x16xf32, #tpu.memory_space<vmem_shared>>) target_semaphore(%arg29 : memref<!tpu.dma_semaphore, #tpu.memory_space<semaphore_mem>>)
    %add3A_64 = arith.constant 400 : i32
    %add3A_65 = arith.addi %mul3A_4, %add3A_64 : i32
    %dma_start3A_66 = arith.constant 0 : i32
    %dma_start3A_67 = tpu.memref_slice %arg20[%add3A_65, %dma_start3A_66] : memref<10240x128xf32, #tpu.memory_space<vmem_shared>> -> memref<80x128xf32, #tpu.memory_space<vmem_shared>>
    %dma_start3A_68 = arith.constant 0 : i32
    %dma_start3A_69 = tpu.memref_slice %arg20[%add3A_65, %dma_start3A_68] : memref<10240x128xf32, #tpu.memory_space<vmem_shared>> -> memref<80x128xf32, #tpu.memory_space<vmem_shared>>
    tpu.enqueue_dma source(%arg15 : memref<80x128xf32, #tpu.memory_space<vmem>>) target(%dma_start3A_69 : memref<80x128xf32, #tpu.memory_space<vmem_shared>>) target_semaphore(%arg28 : memref<!tpu.dma_semaphore, #tpu.memory_space<semaphore_mem>>)
    %add3A_70 = arith.constant 400 : i32
    %add3A_71 = arith.addi %mul3A_4, %add3A_70 : i32
    %dma_start3A_72 = arith.constant 0 : i32
    %dma_start3A_73 = tpu.memref_slice %arg21[%add3A_71, %dma_start3A_72] : memref<10240x16xf32, #tpu.memory_space<vmem_shared>> -> memref<80x16xf32, #tpu.memory_space<vmem_shared>>
    %dma_start3A_74 = arith.constant 0 : i32
    %dma_start3A_75 = tpu.memref_slice %arg21[%add3A_71, %dma_start3A_74] : memref<10240x16xf32, #tpu.memory_space<vmem_shared>> -> memref<80x16xf32, #tpu.memory_space<vmem_shared>>
    tpu.enqueue_dma source(%arg19 : memref<80x16xf32, #tpu.memory_space<vmem>>) target(%dma_start3A_75 : memref<80x16xf32, #tpu.memory_space<vmem_shared>>) target_semaphore(%arg29 : memref<!tpu.dma_semaphore, #tpu.memory_space<semaphore_mem>>)
    %add3A_76 = arith.constant 480 : i32
    %add3A_77 = arith.addi %mul3A_4, %add3A_76 : i32
    %dma_start3A_78 = arith.constant 0 : i32
    %dma_start3A_79 = tpu.memref_slice %arg20[%add3A_77, %dma_start3A_78] : memref<10240x128xf32, #tpu.memory_space<vmem_shared>> -> memref<80x128xf32, #tpu.memory_space<vmem_shared>>
    %dma_start3A_80 = arith.constant 0 : i32
    %dma_start3A_81 = tpu.memref_slice %arg20[%add3A_77, %dma_start3A_80] : memref<10240x128xf32, #tpu.memory_space<vmem_shared>> -> memref<80x128xf32, #tpu.memory_space<vmem_shared>>
    tpu.enqueue_dma source(%arg15 : memref<80x128xf32, #tpu.memory_space<vmem>>) target(%dma_start3A_81 : memref<80x128xf32, #tpu.memory_space<vmem_shared>>) target_semaphore(%arg28 : memref<!tpu.dma_semaphore, #tpu.memory_space<semaphore_mem>>)
    %add3A_82 = arith.constant 480 : i32
    %add3A_83 = arith.addi %mul3A_4, %add3A_82 : i32
    %dma_start3A_84 = arith.constant 0 : i32
    %dma_start3A_85 = tpu.memref_slice %arg21[%add3A_83, %dma_start3A_84] : memref<10240x16xf32, #tpu.memory_space<vmem_shared>> -> memref<80x16xf32, #tpu.memory_space<vmem_shared>>
    %dma_start3A_86 = arith.constant 0 : i32
    %dma_start3A_87 = tpu.memref_slice %arg21[%add3A_83, %dma_start3A_86] : memref<10240x16xf32, #tpu.memory_space<vmem_shared>> -> memref<80x16xf32, #tpu.memory_space<vmem_shared>>
    tpu.enqueue_dma source(%arg19 : memref<80x16xf32, #tpu.memory_space<vmem>>) target(%dma_start3A_87 : memref<80x16xf32, #tpu.memory_space<vmem_shared>>) target_semaphore(%arg29 : memref<!tpu.dma_semaphore, #tpu.memory_space<semaphore_mem>>)
    %add3A_88 = arith.constant 560 : i32
    %add3A_89 = arith.addi %mul3A_4, %add3A_88 : i32
    %dma_start3A_90 = arith.constant 0 : i32
    %dma_start3A_91 = tpu.memref_slice %arg20[%add3A_89, %dma_start3A_90] : memref<10240x128xf32, #tpu.memory_space<vmem_shared>> -> memref<80x128xf32, #tpu.memory_space<vmem_shared>>
    %dma_start3A_92 = arith.constant 0 : i32
    %dma_start3A_93 = tpu.memref_slice %arg20[%add3A_89, %dma_start3A_92] : memref<10240x128xf32, #tpu.memory_space<vmem_shared>> -> memref<80x128xf32, #tpu.memory_space<vmem_shared>>
    tpu.enqueue_dma source(%arg15 : memref<80x128xf32, #tpu.memory_space<vmem>>) target(%dma_start3A_93 : memref<80x128xf32, #tpu.memory_space<vmem_shared>>) target_semaphore(%arg28 : memref<!tpu.dma_semaphore, #tpu.memory_space<semaphore_mem>>)
    %add3A_94 = arith.constant 560 : i32
    %add3A_95 = arith.addi %mul3A_4, %add3A_94 : i32
    %dma_start3A_96 = arith.constant 0 : i32
    %dma_start3A_97 = tpu.memref_slice %arg21[%add3A_95, %dma_start3A_96] : memref<10240x16xf32, #tpu.memory_space<vmem_shared>> -> memref<80x16xf32, #tpu.memory_space<vmem_shared>>
    %dma_start3A_98 = arith.constant 0 : i32
    %dma_start3A_99 = tpu.memref_slice %arg21[%add3A_95, %dma_start3A_98] : memref<10240x16xf32, #tpu.memory_space<vmem_shared>> -> memref<80x16xf32, #tpu.memory_space<vmem_shared>>
    tpu.enqueue_dma source(%arg19 : memref<80x16xf32, #tpu.memory_space<vmem>>) target(%dma_start3A_99 : memref<80x16xf32, #tpu.memory_space<vmem_shared>>) target_semaphore(%arg29 : memref<!tpu.dma_semaphore, #tpu.memory_space<semaphore_mem>>)
    %dma_wait3A = arith.constant 0 : i32
    %dma_wait3A_100 = tpu.memref_slice %arg20[%mul3A_4, %dma_wait3A] : memref<10240x128xf32, #tpu.memory_space<vmem_shared>> -> memref<80x128xf32, #tpu.memory_space<vmem_shared>>
    %dma_wait3A_101 = arith.constant 0 : i32
    %dma_wait3A_102 = tpu.memref_slice %arg20[%mul3A_4, %dma_wait3A_101] : memref<10240x128xf32, #tpu.memory_space<vmem_shared>> -> memref<80x128xf32, #tpu.memory_space<vmem_shared>>
    tpu.wait_dma2 semaphore(%arg28 : memref<!tpu.dma_semaphore, #tpu.memory_space<semaphore_mem>>) src(%arg15 : memref<80x128xf32, #tpu.memory_space<vmem>>) dst(%dma_wait3A_102 : memref<80x128xf32, #tpu.memory_space<vmem_shared>>)
    %dma_wait3A_103 = arith.constant 0 : i32
    %dma_wait3A_104 = tpu.memref_slice %arg21[%mul3A_4, %dma_wait3A_103] : memref<10240x16xf32, #tpu.memory_space<vmem_shared>> -> memref<80x16xf32, #tpu.memory_space<vmem_shared>>
    %dma_wait3A_105 = arith.constant 0 : i32
    %dma_wait3A_106 = tpu.memref_slice %arg21[%mul3A_4, %dma_wait3A_105] : memref<10240x16xf32, #tpu.memory_space<vmem_shared>> -> memref<80x16xf32, #tpu.memory_space<vmem_shared>>
    tpu.wait_dma2 semaphore(%arg29 : memref<!tpu.dma_semaphore, #tpu.memory_space<semaphore_mem>>) src(%arg19 : memref<80x16xf32, #tpu.memory_space<vmem>>) dst(%dma_wait3A_106 : memref<80x16xf32, #tpu.memory_space<vmem_shared>>)
    %dma_wait3A_107 = arith.constant 0 : i32
    %dma_wait3A_108 = tpu.memref_slice %arg20[%mul3A_4, %dma_wait3A_107] : memref<10240x128xf32, #tpu.memory_space<vmem_shared>> -> memref<80x128xf32, #tpu.memory_space<vmem_shared>>
    %dma_wait3A_109 = arith.constant 0 : i32
    %dma_wait3A_110 = tpu.memref_slice %arg20[%mul3A_4, %dma_wait3A_109] : memref<10240x128xf32, #tpu.memory_space<vmem_shared>> -> memref<80x128xf32, #tpu.memory_space<vmem_shared>>
    tpu.wait_dma2 semaphore(%arg28 : memref<!tpu.dma_semaphore, #tpu.memory_space<semaphore_mem>>) src(%arg15 : memref<80x128xf32, #tpu.memory_space<vmem>>) dst(%dma_wait3A_110 : memref<80x128xf32, #tpu.memory_space<vmem_shared>>)
    %dma_wait3A_111 = arith.constant 0 : i32
    %dma_wait3A_112 = tpu.memref_slice %arg21[%mul3A_4, %dma_wait3A_111] : memref<10240x16xf32, #tpu.memory_space<vmem_shared>> -> memref<80x16xf32, #tpu.memory_space<vmem_shared>>
    %dma_wait3A_113 = arith.constant 0 : i32
    %dma_wait3A_114 = tpu.memref_slice %arg21[%mul3A_4, %dma_wait3A_113] : memref<10240x16xf32, #tpu.memory_space<vmem_shared>> -> memref<80x16xf32, #tpu.memory_space<vmem_shared>>
    tpu.wait_dma2 semaphore(%arg29 : memref<!tpu.dma_semaphore, #tpu.memory_space<semaphore_mem>>) src(%arg19 : memref<80x16xf32, #tpu.memory_space<vmem>>) dst(%dma_wait3A_114 : memref<80x16xf32, #tpu.memory_space<vmem_shared>>)
    %dma_wait3A_115 = arith.constant 0 : i32
    %dma_wait3A_116 = tpu.memref_slice %arg20[%mul3A_4, %dma_wait3A_115] : memref<10240x128xf32, #tpu.memory_space<vmem_shared>> -> memref<80x128xf32, #tpu.memory_space<vmem_shared>>
    %dma_wait3A_117 = arith.constant 0 : i32
    %dma_wait3A_118 = tpu.memref_slice %arg20[%mul3A_4, %dma_wait3A_117] : memref<10240x128xf32, #tpu.memory_space<vmem_shared>> -> memref<80x128xf32, #tpu.memory_space<vmem_shared>>
    tpu.wait_dma2 semaphore(%arg28 : memref<!tpu.dma_semaphore, #tpu.memory_space<semaphore_mem>>) src(%arg15 : memref<80x128xf32, #tpu.memory_space<vmem>>) dst(%dma_wait3A_118 : memref<80x128xf32, #tpu.memory_space<vmem_shared>>)
    %dma_wait3A_119 = arith.constant 0 : i32
    %dma_wait3A_120 = tpu.memref_slice %arg21[%mul3A_4, %dma_wait3A_119] : memref<10240x16xf32, #tpu.memory_space<vmem_shared>> -> memref<80x16xf32, #tpu.memory_space<vmem_shared>>
    %dma_wait3A_121 = arith.constant 0 : i32
    %dma_wait3A_122 = tpu.memref_slice %arg21[%mul3A_4, %dma_wait3A_121] : memref<10240x16xf32, #tpu.memory_space<vmem_shared>> -> memref<80x16xf32, #tpu.memory_space<vmem_shared>>
    tpu.wait_dma2 semaphore(%arg29 : memref<!tpu.dma_semaphore, #tpu.memory_space<semaphore_mem>>) src(%arg19 : memref<80x16xf32, #tpu.memory_space<vmem>>) dst(%dma_wait3A_122 : memref<80x16xf32, #tpu.memory_space<vmem_shared>>)
    %dma_wait3A_123 = arith.constant 0 : i32
    %dma_wait3A_124 = tpu.memref_slice %arg20[%mul3A_4, %dma_wait3A_123] : memref<10240x128xf32, #tpu.memory_space<vmem_shared>> -> memref<80x128xf32, #tpu.memory_space<vmem_shared>>
    %dma_wait3A_125 = arith.constant 0 : i32
    %dma_wait3A_126 = tpu.memref_slice %arg20[%mul3A_4, %dma_wait3A_125] : memref<10240x128xf32, #tpu.memory_space<vmem_shared>> -> memref<80x128xf32, #tpu.memory_space<vmem_shared>>
    tpu.wait_dma2 semaphore(%arg28 : memref<!tpu.dma_semaphore, #tpu.memory_space<semaphore_mem>>) src(%arg15 : memref<80x128xf32, #tpu.memory_space<vmem>>) dst(%dma_wait3A_126 : memref<80x128xf32, #tpu.memory_space<vmem_shared>>)
    %dma_wait3A_127 = arith.constant 0 : i32
    %dma_wait3A_128 = tpu.memref_slice %arg21[%mul3A_4, %dma_wait3A_127] : memref<10240x16xf32, #tpu.memory_space<vmem_shared>> -> memref<80x16xf32, #tpu.memory_space<vmem_shared>>
    %dma_wait3A_129 = arith.constant 0 : i32
    %dma_wait3A_130 = tpu.memref_slice %arg21[%mul3A_4, %dma_wait3A_129] : memref<10240x16xf32, #tpu.memory_space<vmem_shared>> -> memref<80x16xf32, #tpu.memory_space<vmem_shared>>
    tpu.wait_dma2 semaphore(%arg29 : memref<!tpu.dma_semaphore, #tpu.memory_space<semaphore_mem>>) src(%arg19 : memref<80x16xf32, #tpu.memory_space<vmem>>) dst(%dma_wait3A_130 : memref<80x16xf32, #tpu.memory_space<vmem_shared>>)
    %dma_wait3A_131 = arith.constant 0 : i32
    %dma_wait3A_132 = tpu.memref_slice %arg20[%mul3A_4, %dma_wait3A_131] : memref<10240x128xf32, #tpu.memory_space<vmem_shared>> -> memref<80x128xf32, #tpu.memory_space<vmem_shared>>
    %dma_wait3A_133 = arith.constant 0 : i32
    %dma_wait3A_134 = tpu.memref_slice %arg20[%mul3A_4, %dma_wait3A_133] : memref<10240x128xf32, #tpu.memory_space<vmem_shared>> -> memref<80x128xf32, #tpu.memory_space<vmem_shared>>
    tpu.wait_dma2 semaphore(%arg28 : memref<!tpu.dma_semaphore, #tpu.memory_space<semaphore_mem>>) src(%arg15 : memref<80x128xf32, #tpu.memory_space<vmem>>) dst(%dma_wait3A_134 : memref<80x128xf32, #tpu.memory_space<vmem_shared>>)
    %dma_wait3A_135 = arith.constant 0 : i32
    %dma_wait3A_136 = tpu.memref_slice %arg21[%mul3A_4, %dma_wait3A_135] : memref<10240x16xf32, #tpu.memory_space<vmem_shared>> -> memref<80x16xf32, #tpu.memory_space<vmem_shared>>
    %dma_wait3A_137 = arith.constant 0 : i32
    %dma_wait3A_138 = tpu.memref_slice %arg21[%mul3A_4, %dma_wait3A_137] : memref<10240x16xf32, #tpu.memory_space<vmem_shared>> -> memref<80x16xf32, #tpu.memory_space<vmem_shared>>
    tpu.wait_dma2 semaphore(%arg29 : memref<!tpu.dma_semaphore, #tpu.memory_space<semaphore_mem>>) src(%arg19 : memref<80x16xf32, #tpu.memory_space<vmem>>) dst(%dma_wait3A_138 : memref<80x16xf32, #tpu.memory_space<vmem_shared>>)
    %dma_wait3A_139 = arith.constant 0 : i32
    %dma_wait3A_140 = tpu.memref_slice %arg20[%mul3A_4, %dma_wait3A_139] : memref<10240x128xf32, #tpu.memory_space<vmem_shared>> -> memref<80x128xf32, #tpu.memory_space<vmem_shared>>
    %dma_wait3A_141 = arith.constant 0 : i32
    %dma_wait3A_142 = tpu.memref_slice %arg20[%mul3A_4, %dma_wait3A_141] : memref<10240x128xf32, #tpu.memory_space<vmem_shared>> -> memref<80x128xf32, #tpu.memory_space<vmem_shared>>
    tpu.wait_dma2 semaphore(%arg28 : memref<!tpu.dma_semaphore, #tpu.memory_space<semaphore_mem>>) src(%arg15 : memref<80x128xf32, #tpu.memory_space<vmem>>) dst(%dma_wait3A_142 : memref<80x128xf32, #tpu.memory_space<vmem_shared>>)
    %dma_wait3A_143 = arith.constant 0 : i32
    %dma_wait3A_144 = tpu.memref_slice %arg21[%mul3A_4, %dma_wait3A_143] : memref<10240x16xf32, #tpu.memory_space<vmem_shared>> -> memref<80x16xf32, #tpu.memory_space<vmem_shared>>
    %dma_wait3A_145 = arith.constant 0 : i32
    %dma_wait3A_146 = tpu.memref_slice %arg21[%mul3A_4, %dma_wait3A_145] : memref<10240x16xf32, #tpu.memory_space<vmem_shared>> -> memref<80x16xf32, #tpu.memory_space<vmem_shared>>
    tpu.wait_dma2 semaphore(%arg29 : memref<!tpu.dma_semaphore, #tpu.memory_space<semaphore_mem>>) src(%arg19 : memref<80x16xf32, #tpu.memory_space<vmem>>) dst(%dma_wait3A_146 : memref<80x16xf32, #tpu.memory_space<vmem_shared>>)
    %dma_wait3A_147 = arith.constant 0 : i32
    %dma_wait3A_148 = tpu.memref_slice %arg20[%mul3A_4, %dma_wait3A_147] : memref<10240x128xf32, #tpu.memory_space<vmem_shared>> -> memref<80x128xf32, #tpu.memory_space<vmem_shared>>
    %dma_wait3A_149 = arith.constant 0 : i32
    %dma_wait3A_150 = tpu.memref_slice %arg20[%mul3A_4, %dma_wait3A_149] : memref<10240x128xf32, #tpu.memory_space<vmem_shared>> -> memref<80x128xf32, #tpu.memory_space<vmem_shared>>
    tpu.wait_dma2 semaphore(%arg28 : memref<!tpu.dma_semaphore, #tpu.memory_space<semaphore_mem>>) src(%arg15 : memref<80x128xf32, #tpu.memory_space<vmem>>) dst(%dma_wait3A_150 : memref<80x128xf32, #tpu.memory_space<vmem_shared>>)
    %dma_wait3A_151 = arith.constant 0 : i32
    %dma_wait3A_152 = tpu.memref_slice %arg21[%mul3A_4, %dma_wait3A_151] : memref<10240x16xf32, #tpu.memory_space<vmem_shared>> -> memref<80x16xf32, #tpu.memory_space<vmem_shared>>
    %dma_wait3A_153 = arith.constant 0 : i32
    %dma_wait3A_154 = tpu.memref_slice %arg21[%mul3A_4, %dma_wait3A_153] : memref<10240x16xf32, #tpu.memory_space<vmem_shared>> -> memref<80x16xf32, #tpu.memory_space<vmem_shared>>
    tpu.wait_dma2 semaphore(%arg29 : memref<!tpu.dma_semaphore, #tpu.memory_space<semaphore_mem>>) src(%arg19 : memref<80x16xf32, #tpu.memory_space<vmem>>) dst(%dma_wait3A_154 : memref<80x16xf32, #tpu.memory_space<vmem_shared>>)
    %dma_wait3A_155 = arith.constant 0 : i32
    %dma_wait3A_156 = tpu.memref_slice %arg20[%mul3A_4, %dma_wait3A_155] : memref<10240x128xf32, #tpu.memory_space<vmem_shared>> -> memref<80x128xf32, #tpu.memory_space<vmem_shared>>
    %dma_wait3A_157 = arith.constant 0 : i32
    %dma_wait3A_158 = tpu.memref_slice %arg20[%mul3A_4, %dma_wait3A_157] : memref<10240x128xf32, #tpu.memory_space<vmem_shared>> -> memref<80x128xf32, #tpu.memory_space<vmem_shared>>
    tpu.wait_dma2 semaphore(%arg28 : memref<!tpu.dma_semaphore, #tpu.memory_space<semaphore_mem>>) src(%arg15 : memref<80x128xf32, #tpu.memory_space<vmem>>) dst(%dma_wait3A_158 : memref<80x128xf32, #tpu.memory_space<vmem_shared>>)
    %dma_wait3A_159 = arith.constant 0 : i32
    %dma_wait3A_160 = tpu.memref_slice %arg21[%mul3A_4, %dma_wait3A_159] : memref<10240x16xf32, #tpu.memory_space<vmem_shared>> -> memref<80x16xf32, #tpu.memory_space<vmem_shared>>
    %dma_wait3A_161 = arith.constant 0 : i32
    %dma_wait3A_162 = tpu.memref_slice %arg21[%mul3A_4, %dma_wait3A_161] : memref<10240x16xf32, #tpu.memory_space<vmem_shared>> -> memref<80x16xf32, #tpu.memory_space<vmem_shared>>
    tpu.wait_dma2 semaphore(%arg29 : memref<!tpu.dma_semaphore, #tpu.memory_space<semaphore_mem>>) src(%arg19 : memref<80x16xf32, #tpu.memory_space<vmem>>) dst(%dma_wait3A_162 : memref<80x16xf32, #tpu.memory_space<vmem_shared>>)
    %barrier3A = arith.constant 0 : index
    tpu.barrier barrier_id(%barrier3A)
    %add3A_163 = arith.constant 0 : i32
    %add3A_164 = arith.addi %mul3A_2, %add3A_163 : i32
    %dma_start3A_165 = arith.constant 0 : i32
    %dma_start3A_166 = tpu.memref_slice %arg2[%dma_start3A_165, %add3A_164] : memref<2x320000xi32, #tpu.memory_space<hbm>> -> memref<2x80xi32, #tpu.memory_space<hbm>>
    %dma_start3A_167 = arith.constant 0 : i32
    %dma_start3A_168 = tpu.memref_slice %arg2[%dma_start3A_167, %add3A_164] : memref<2x320000xi32, #tpu.memory_space<hbm>> -> memref<2x80xi32, #tpu.memory_space<hbm>>
    tpu.enqueue_dma source(%dma_start3A_168 : memref<2x80xi32, #tpu.memory_space<hbm>>) target(%arg9 : memref<2x80xi32, #tpu.memory_space<vmem>>) target_semaphore(%arg22 : memref<!tpu.dma_semaphore, #tpu.memory_space<semaphore_mem>>)
    %add3A_169 = arith.constant 80 : i32
    %add3A_170 = arith.addi %mul3A_2, %add3A_169 : i32
    %dma_start3A_171 = arith.constant 0 : i32
    %dma_start3A_172 = tpu.memref_slice %arg2[%dma_start3A_171, %add3A_170] : memref<2x320000xi32, #tpu.memory_space<hbm>> -> memref<2x80xi32, #tpu.memory_space<hbm>>
    %dma_start3A_173 = arith.constant 0 : i32
    %dma_start3A_174 = tpu.memref_slice %arg2[%dma_start3A_173, %add3A_170] : memref<2x320000xi32, #tpu.memory_space<hbm>> -> memref<2x80xi32, #tpu.memory_space<hbm>>
    tpu.enqueue_dma source(%dma_start3A_174 : memref<2x80xi32, #tpu.memory_space<hbm>>) target(%arg10 : memref<2x80xi32, #tpu.memory_space<vmem>>) target_semaphore(%arg23 : memref<!tpu.dma_semaphore, #tpu.memory_space<semaphore_mem>>)
    %add3A_175 = arith.constant 160 : i32
    %add3A_176 = arith.addi %mul3A_2, %add3A_175 : i32
    %dma_start3A_177 = arith.constant 0 : i32
    %dma_start3A_178 = tpu.memref_slice %arg2[%dma_start3A_177, %add3A_176] : memref<2x320000xi32, #tpu.memory_space<hbm>> -> memref<2x80xi32, #tpu.memory_space<hbm>>
    %dma_start3A_179 = arith.constant 0 : i32
    %dma_start3A_180 = tpu.memref_slice %arg2[%dma_start3A_179, %add3A_176] : memref<2x320000xi32, #tpu.memory_space<hbm>> -> memref<2x80xi32, #tpu.memory_space<hbm>>
    tpu.enqueue_dma source(%dma_start3A_180 : memref<2x80xi32, #tpu.memory_space<hbm>>) target(%arg11 : memref<2x80xi32, #tpu.memory_space<vmem>>) target_semaphore(%arg24 : memref<!tpu.dma_semaphore, #tpu.memory_space<semaphore_mem>>)
    %dma_wait3A_181 = arith.constant 0 : i32
    %dma_wait3A_182 = arith.constant 0 : i32
    %dma_wait3A_183 = tpu.memref_slice %arg2[%dma_wait3A_181, %dma_wait3A_182] : memref<2x320000xi32, #tpu.memory_space<hbm>> -> memref<2x80xi32, #tpu.memory_space<hbm>>
    %dma_wait3A_184 = arith.constant 0 : i32
    %dma_wait3A_185 = arith.constant 0 : i32
    %dma_wait3A_186 = tpu.memref_slice %arg2[%dma_wait3A_184, %dma_wait3A_185] : memref<2x320000xi32, #tpu.memory_space<hbm>> -> memref<2x80xi32, #tpu.memory_space<hbm>>
    tpu.wait_dma2 semaphore(%arg22 : memref<!tpu.dma_semaphore, #tpu.memory_space<semaphore_mem>>) src(%dma_wait3A_186 : memref<2x80xi32, #tpu.memory_space<hbm>>) dst(%arg9 : memref<2x80xi32, #tpu.memory_space<vmem>>)
    %dma_start3A_187 = arith.constant 0 : i32
    %dma_start3A_188 = arith.constant 0 : i32
    %dma_start3A_189 = tpu.memref_slice %arg9[%dma_start3A_187, %dma_start3A_188] : memref<2x80xi32, #tpu.memory_space<vmem>> -> memref<1x80xi32, #tpu.memory_space<vmem>>
    %dma_start3A_190 = tpu.memref_squeeze %dma_start3A_189 : memref<1x80xi32, #tpu.memory_space<vmem>> -> memref<80xi32, #tpu.memory_space<vmem>>
    %dma_start3A_191 = arith.constant 0 : i32
    %dma_start3A_192 = arith.constant 0 : i32
    %dma_start3A_193 = tpu.memref_slice %arg3[%dma_start3A_191, %dma_start3A_192] : memref<10000x128xf32, #tpu.memory_space<hbm>> -> memref<10000x128xf32, #tpu.memory_space<hbm>>
    tpu.enqueue_indirect_dma source(%dma_start3A_193 : memref<10000x128xf32, #tpu.memory_space<hbm>>) target(%arg15 : memref<80x128xf32, #tpu.memory_space<vmem>>) offsets(%dma_start3A_190 : memref<80xi32, #tpu.memory_space<vmem>>) semaphore(%arg28 : memref<!tpu.dma_semaphore, #tpu.memory_space<semaphore_mem>>)
    %add3A_194 = arith.constant 240 : i32
    %add3A_195 = arith.addi %mul3A_2, %add3A_194 : i32
    %dma_start3A_196 = arith.constant 0 : i32
    %dma_start3A_197 = tpu.memref_slice %arg2[%dma_start3A_196, %add3A_195] : memref<2x320000xi32, #tpu.memory_space<hbm>> -> memref<2x80xi32, #tpu.memory_space<hbm>>
    %dma_start3A_198 = arith.constant 0 : i32
    %dma_start3A_199 = tpu.memref_slice %arg2[%dma_start3A_198, %add3A_195] : memref<2x320000xi32, #tpu.memory_space<hbm>> -> memref<2x80xi32, #tpu.memory_space<hbm>>
    tpu.enqueue_dma source(%dma_start3A_199 : memref<2x80xi32, #tpu.memory_space<hbm>>) target(%arg12 : memref<2x80xi32, #tpu.memory_space<vmem>>) target_semaphore(%arg25 : memref<!tpu.dma_semaphore, #tpu.memory_space<semaphore_mem>>)
    %dma_wait3A_200 = arith.constant 0 : i32
    %dma_wait3A_201 = arith.constant 0 : i32
    %dma_wait3A_202 = tpu.memref_slice %arg2[%dma_wait3A_200, %dma_wait3A_201] : memref<2x320000xi32, #tpu.memory_space<hbm>> -> memref<2x80xi32, #tpu.memory_space<hbm>>
    %dma_wait3A_203 = arith.constant 0 : i32
    %dma_wait3A_204 = arith.constant 0 : i32
    %dma_wait3A_205 = tpu.memref_slice %arg2[%dma_wait3A_203, %dma_wait3A_204] : memref<2x320000xi32, #tpu.memory_space<hbm>> -> memref<2x80xi32, #tpu.memory_space<hbm>>
    tpu.wait_dma2 semaphore(%arg23 : memref<!tpu.dma_semaphore, #tpu.memory_space<semaphore_mem>>) src(%dma_wait3A_205 : memref<2x80xi32, #tpu.memory_space<hbm>>) dst(%arg10 : memref<2x80xi32, #tpu.memory_space<vmem>>)
    %dma_start3A_206 = arith.constant 0 : i32
    %dma_start3A_207 = arith.constant 0 : i32
    %dma_start3A_208 = tpu.memref_slice %arg10[%dma_start3A_206, %dma_start3A_207] : memref<2x80xi32, #tpu.memory_space<vmem>> -> memref<1x80xi32, #tpu.memory_space<vmem>>
    %dma_start3A_209 = tpu.memref_squeeze %dma_start3A_208 : memref<1x80xi32, #tpu.memory_space<vmem>> -> memref<80xi32, #tpu.memory_space<vmem>>
    %dma_start3A_210 = arith.constant 0 : i32
    %dma_start3A_211 = arith.constant 0 : i32
    %dma_start3A_212 = tpu.memref_slice %arg3[%dma_start3A_210, %dma_start3A_211] : memref<10000x128xf32, #tpu.memory_space<hbm>> -> memref<10000x128xf32, #tpu.memory_space<hbm>>
    tpu.enqueue_indirect_dma source(%dma_start3A_212 : memref<10000x128xf32, #tpu.memory_space<hbm>>) target(%arg16 : memref<80x128xf32, #tpu.memory_space<vmem>>) offsets(%dma_start3A_209 : memref<80xi32, #tpu.memory_space<vmem>>) semaphore(%arg29 : memref<!tpu.dma_semaphore, #tpu.memory_space<semaphore_mem>>)
    %dma_wait3A_213 = arith.constant 0 : i32
    %dma_wait3A_214 = arith.constant 0 : i32
    %dma_wait3A_215 = tpu.memref_slice %arg9[%dma_wait3A_213, %dma_wait3A_214] : memref<2x80xi32, #tpu.memory_space<vmem>> -> memref<1x80xi32, #tpu.memory_space<vmem>>
    %dma_wait3A_216 = tpu.memref_squeeze %dma_wait3A_215 : memref<1x80xi32, #tpu.memory_space<vmem>> -> memref<80xi32, #tpu.memory_space<vmem>>
    %dma_wait3A_217 = arith.constant 0 : i32
    %dma_wait3A_218 = arith.constant 0 : i32
    %dma_wait3A_219 = tpu.memref_slice %arg3[%dma_wait3A_217, %dma_wait3A_218] : memref<10000x128xf32, #tpu.memory_space<hbm>> -> memref<10000x128xf32, #tpu.memory_space<hbm>>
    tpu.wait_indirect_dma semaphore(%arg28 : memref<!tpu.dma_semaphore, #tpu.memory_space<semaphore_mem>>) src(%dma_wait3A_219 : memref<10000x128xf32, #tpu.memory_space<hbm>>) dst(%arg15 : memref<80x128xf32, #tpu.memory_space<vmem>>)
    %dma_start3A_220 = arith.constant 1 : i32
    %dma_start3A_221 = arith.constant 0 : i32
    %dma_start3A_222 = tpu.memref_slice %arg9[%dma_start3A_220, %dma_start3A_221] : memref<2x80xi32, #tpu.memory_space<vmem>> -> memref<1x80xi32, #tpu.memory_space<vmem>>
    %dma_start3A_223 = tpu.memref_squeeze %dma_start3A_222 : memref<1x80xi32, #tpu.memory_space<vmem>> -> memref<80xi32, #tpu.memory_space<vmem>>
    %dma_start3A_224 = arith.constant 0 : i32
    %dma_start3A_225 = arith.constant 0 : i32
    %dma_start3A_226 = tpu.memref_slice %arg20[%dma_start3A_224, %dma_start3A_225] : memref<10240x128xf32, #tpu.memory_space<vmem_shared>> -> memref<10240x128xf32, #tpu.memory_space<vmem_shared>>
    tpu.enqueue_indirect_dma source(%arg15 : memref<80x128xf32, #tpu.memory_space<vmem>>) target(%dma_start3A_226 : memref<10240x128xf32, #tpu.memory_space<vmem_shared>>) offsets(%dma_start3A_223 : memref<80xi32, #tpu.memory_space<vmem>>) semaphore(%arg31 : memref<!tpu.dma_semaphore, #tpu.memory_space<semaphore_mem>>) {add = true}
    %dma_start3A_227 = arith.constant 1 : i32
    %dma_start3A_228 = arith.constant 0 : i32
    %dma_start3A_229 = tpu.memref_slice %arg9[%dma_start3A_227, %dma_start3A_228] : memref<2x80xi32, #tpu.memory_space<vmem>> -> memref<1x80xi32, #tpu.memory_space<vmem>>
    %dma_start3A_230 = tpu.memref_squeeze %dma_start3A_229 : memref<1x80xi32, #tpu.memory_space<vmem>> -> memref<80xi32, #tpu.memory_space<vmem>>
    %dma_start3A_231 = arith.constant 0 : i32
    %dma_start3A_232 = arith.constant 0 : i32
    %dma_start3A_233 = tpu.memref_slice %arg21[%dma_start3A_231, %dma_start3A_232] : memref<10240x16xf32, #tpu.memory_space<vmem_shared>> -> memref<10240x16xf32, #tpu.memory_space<vmem_shared>>
    tpu.enqueue_indirect_dma source(%arg18 : memref<80x16xf32, #tpu.memory_space<vmem>>) target(%dma_start3A_233 : memref<10240x16xf32, #tpu.memory_space<vmem_shared>>) offsets(%dma_start3A_230 : memref<80xi32, #tpu.memory_space<vmem>>) semaphore(%arg31 : memref<!tpu.dma_semaphore, #tpu.memory_space<semaphore_mem>>) {add = true}
    %add3A_234 = arith.constant 320 : i32
    %add3A_235 = arith.addi %mul3A_2, %add3A_234 : i32
    %dma_start3A_236 = arith.constant 0 : i32
    %dma_start3A_237 = tpu.memref_slice %arg2[%dma_start3A_236, %add3A_235] : memref<2x320000xi32, #tpu.memory_space<hbm>> -> memref<2x80xi32, #tpu.memory_space<hbm>>
    %dma_start3A_238 = arith.constant 0 : i32
    %dma_start3A_239 = tpu.memref_slice %arg2[%dma_start3A_238, %add3A_235] : memref<2x320000xi32, #tpu.memory_space<hbm>> -> memref<2x80xi32, #tpu.memory_space<hbm>>
    tpu.enqueue_dma source(%dma_start3A_239 : memref<2x80xi32, #tpu.memory_space<hbm>>) target(%arg13 : memref<2x80xi32, #tpu.memory_space<vmem>>) target_semaphore(%arg26 : memref<!tpu.dma_semaphore, #tpu.memory_space<semaphore_mem>>)
    %dma_wait3A_240 = arith.constant 0 : i32
    %dma_wait3A_241 = arith.constant 0 : i32
    %dma_wait3A_242 = tpu.memref_slice %arg2[%dma_wait3A_240, %dma_wait3A_241] : memref<2x320000xi32, #tpu.memory_space<hbm>> -> memref<2x80xi32, #tpu.memory_space<hbm>>
    %dma_wait3A_243 = arith.constant 0 : i32
    %dma_wait3A_244 = arith.constant 0 : i32
    %dma_wait3A_245 = tpu.memref_slice %arg2[%dma_wait3A_243, %dma_wait3A_244] : memref<2x320000xi32, #tpu.memory_space<hbm>> -> memref<2x80xi32, #tpu.memory_space<hbm>>
    tpu.wait_dma2 semaphore(%arg24 : memref<!tpu.dma_semaphore, #tpu.memory_space<semaphore_mem>>) src(%dma_wait3A_245 : memref<2x80xi32, #tpu.memory_space<hbm>>) dst(%arg11 : memref<2x80xi32, #tpu.memory_space<vmem>>)
    %dma_start3A_246 = arith.constant 0 : i32
    %dma_start3A_247 = arith.constant 0 : i32
    %dma_start3A_248 = tpu.memref_slice %arg11[%dma_start3A_246, %dma_start3A_247] : memref<2x80xi32, #tpu.memory_space<vmem>> -> memref<1x80xi32, #tpu.memory_space<vmem>>
    %dma_start3A_249 = tpu.memref_squeeze %dma_start3A_248 : memref<1x80xi32, #tpu.memory_space<vmem>> -> memref<80xi32, #tpu.memory_space<vmem>>
    %dma_start3A_250 = arith.constant 0 : i32
    %dma_start3A_251 = arith.constant 0 : i32
    %dma_start3A_252 = tpu.memref_slice %arg3[%dma_start3A_250, %dma_start3A_251] : memref<10000x128xf32, #tpu.memory_space<hbm>> -> memref<10000x128xf32, #tpu.memory_space<hbm>>
    tpu.enqueue_indirect_dma source(%dma_start3A_252 : memref<10000x128xf32, #tpu.memory_space<hbm>>) target(%arg17 : memref<80x128xf32, #tpu.memory_space<vmem>>) offsets(%dma_start3A_249 : memref<80xi32, #tpu.memory_space<vmem>>) semaphore(%arg30 : memref<!tpu.dma_semaphore, #tpu.memory_space<semaphore_mem>>)
    %dma_wait3A_253 = arith.constant 0 : i32
    %dma_wait3A_254 = arith.constant 0 : i32
    %dma_wait3A_255 = tpu.memref_slice %arg10[%dma_wait3A_253, %dma_wait3A_254] : memref<2x80xi32, #tpu.memory_space<vmem>> -> memref<1x80xi32, #tpu.memory_space<vmem>>
    %dma_wait3A_256 = tpu.memref_squeeze %dma_wait3A_255 : memref<1x80xi32, #tpu.memory_space<vmem>> -> memref<80xi32, #tpu.memory_space<vmem>>
    %dma_wait3A_257 = arith.constant 0 : i32
    %dma_wait3A_258 = arith.constant 0 : i32
    %dma_wait3A_259 = tpu.memref_slice %arg3[%dma_wait3A_257, %dma_wait3A_258] : memref<10000x128xf32, #tpu.memory_space<hbm>> -> memref<10000x128xf32, #tpu.memory_space<hbm>>
    tpu.wait_indirect_dma semaphore(%arg29 : memref<!tpu.dma_semaphore, #tpu.memory_space<semaphore_mem>>) src(%dma_wait3A_259 : memref<10000x128xf32, #tpu.memory_space<hbm>>) dst(%arg16 : memref<80x128xf32, #tpu.memory_space<vmem>>)
    %dma_start3A_260 = arith.constant 1 : i32
    %dma_start3A_261 = arith.constant 0 : i32
    %dma_start3A_262 = tpu.memref_slice %arg10[%dma_start3A_260, %dma_start3A_261] : memref<2x80xi32, #tpu.memory_space<vmem>> -> memref<1x80xi32, #tpu.memory_space<vmem>>
    %dma_start3A_263 = tpu.memref_squeeze %dma_start3A_262 : memref<1x80xi32, #tpu.memory_space<vmem>> -> memref<80xi32, #tpu.memory_space<vmem>>
    %dma_start3A_264 = arith.constant 0 : i32
    %dma_start3A_265 = arith.constant 0 : i32
    %dma_start3A_266 = tpu.memref_slice %arg20[%dma_start3A_264, %dma_start3A_265] : memref<10240x128xf32, #tpu.memory_space<vmem_shared>> -> memref<10240x128xf32, #tpu.memory_space<vmem_shared>>
    tpu.enqueue_indirect_dma source(%arg16 : memref<80x128xf32, #tpu.memory_space<vmem>>) target(%dma_start3A_266 : memref<10240x128xf32, #tpu.memory_space<vmem_shared>>) offsets(%dma_start3A_263 : memref<80xi32, #tpu.memory_space<vmem>>) semaphore(%arg32 : memref<!tpu.dma_semaphore, #tpu.memory_space<semaphore_mem>>) {add = true}
    %dma_start3A_267 = arith.constant 1 : i32
    %dma_start3A_268 = arith.constant 0 : i32
    %dma_start3A_269 = tpu.memref_slice %arg10[%dma_start3A_267, %dma_start3A_268] : memref<2x80xi32, #tpu.memory_space<vmem>> -> memref<1x80xi32, #tpu.memory_space<vmem>>
    %dma_start3A_270 = tpu.memref_squeeze %dma_start3A_269 : memref<1x80xi32, #tpu.memory_space<vmem>> -> memref<80xi32, #tpu.memory_space<vmem>>
    %dma_start3A_271 = arith.constant 0 : i32
    %dma_start3A_272 = arith.constant 0 : i32
    %dma_start3A_273 = tpu.memref_slice %arg21[%dma_start3A_271, %dma_start3A_272] : memref<10240x16xf32, #tpu.memory_space<vmem_shared>> -> memref<10240x16xf32, #tpu.memory_space<vmem_shared>>
    tpu.enqueue_indirect_dma source(%arg18 : memref<80x16xf32, #tpu.memory_space<vmem>>) target(%dma_start3A_273 : memref<10240x16xf32, #tpu.memory_space<vmem_shared>>) offsets(%dma_start3A_270 : memref<80xi32, #tpu.memory_space<vmem>>) semaphore(%arg32 : memref<!tpu.dma_semaphore, #tpu.memory_space<semaphore_mem>>) {add = true}
    %add3A_274 = arith.constant 400 : i32
    %add3A_275 = arith.addi %mul3A_2, %add3A_274 : i32
    %dma_start3A_276 = arith.constant 0 : i32
    %dma_start3A_277 = tpu.memref_slice %arg2[%dma_start3A_276, %add3A_275] : memref<2x320000xi32, #tpu.memory_space<hbm>> -> memref<2x80xi32, #tpu.memory_space<hbm>>
    %dma_start3A_278 = arith.constant 0 : i32
    %dma_start3A_279 = tpu.memref_slice %arg2[%dma_start3A_278, %add3A_275] : memref<2x320000xi32, #tpu.memory_space<hbm>> -> memref<2x80xi32, #tpu.memory_space<hbm>>
    tpu.enqueue_dma source(%dma_start3A_279 : memref<2x80xi32, #tpu.memory_space<hbm>>) target(%arg14 : memref<2x80xi32, #tpu.memory_space<vmem>>) target_semaphore(%arg27 : memref<!tpu.dma_semaphore, #tpu.memory_space<semaphore_mem>>)
    %scan3A = arith.constant 0 : i32
    %scan3A_280 = arith.constant 19 : i32
    %scan3A_281 = arith.addi %scan3A, %scan3A_280 : i32
    %scan3A_282 = arith.constant 1 : i32
    scf.for %scan3A_782 = %scan3A to %scan3A_281 step %scan3A_282  : i32 {
      %mul3A_783 = arith.constant 1 : i32
      %mul3A_784 = arith.muli %scan3A_782, %mul3A_783 : i32
      %add3A_785 = arith.constant 0 : i32
      %add3A_786 = arith.addi %add3A_785, %mul3A_784 : i32
      %mul3A_787 = arith.constant 6 : i32
      %mul3A_788 = arith.muli %mul3A_787, %add3A_786 : i32
      %add3A_789 = arith.constant 3 : i32
      %add3A_790 = arith.addi %add3A_789, %mul3A_788 : i32
      %add3A_791 = arith.constant 0 : i32
      %add3A_792 = arith.addi %add3A_790, %add3A_791 : i32
      %dma_wait3A_793 = arith.constant 1 : i32
      %dma_wait3A_794 = arith.constant 0 : i32
      %dma_wait3A_795 = tpu.memref_slice %arg9[%dma_wait3A_793, %dma_wait3A_794] : memref<2x80xi32, #tpu.memory_space<vmem>> -> memref<1x80xi32, #tpu.memory_space<vmem>>
      %dma_wait3A_796 = tpu.memref_squeeze %dma_wait3A_795 : memref<1x80xi32, #tpu.memory_space<vmem>> -> memref<80xi32, #tpu.memory_space<vmem>>
      %dma_wait3A_797 = arith.constant 0 : i32
      %dma_wait3A_798 = arith.constant 0 : i32
      %dma_wait3A_799 = tpu.memref_slice %arg20[%dma_wait3A_797, %dma_wait3A_798] : memref<10240x128xf32, #tpu.memory_space<vmem_shared>> -> memref<10240x128xf32, #tpu.memory_space<vmem_shared>>
      tpu.wait_indirect_dma semaphore(%arg31 : memref<!tpu.dma_semaphore, #tpu.memory_space<semaphore_mem>>) src(%arg15 : memref<80x128xf32, #tpu.memory_space<vmem>>) dst(%dma_wait3A_799 : memref<10240x128xf32, #tpu.memory_space<vmem_shared>>)
      %dma_wait3A_800 = arith.constant 1 : i32
      %dma_wait3A_801 = arith.constant 0 : i32
      %dma_wait3A_802 = tpu.memref_slice %arg9[%dma_wait3A_800, %dma_wait3A_801] : memref<2x80xi32, #tpu.memory_space<vmem>> -> memref<1x80xi32, #tpu.memory_space<vmem>>
      %dma_wait3A_803 = tpu.memref_squeeze %dma_wait3A_802 : memref<1x80xi32, #tpu.memory_space<vmem>> -> memref<80xi32, #tpu.memory_space<vmem>>
      %dma_wait3A_804 = arith.constant 0 : i32
      %dma_wait3A_805 = arith.constant 0 : i32
      %dma_wait3A_806 = tpu.memref_slice %arg21[%dma_wait3A_804, %dma_wait3A_805] : memref<10240x16xf32, #tpu.memory_space<vmem_shared>> -> memref<10240x16xf32, #tpu.memory_space<vmem_shared>>
      tpu.wait_indirect_dma semaphore(%arg31 : memref<!tpu.dma_semaphore, #tpu.memory_space<semaphore_mem>>) src(%arg18 : memref<80x16xf32, #tpu.memory_space<vmem>>) dst(%dma_wait3A_806 : memref<10240x16xf32, #tpu.memory_space<vmem_shared>>)
      %dma_wait3A_807 = arith.constant 0 : i32
      %dma_wait3A_808 = arith.constant 0 : i32
      %dma_wait3A_809 = tpu.memref_slice %arg2[%dma_wait3A_807, %dma_wait3A_808] : memref<2x320000xi32, #tpu.memory_space<hbm>> -> memref<2x80xi32, #tpu.memory_space<hbm>>
      %dma_wait3A_810 = arith.constant 0 : i32
      %dma_wait3A_811 = arith.constant 0 : i32
      %dma_wait3A_812 = tpu.memref_slice %arg2[%dma_wait3A_810, %dma_wait3A_811] : memref<2x320000xi32, #tpu.memory_space<hbm>> -> memref<2x80xi32, #tpu.memory_space<hbm>>
      tpu.wait_dma2 semaphore(%arg25 : memref<!tpu.dma_semaphore, #tpu.memory_space<semaphore_mem>>) src(%dma_wait3A_812 : memref<2x80xi32, #tpu.memory_space<hbm>>) dst(%arg12 : memref<2x80xi32, #tpu.memory_space<vmem>>)
      %dma_start3A_813 = arith.constant 0 : i32
      %dma_start3A_814 = arith.constant 0 : i32
      %dma_start3A_815 = tpu.memref_slice %arg12[%dma_start3A_813, %dma_start3A_814] : memref<2x80xi32, #tpu.memory_space<vmem>> -> memref<1x80xi32, #tpu.memory_space<vmem>>
      %dma_start3A_816 = tpu.memref_squeeze %dma_start3A_815 : memref<1x80xi32, #tpu.memory_space<vmem>> -> memref<80xi32, #tpu.memory_space<vmem>>
      %dma_start3A_817 = arith.constant 0 : i32
      %dma_start3A_818 = arith.constant 0 : i32
      %dma_start3A_819 = tpu.memref_slice %arg3[%dma_start3A_817, %dma_start3A_818] : memref<10000x128xf32, #tpu.memory_space<hbm>> -> memref<10000x128xf32, #tpu.memory_space<hbm>>
      tpu.enqueue_indirect_dma source(%dma_start3A_819 : memref<10000x128xf32, #tpu.memory_space<hbm>>) target(%arg15 : memref<80x128xf32, #tpu.memory_space<vmem>>) offsets(%dma_start3A_816 : memref<80xi32, #tpu.memory_space<vmem>>) semaphore(%arg28 : memref<!tpu.dma_semaphore, #tpu.memory_space<semaphore_mem>>)
      %dma_wait3A_820 = arith.constant 0 : i32
      %dma_wait3A_821 = arith.constant 0 : i32
      %dma_wait3A_822 = tpu.memref_slice %arg11[%dma_wait3A_820, %dma_wait3A_821] : memref<2x80xi32, #tpu.memory_space<vmem>> -> memref<1x80xi32, #tpu.memory_space<vmem>>
      %dma_wait3A_823 = tpu.memref_squeeze %dma_wait3A_822 : memref<1x80xi32, #tpu.memory_space<vmem>> -> memref<80xi32, #tpu.memory_space<vmem>>
      %dma_wait3A_824 = arith.constant 0 : i32
      %dma_wait3A_825 = arith.constant 0 : i32
      %dma_wait3A_826 = tpu.memref_slice %arg3[%dma_wait3A_824, %dma_wait3A_825] : memref<10000x128xf32, #tpu.memory_space<hbm>> -> memref<10000x128xf32, #tpu.memory_space<hbm>>
      tpu.wait_indirect_dma semaphore(%arg30 : memref<!tpu.dma_semaphore, #tpu.memory_space<semaphore_mem>>) src(%dma_wait3A_826 : memref<10000x128xf32, #tpu.memory_space<hbm>>) dst(%arg17 : memref<80x128xf32, #tpu.memory_space<vmem>>)
      %dma_start3A_827 = arith.constant 1 : i32
      %dma_start3A_828 = arith.constant 0 : i32
      %dma_start3A_829 = tpu.memref_slice %arg11[%dma_start3A_827, %dma_start3A_828] : memref<2x80xi32, #tpu.memory_space<vmem>> -> memref<1x80xi32, #tpu.memory_space<vmem>>
      %dma_start3A_830 = tpu.memref_squeeze %dma_start3A_829 : memref<1x80xi32, #tpu.memory_space<vmem>> -> memref<80xi32, #tpu.memory_space<vmem>>
      %dma_start3A_831 = arith.constant 0 : i32
      %dma_start3A_832 = arith.constant 0 : i32
      %dma_start3A_833 = tpu.memref_slice %arg20[%dma_start3A_831, %dma_start3A_832] : memref<10240x128xf32, #tpu.memory_space<vmem_shared>> -> memref<10240x128xf32, #tpu.memory_space<vmem_shared>>
      tpu.enqueue_indirect_dma source(%arg17 : memref<80x128xf32, #tpu.memory_space<vmem>>) target(%dma_start3A_833 : memref<10240x128xf32, #tpu.memory_space<vmem_shared>>) offsets(%dma_start3A_830 : memref<80xi32, #tpu.memory_space<vmem>>) semaphore(%arg33 : memref<!tpu.dma_semaphore, #tpu.memory_space<semaphore_mem>>) {add = true}
      %dma_start3A_834 = arith.constant 1 : i32
      %dma_start3A_835 = arith.constant 0 : i32
      %dma_start3A_836 = tpu.memref_slice %arg11[%dma_start3A_834, %dma_start3A_835] : memref<2x80xi32, #tpu.memory_space<vmem>> -> memref<1x80xi32, #tpu.memory_space<vmem>>
      %dma_start3A_837 = tpu.memref_squeeze %dma_start3A_836 : memref<1x80xi32, #tpu.memory_space<vmem>> -> memref<80xi32, #tpu.memory_space<vmem>>
      %dma_start3A_838 = arith.constant 0 : i32
      %dma_start3A_839 = arith.constant 0 : i32
      %dma_start3A_840 = tpu.memref_slice %arg21[%dma_start3A_838, %dma_start3A_839] : memref<10240x16xf32, #tpu.memory_space<vmem_shared>> -> memref<10240x16xf32, #tpu.memory_space<vmem_shared>>
      tpu.enqueue_indirect_dma source(%arg18 : memref<80x16xf32, #tpu.memory_space<vmem>>) target(%dma_start3A_840 : memref<10240x16xf32, #tpu.memory_space<vmem_shared>>) offsets(%dma_start3A_837 : memref<80xi32, #tpu.memory_space<vmem>>) semaphore(%arg33 : memref<!tpu.dma_semaphore, #tpu.memory_space<semaphore_mem>>) {add = true}
      %add3A_841 = arith.constant 3 : i32
      %add3A_842 = arith.addi %add3A_792, %add3A_841 : i32
      %mul3A_843 = arith.constant 80 : i32
      %mul3A_844 = arith.muli %add3A_842, %mul3A_843 : i32
      %add3A_845 = arith.addi %mul3A_2, %mul3A_844 : i32
      %dma_start3A_846 = arith.constant 0 : i32
      %dma_start3A_847 = tpu.memref_slice %arg2[%dma_start3A_846, %add3A_845] : memref<2x320000xi32, #tpu.memory_space<hbm>> -> memref<2x80xi32, #tpu.memory_space<hbm>>
      %dma_start3A_848 = arith.constant 0 : i32
      %dma_start3A_849 = tpu.memref_slice %arg2[%dma_start3A_848, %add3A_845] : memref<2x320000xi32, #tpu.memory_space<hbm>> -> memref<2x80xi32, #tpu.memory_space<hbm>>
      tpu.enqueue_dma source(%dma_start3A_849 : memref<2x80xi32, #tpu.memory_space<hbm>>) target(%arg9 : memref<2x80xi32, #tpu.memory_space<vmem>>) target_semaphore(%arg22 : memref<!tpu.dma_semaphore, #tpu.memory_space<semaphore_mem>>)
      %add3A_850 = arith.constant 1 : i32
      %add3A_851 = arith.addi %add3A_790, %add3A_850 : i32
      %dma_wait3A_852 = arith.constant 1 : i32
      %dma_wait3A_853 = arith.constant 0 : i32
      %dma_wait3A_854 = tpu.memref_slice %arg10[%dma_wait3A_852, %dma_wait3A_853] : memref<2x80xi32, #tpu.memory_space<vmem>> -> memref<1x80xi32, #tpu.memory_space<vmem>>
      %dma_wait3A_855 = tpu.memref_squeeze %dma_wait3A_854 : memref<1x80xi32, #tpu.memory_space<vmem>> -> memref<80xi32, #tpu.memory_space<vmem>>
      %dma_wait3A_856 = arith.constant 0 : i32
      %dma_wait3A_857 = arith.constant 0 : i32
      %dma_wait3A_858 = tpu.memref_slice %arg20[%dma_wait3A_856, %dma_wait3A_857] : memref<10240x128xf32, #tpu.memory_space<vmem_shared>> -> memref<10240x128xf32, #tpu.memory_space<vmem_shared>>
      tpu.wait_indirect_dma semaphore(%arg32 : memref<!tpu.dma_semaphore, #tpu.memory_space<semaphore_mem>>) src(%arg16 : memref<80x128xf32, #tpu.memory_space<vmem>>) dst(%dma_wait3A_858 : memref<10240x128xf32, #tpu.memory_space<vmem_shared>>)
      %dma_wait3A_859 = arith.constant 1 : i32
      %dma_wait3A_860 = arith.constant 0 : i32
      %dma_wait3A_861 = tpu.memref_slice %arg10[%dma_wait3A_859, %dma_wait3A_860] : memref<2x80xi32, #tpu.memory_space<vmem>> -> memref<1x80xi32, #tpu.memory_space<vmem>>
      %dma_wait3A_862 = tpu.memref_squeeze %dma_wait3A_861 : memref<1x80xi32, #tpu.memory_space<vmem>> -> memref<80xi32, #tpu.memory_space<vmem>>
      %dma_wait3A_863 = arith.constant 0 : i32
      %dma_wait3A_864 = arith.constant 0 : i32
      %dma_wait3A_865 = tpu.memref_slice %arg21[%dma_wait3A_863, %dma_wait3A_864] : memref<10240x16xf32, #tpu.memory_space<vmem_shared>> -> memref<10240x16xf32, #tpu.memory_space<vmem_shared>>
      tpu.wait_indirect_dma semaphore(%arg32 : memref<!tpu.dma_semaphore, #tpu.memory_space<semaphore_mem>>) src(%arg18 : memref<80x16xf32, #tpu.memory_space<vmem>>) dst(%dma_wait3A_865 : memref<10240x16xf32, #tpu.memory_space<vmem_shared>>)
      %dma_wait3A_866 = arith.constant 0 : i32
      %dma_wait3A_867 = arith.constant 0 : i32
      %dma_wait3A_868 = tpu.memref_slice %arg2[%dma_wait3A_866, %dma_wait3A_867] : memref<2x320000xi32, #tpu.memory_space<hbm>> -> memref<2x80xi32, #tpu.memory_space<hbm>>
      %dma_wait3A_869 = arith.constant 0 : i32
      %dma_wait3A_870 = arith.constant 0 : i32
      %dma_wait3A_871 = tpu.memref_slice %arg2[%dma_wait3A_869, %dma_wait3A_870] : memref<2x320000xi32, #tpu.memory_space<hbm>> -> memref<2x80xi32, #tpu.memory_space<hbm>>
      tpu.wait_dma2 semaphore(%arg26 : memref<!tpu.dma_semaphore, #tpu.memory_space<semaphore_mem>>) src(%dma_wait3A_871 : memref<2x80xi32, #tpu.memory_space<hbm>>) dst(%arg13 : memref<2x80xi32, #tpu.memory_space<vmem>>)
      %dma_start3A_872 = arith.constant 0 : i32
      %dma_start3A_873 = arith.constant 0 : i32
      %dma_start3A_874 = tpu.memref_slice %arg13[%dma_start3A_872, %dma_start3A_873] : memref<2x80xi32, #tpu.memory_space<vmem>> -> memref<1x80xi32, #tpu.memory_space<vmem>>
      %dma_start3A_875 = tpu.memref_squeeze %dma_start3A_874 : memref<1x80xi32, #tpu.memory_space<vmem>> -> memref<80xi32, #tpu.memory_space<vmem>>
      %dma_start3A_876 = arith.constant 0 : i32
      %dma_start3A_877 = arith.constant 0 : i32
      %dma_start3A_878 = tpu.memref_slice %arg3[%dma_start3A_876, %dma_start3A_877] : memref<10000x128xf32, #tpu.memory_space<hbm>> -> memref<10000x128xf32, #tpu.memory_space<hbm>>
      tpu.enqueue_indirect_dma source(%dma_start3A_878 : memref<10000x128xf32, #tpu.memory_space<hbm>>) target(%arg16 : memref<80x128xf32, #tpu.memory_space<vmem>>) offsets(%dma_start3A_875 : memref<80xi32, #tpu.memory_space<vmem>>) semaphore(%arg29 : memref<!tpu.dma_semaphore, #tpu.memory_space<semaphore_mem>>)
      %dma_wait3A_879 = arith.constant 0 : i32
      %dma_wait3A_880 = arith.constant 0 : i32
      %dma_wait3A_881 = tpu.memref_slice %arg12[%dma_wait3A_879, %dma_wait3A_880] : memref<2x80xi32, #tpu.memory_space<vmem>> -> memref<1x80xi32, #tpu.memory_space<vmem>>
      %dma_wait3A_882 = tpu.memref_squeeze %dma_wait3A_881 : memref<1x80xi32, #tpu.memory_space<vmem>> -> memref<80xi32, #tpu.memory_space<vmem>>
      %dma_wait3A_883 = arith.constant 0 : i32
      %dma_wait3A_884 = arith.constant 0 : i32
      %dma_wait3A_885 = tpu.memref_slice %arg3[%dma_wait3A_883, %dma_wait3A_884] : memref<10000x128xf32, #tpu.memory_space<hbm>> -> memref<10000x128xf32, #tpu.memory_space<hbm>>
      tpu.wait_indirect_dma semaphore(%arg28 : memref<!tpu.dma_semaphore, #tpu.memory_space<semaphore_mem>>) src(%dma_wait3A_885 : memref<10000x128xf32, #tpu.memory_space<hbm>>) dst(%arg15 : memref<80x128xf32, #tpu.memory_space<vmem>>)
      %dma_start3A_886 = arith.constant 1 : i32
      %dma_start3A_887 = arith.constant 0 : i32
      %dma_start3A_888 = tpu.memref_slice %arg12[%dma_start3A_886, %dma_start3A_887] : memref<2x80xi32, #tpu.memory_space<vmem>> -> memref<1x80xi32, #tpu.memory_space<vmem>>
      %dma_start3A_889 = tpu.memref_squeeze %dma_start3A_888 : memref<1x80xi32, #tpu.memory_space<vmem>> -> memref<80xi32, #tpu.memory_space<vmem>>
      %dma_start3A_890 = arith.constant 0 : i32
      %dma_start3A_891 = arith.constant 0 : i32
      %dma_start3A_892 = tpu.memref_slice %arg20[%dma_start3A_890, %dma_start3A_891] : memref<10240x128xf32, #tpu.memory_space<vmem_shared>> -> memref<10240x128xf32, #tpu.memory_space<vmem_shared>>
      tpu.enqueue_indirect_dma source(%arg15 : memref<80x128xf32, #tpu.memory_space<vmem>>) target(%dma_start3A_892 : memref<10240x128xf32, #tpu.memory_space<vmem_shared>>) offsets(%dma_start3A_889 : memref<80xi32, #tpu.memory_space<vmem>>) semaphore(%arg31 : memref<!tpu.dma_semaphore, #tpu.memory_space<semaphore_mem>>) {add = true}
      %dma_start3A_893 = arith.constant 1 : i32
      %dma_start3A_894 = arith.constant 0 : i32
      %dma_start3A_895 = tpu.memref_slice %arg12[%dma_start3A_893, %dma_start3A_894] : memref<2x80xi32, #tpu.memory_space<vmem>> -> memref<1x80xi32, #tpu.memory_space<vmem>>
      %dma_start3A_896 = tpu.memref_squeeze %dma_start3A_895 : memref<1x80xi32, #tpu.memory_space<vmem>> -> memref<80xi32, #tpu.memory_space<vmem>>
      %dma_start3A_897 = arith.constant 0 : i32
      %dma_start3A_898 = arith.constant 0 : i32
      %dma_start3A_899 = tpu.memref_slice %arg21[%dma_start3A_897, %dma_start3A_898] : memref<10240x16xf32, #tpu.memory_space<vmem_shared>> -> memref<10240x16xf32, #tpu.memory_space<vmem_shared>>
      tpu.enqueue_indirect_dma source(%arg18 : memref<80x16xf32, #tpu.memory_space<vmem>>) target(%dma_start3A_899 : memref<10240x16xf32, #tpu.memory_space<vmem_shared>>) offsets(%dma_start3A_896 : memref<80xi32, #tpu.memory_space<vmem>>) semaphore(%arg31 : memref<!tpu.dma_semaphore, #tpu.memory_space<semaphore_mem>>) {add = true}
      %add3A_900 = arith.constant 3 : i32
      %add3A_901 = arith.addi %add3A_851, %add3A_900 : i32
      %mul3A_902 = arith.constant 80 : i32
      %mul3A_903 = arith.muli %add3A_901, %mul3A_902 : i32
      %add3A_904 = arith.addi %mul3A_2, %mul3A_903 : i32
      %dma_start3A_905 = arith.constant 0 : i32
      %dma_start3A_906 = tpu.memref_slice %arg2[%dma_start3A_905, %add3A_904] : memref<2x320000xi32, #tpu.memory_space<hbm>> -> memref<2x80xi32, #tpu.memory_space<hbm>>
      %dma_start3A_907 = arith.constant 0 : i32
      %dma_start3A_908 = tpu.memref_slice %arg2[%dma_start3A_907, %add3A_904] : memref<2x320000xi32, #tpu.memory_space<hbm>> -> memref<2x80xi32, #tpu.memory_space<hbm>>
      tpu.enqueue_dma source(%dma_start3A_908 : memref<2x80xi32, #tpu.memory_space<hbm>>) target(%arg10 : memref<2x80xi32, #tpu.memory_space<vmem>>) target_semaphore(%arg23 : memref<!tpu.dma_semaphore, #tpu.memory_space<semaphore_mem>>)
      %add3A_909 = arith.constant 2 : i32
      %add3A_910 = arith.addi %add3A_790, %add3A_909 : i32
      %dma_wait3A_911 = arith.constant 1 : i32
      %dma_wait3A_912 = arith.constant 0 : i32
      %dma_wait3A_913 = tpu.memref_slice %arg11[%dma_wait3A_911, %dma_wait3A_912] : memref<2x80xi32, #tpu.memory_space<vmem>> -> memref<1x80xi32, #tpu.memory_space<vmem>>
      %dma_wait3A_914 = tpu.memref_squeeze %dma_wait3A_913 : memref<1x80xi32, #tpu.memory_space<vmem>> -> memref<80xi32, #tpu.memory_space<vmem>>
      %dma_wait3A_915 = arith.constant 0 : i32
      %dma_wait3A_916 = arith.constant 0 : i32
      %dma_wait3A_917 = tpu.memref_slice %arg20[%dma_wait3A_915, %dma_wait3A_916] : memref<10240x128xf32, #tpu.memory_space<vmem_shared>> -> memref<10240x128xf32, #tpu.memory_space<vmem_shared>>
      tpu.wait_indirect_dma semaphore(%arg33 : memref<!tpu.dma_semaphore, #tpu.memory_space<semaphore_mem>>) src(%arg17 : memref<80x128xf32, #tpu.memory_space<vmem>>) dst(%dma_wait3A_917 : memref<10240x128xf32, #tpu.memory_space<vmem_shared>>)
      %dma_wait3A_918 = arith.constant 1 : i32
      %dma_wait3A_919 = arith.constant 0 : i32
      %dma_wait3A_920 = tpu.memref_slice %arg11[%dma_wait3A_918, %dma_wait3A_919] : memref<2x80xi32, #tpu.memory_space<vmem>> -> memref<1x80xi32, #tpu.memory_space<vmem>>
      %dma_wait3A_921 = tpu.memref_squeeze %dma_wait3A_920 : memref<1x80xi32, #tpu.memory_space<vmem>> -> memref<80xi32, #tpu.memory_space<vmem>>
      %dma_wait3A_922 = arith.constant 0 : i32
      %dma_wait3A_923 = arith.constant 0 : i32
      %dma_wait3A_924 = tpu.memref_slice %arg21[%dma_wait3A_922, %dma_wait3A_923] : memref<10240x16xf32, #tpu.memory_space<vmem_shared>> -> memref<10240x16xf32, #tpu.memory_space<vmem_shared>>
      tpu.wait_indirect_dma semaphore(%arg33 : memref<!tpu.dma_semaphore, #tpu.memory_space<semaphore_mem>>) src(%arg18 : memref<80x16xf32, #tpu.memory_space<vmem>>) dst(%dma_wait3A_924 : memref<10240x16xf32, #tpu.memory_space<vmem_shared>>)
      %dma_wait3A_925 = arith.constant 0 : i32
      %dma_wait3A_926 = arith.constant 0 : i32
      %dma_wait3A_927 = tpu.memref_slice %arg2[%dma_wait3A_925, %dma_wait3A_926] : memref<2x320000xi32, #tpu.memory_space<hbm>> -> memref<2x80xi32, #tpu.memory_space<hbm>>
      %dma_wait3A_928 = arith.constant 0 : i32
      %dma_wait3A_929 = arith.constant 0 : i32
      %dma_wait3A_930 = tpu.memref_slice %arg2[%dma_wait3A_928, %dma_wait3A_929] : memref<2x320000xi32, #tpu.memory_space<hbm>> -> memref<2x80xi32, #tpu.memory_space<hbm>>
      tpu.wait_dma2 semaphore(%arg27 : memref<!tpu.dma_semaphore, #tpu.memory_space<semaphore_mem>>) src(%dma_wait3A_930 : memref<2x80xi32, #tpu.memory_space<hbm>>) dst(%arg14 : memref<2x80xi32, #tpu.memory_space<vmem>>)
      %dma_start3A_931 = arith.constant 0 : i32
      %dma_start3A_932 = arith.constant 0 : i32
      %dma_start3A_933 = tpu.memref_slice %arg14[%dma_start3A_931, %dma_start3A_932] : memref<2x80xi32, #tpu.memory_space<vmem>> -> memref<1x80xi32, #tpu.memory_space<vmem>>
      %dma_start3A_934 = tpu.memref_squeeze %dma_start3A_933 : memref<1x80xi32, #tpu.memory_space<vmem>> -> memref<80xi32, #tpu.memory_space<vmem>>
      %dma_start3A_935 = arith.constant 0 : i32
      %dma_start3A_936 = arith.constant 0 : i32
      %dma_start3A_937 = tpu.memref_slice %arg3[%dma_start3A_935, %dma_start3A_936] : memref<10000x128xf32, #tpu.memory_space<hbm>> -> memref<10000x128xf32, #tpu.memory_space<hbm>>
      tpu.enqueue_indirect_dma source(%dma_start3A_937 : memref<10000x128xf32, #tpu.memory_space<hbm>>) target(%arg17 : memref<80x128xf32, #tpu.memory_space<vmem>>) offsets(%dma_start3A_934 : memref<80xi32, #tpu.memory_space<vmem>>) semaphore(%arg30 : memref<!tpu.dma_semaphore, #tpu.memory_space<semaphore_mem>>)
      %dma_wait3A_938 = arith.constant 0 : i32
      %dma_wait3A_939 = arith.constant 0 : i32
      %dma_wait3A_940 = tpu.memref_slice %arg13[%dma_wait3A_938, %dma_wait3A_939] : memref<2x80xi32, #tpu.memory_space<vmem>> -> memref<1x80xi32, #tpu.memory_space<vmem>>
      %dma_wait3A_941 = tpu.memref_squeeze %dma_wait3A_940 : memref<1x80xi32, #tpu.memory_space<vmem>> -> memref<80xi32, #tpu.memory_space<vmem>>
      %dma_wait3A_942 = arith.constant 0 : i32
      %dma_wait3A_943 = arith.constant 0 : i32
      %dma_wait3A_944 = tpu.memref_slice %arg3[%dma_wait3A_942, %dma_wait3A_943] : memref<10000x128xf32, #tpu.memory_space<hbm>> -> memref<10000x128xf32, #tpu.memory_space<hbm>>
      tpu.wait_indirect_dma semaphore(%arg29 : memref<!tpu.dma_semaphore, #tpu.memory_space<semaphore_mem>>) src(%dma_wait3A_944 : memref<10000x128xf32, #tpu.memory_space<hbm>>) dst(%arg16 : memref<80x128xf32, #tpu.memory_space<vmem>>)
      %dma_start3A_945 = arith.constant 1 : i32
      %dma_start3A_946 = arith.constant 0 : i32
      %dma_start3A_947 = tpu.memref_slice %arg13[%dma_start3A_945, %dma_start3A_946] : memref<2x80xi32, #tpu.memory_space<vmem>> -> memref<1x80xi32, #tpu.memory_space<vmem>>
      %dma_start3A_948 = tpu.memref_squeeze %dma_start3A_947 : memref<1x80xi32, #tpu.memory_space<vmem>> -> memref<80xi32, #tpu.memory_space<vmem>>
      %dma_start3A_949 = arith.constant 0 : i32
      %dma_start3A_950 = arith.constant 0 : i32
      %dma_start3A_951 = tpu.memref_slice %arg20[%dma_start3A_949, %dma_start3A_950] : memref<10240x128xf32, #tpu.memory_space<vmem_shared>> -> memref<10240x128xf32, #tpu.memory_space<vmem_shared>>
      tpu.enqueue_indirect_dma source(%arg16 : memref<80x128xf32, #tpu.memory_space<vmem>>) target(%dma_start3A_951 : memref<10240x128xf32, #tpu.memory_space<vmem_shared>>) offsets(%dma_start3A_948 : memref<80xi32, #tpu.memory_space<vmem>>) semaphore(%arg32 : memref<!tpu.dma_semaphore, #tpu.memory_space<semaphore_mem>>) {add = true}
      %dma_start3A_952 = arith.constant 1 : i32
      %dma_start3A_953 = arith.constant 0 : i32
      %dma_start3A_954 = tpu.memref_slice %arg13[%dma_start3A_952, %dma_start3A_953] : memref<2x80xi32, #tpu.memory_space<vmem>> -> memref<1x80xi32, #tpu.memory_space<vmem>>
      %dma_start3A_955 = tpu.memref_squeeze %dma_start3A_954 : memref<1x80xi32, #tpu.memory_space<vmem>> -> memref<80xi32, #tpu.memory_space<vmem>>
      %dma_start3A_956 = arith.constant 0 : i32
      %dma_start3A_957 = arith.constant 0 : i32
      %dma_start3A_958 = tpu.memref_slice %arg21[%dma_start3A_956, %dma_start3A_957] : memref<10240x16xf32, #tpu.memory_space<vmem_shared>> -> memref<10240x16xf32, #tpu.memory_space<vmem_shared>>
      tpu.enqueue_indirect_dma source(%arg18 : memref<80x16xf32, #tpu.memory_space<vmem>>) target(%dma_start3A_958 : memref<10240x16xf32, #tpu.memory_space<vmem_shared>>) offsets(%dma_start3A_955 : memref<80xi32, #tpu.memory_space<vmem>>) semaphore(%arg32 : memref<!tpu.dma_semaphore, #tpu.memory_space<semaphore_mem>>) {add = true}
      %add3A_959 = arith.constant 3 : i32
      %add3A_960 = arith.addi %add3A_910, %add3A_959 : i32
      %mul3A_961 = arith.constant 80 : i32
      %mul3A_962 = arith.muli %add3A_960, %mul3A_961 : i32
      %add3A_963 = arith.addi %mul3A_2, %mul3A_962 : i32
      %dma_start3A_964 = arith.constant 0 : i32
      %dma_start3A_965 = tpu.memref_slice %arg2[%dma_start3A_964, %add3A_963] : memref<2x320000xi32, #tpu.memory_space<hbm>> -> memref<2x80xi32, #tpu.memory_space<hbm>>
      %dma_start3A_966 = arith.constant 0 : i32
      %dma_start3A_967 = tpu.memref_slice %arg2[%dma_start3A_966, %add3A_963] : memref<2x320000xi32, #tpu.memory_space<hbm>> -> memref<2x80xi32, #tpu.memory_space<hbm>>
      tpu.enqueue_dma source(%dma_start3A_967 : memref<2x80xi32, #tpu.memory_space<hbm>>) target(%arg11 : memref<2x80xi32, #tpu.memory_space<vmem>>) target_semaphore(%arg24 : memref<!tpu.dma_semaphore, #tpu.memory_space<semaphore_mem>>)
      %add3A_968 = arith.constant 3 : i32
      %add3A_969 = arith.addi %add3A_790, %add3A_968 : i32
      %dma_wait3A_970 = arith.constant 1 : i32
      %dma_wait3A_971 = arith.constant 0 : i32
      %dma_wait3A_972 = tpu.memref_slice %arg12[%dma_wait3A_970, %dma_wait3A_971] : memref<2x80xi32, #tpu.memory_space<vmem>> -> memref<1x80xi32, #tpu.memory_space<vmem>>
      %dma_wait3A_973 = tpu.memref_squeeze %dma_wait3A_972 : memref<1x80xi32, #tpu.memory_space<vmem>> -> memref<80xi32, #tpu.memory_space<vmem>>
      %dma_wait3A_974 = arith.constant 0 : i32
      %dma_wait3A_975 = arith.constant 0 : i32
      %dma_wait3A_976 = tpu.memref_slice %arg20[%dma_wait3A_974, %dma_wait3A_975] : memref<10240x128xf32, #tpu.memory_space<vmem_shared>> -> memref<10240x128xf32, #tpu.memory_space<vmem_shared>>
      tpu.wait_indirect_dma semaphore(%arg31 : memref<!tpu.dma_semaphore, #tpu.memory_space<semaphore_mem>>) src(%arg15 : memref<80x128xf32, #tpu.memory_space<vmem>>) dst(%dma_wait3A_976 : memref<10240x128xf32, #tpu.memory_space<vmem_shared>>)
      %dma_wait3A_977 = arith.constant 1 : i32
      %dma_wait3A_978 = arith.constant 0 : i32
      %dma_wait3A_979 = tpu.memref_slice %arg12[%dma_wait3A_977, %dma_wait3A_978] : memref<2x80xi32, #tpu.memory_space<vmem>> -> memref<1x80xi32, #tpu.memory_space<vmem>>
      %dma_wait3A_980 = tpu.memref_squeeze %dma_wait3A_979 : memref<1x80xi32, #tpu.memory_space<vmem>> -> memref<80xi32, #tpu.memory_space<vmem>>
      %dma_wait3A_981 = arith.constant 0 : i32
      %dma_wait3A_982 = arith.constant 0 : i32
      %dma_wait3A_983 = tpu.memref_slice %arg21[%dma_wait3A_981, %dma_wait3A_982] : memref<10240x16xf32, #tpu.memory_space<vmem_shared>> -> memref<10240x16xf32, #tpu.memory_space<vmem_shared>>
      tpu.wait_indirect_dma semaphore(%arg31 : memref<!tpu.dma_semaphore, #tpu.memory_space<semaphore_mem>>) src(%arg18 : memref<80x16xf32, #tpu.memory_space<vmem>>) dst(%dma_wait3A_983 : memref<10240x16xf32, #tpu.memory_space<vmem_shared>>)
      %dma_wait3A_984 = arith.constant 0 : i32
      %dma_wait3A_985 = arith.constant 0 : i32
      %dma_wait3A_986 = tpu.memref_slice %arg2[%dma_wait3A_984, %dma_wait3A_985] : memref<2x320000xi32, #tpu.memory_space<hbm>> -> memref<2x80xi32, #tpu.memory_space<hbm>>
      %dma_wait3A_987 = arith.constant 0 : i32
      %dma_wait3A_988 = arith.constant 0 : i32
      %dma_wait3A_989 = tpu.memref_slice %arg2[%dma_wait3A_987, %dma_wait3A_988] : memref<2x320000xi32, #tpu.memory_space<hbm>> -> memref<2x80xi32, #tpu.memory_space<hbm>>
      tpu.wait_dma2 semaphore(%arg22 : memref<!tpu.dma_semaphore, #tpu.memory_space<semaphore_mem>>) src(%dma_wait3A_989 : memref<2x80xi32, #tpu.memory_space<hbm>>) dst(%arg9 : memref<2x80xi32, #tpu.memory_space<vmem>>)
      %dma_start3A_990 = arith.constant 0 : i32
      %dma_start3A_991 = arith.constant 0 : i32
      %dma_start3A_992 = tpu.memref_slice %arg9[%dma_start3A_990, %dma_start3A_991] : memref<2x80xi32, #tpu.memory_space<vmem>> -> memref<1x80xi32, #tpu.memory_space<vmem>>
      %dma_start3A_993 = tpu.memref_squeeze %dma_start3A_992 : memref<1x80xi32, #tpu.memory_space<vmem>> -> memref<80xi32, #tpu.memory_space<vmem>>
      %dma_start3A_994 = arith.constant 0 : i32
      %dma_start3A_995 = arith.constant 0 : i32
      %dma_start3A_996 = tpu.memref_slice %arg3[%dma_start3A_994, %dma_start3A_995] : memref<10000x128xf32, #tpu.memory_space<hbm>> -> memref<10000x128xf32, #tpu.memory_space<hbm>>
      tpu.enqueue_indirect_dma source(%dma_start3A_996 : memref<10000x128xf32, #tpu.memory_space<hbm>>) target(%arg15 : memref<80x128xf32, #tpu.memory_space<vmem>>) offsets(%dma_start3A_993 : memref<80xi32, #tpu.memory_space<vmem>>) semaphore(%arg28 : memref<!tpu.dma_semaphore, #tpu.memory_space<semaphore_mem>>)
      %dma_wait3A_997 = arith.constant 0 : i32
      %dma_wait3A_998 = arith.constant 0 : i32
      %dma_wait3A_999 = tpu.memref_slice %arg14[%dma_wait3A_997, %dma_wait3A_998] : memref<2x80xi32, #tpu.memory_space<vmem>> -> memref<1x80xi32, #tpu.memory_space<vmem>>
      %dma_wait3A_1000 = tpu.memref_squeeze %dma_wait3A_999 : memref<1x80xi32, #tpu.memory_space<vmem>> -> memref<80xi32, #tpu.memory_space<vmem>>
      %dma_wait3A_1001 = arith.constant 0 : i32
      %dma_wait3A_1002 = arith.constant 0 : i32
      %dma_wait3A_1003 = tpu.memref_slice %arg3[%dma_wait3A_1001, %dma_wait3A_1002] : memref<10000x128xf32, #tpu.memory_space<hbm>> -> memref<10000x128xf32, #tpu.memory_space<hbm>>
      tpu.wait_indirect_dma semaphore(%arg30 : memref<!tpu.dma_semaphore, #tpu.memory_space<semaphore_mem>>) src(%dma_wait3A_1003 : memref<10000x128xf32, #tpu.memory_space<hbm>>) dst(%arg17 : memref<80x128xf32, #tpu.memory_space<vmem>>)
      %dma_start3A_1004 = arith.constant 1 : i32
      %dma_start3A_1005 = arith.constant 0 : i32
      %dma_start3A_1006 = tpu.memref_slice %arg14[%dma_start3A_1004, %dma_start3A_1005] : memref<2x80xi32, #tpu.memory_space<vmem>> -> memref<1x80xi32, #tpu.memory_space<vmem>>
      %dma_start3A_1007 = tpu.memref_squeeze %dma_start3A_1006 : memref<1x80xi32, #tpu.memory_space<vmem>> -> memref<80xi32, #tpu.memory_space<vmem>>
      %dma_start3A_1008 = arith.constant 0 : i32
      %dma_start3A_1009 = arith.constant 0 : i32
      %dma_start3A_1010 = tpu.memref_slice %arg20[%dma_start3A_1008, %dma_start3A_1009] : memref<10240x128xf32, #tpu.memory_space<vmem_shared>> -> memref<10240x128xf32, #tpu.memory_space<vmem_shared>>
      tpu.enqueue_indirect_dma source(%arg17 : memref<80x128xf32, #tpu.memory_space<vmem>>) target(%dma_start3A_1010 : memref<10240x128xf32, #tpu.memory_space<vmem_shared>>) offsets(%dma_start3A_1007 : memref<80xi32, #tpu.memory_space<vmem>>) semaphore(%arg33 : memref<!tpu.dma_semaphore, #tpu.memory_space<semaphore_mem>>) {add = true}
      %dma_start3A_1011 = arith.constant 1 : i32
      %dma_start3A_1012 = arith.constant 0 : i32
      %dma_start3A_1013 = tpu.memref_slice %arg14[%dma_start3A_1011, %dma_start3A_1012] : memref<2x80xi32, #tpu.memory_space<vmem>> -> memref<1x80xi32, #tpu.memory_space<vmem>>
      %dma_start3A_1014 = tpu.memref_squeeze %dma_start3A_1013 : memref<1x80xi32, #tpu.memory_space<vmem>> -> memref<80xi32, #tpu.memory_space<vmem>>
      %dma_start3A_1015 = arith.constant 0 : i32
      %dma_start3A_1016 = arith.constant 0 : i32
      %dma_start3A_1017 = tpu.memref_slice %arg21[%dma_start3A_1015, %dma_start3A_1016] : memref<10240x16xf32, #tpu.memory_space<vmem_shared>> -> memref<10240x16xf32, #tpu.memory_space<vmem_shared>>
      tpu.enqueue_indirect_dma source(%arg18 : memref<80x16xf32, #tpu.memory_space<vmem>>) target(%dma_start3A_1017 : memref<10240x16xf32, #tpu.memory_space<vmem_shared>>) offsets(%dma_start3A_1014 : memref<80xi32, #tpu.memory_space<vmem>>) semaphore(%arg33 : memref<!tpu.dma_semaphore, #tpu.memory_space<semaphore_mem>>) {add = true}
      %add3A_1018 = arith.constant 3 : i32
      %add3A_1019 = arith.addi %add3A_969, %add3A_1018 : i32
      %mul3A_1020 = arith.constant 80 : i32
      %mul3A_1021 = arith.muli %add3A_1019, %mul3A_1020 : i32
      %add3A_1022 = arith.addi %mul3A_2, %mul3A_1021 : i32
      %dma_start3A_1023 = arith.constant 0 : i32
      %dma_start3A_1024 = tpu.memref_slice %arg2[%dma_start3A_1023, %add3A_1022] : memref<2x320000xi32, #tpu.memory_space<hbm>> -> memref<2x80xi32, #tpu.memory_space<hbm>>
      %dma_start3A_1025 = arith.constant 0 : i32
      %dma_start3A_1026 = tpu.memref_slice %arg2[%dma_start3A_1025, %add3A_1022] : memref<2x320000xi32, #tpu.memory_space<hbm>> -> memref<2x80xi32, #tpu.memory_space<hbm>>
      tpu.enqueue_dma source(%dma_start3A_1026 : memref<2x80xi32, #tpu.memory_space<hbm>>) target(%arg12 : memref<2x80xi32, #tpu.memory_space<vmem>>) target_semaphore(%arg25 : memref<!tpu.dma_semaphore, #tpu.memory_space<semaphore_mem>>)
      %add3A_1027 = arith.constant 4 : i32
      %add3A_1028 = arith.addi %add3A_790, %add3A_1027 : i32
      %dma_wait3A_1029 = arith.constant 1 : i32
      %dma_wait3A_1030 = arith.constant 0 : i32
      %dma_wait3A_1031 = tpu.memref_slice %arg13[%dma_wait3A_1029, %dma_wait3A_1030] : memref<2x80xi32, #tpu.memory_space<vmem>> -> memref<1x80xi32, #tpu.memory_space<vmem>>
      %dma_wait3A_1032 = tpu.memref_squeeze %dma_wait3A_1031 : memref<1x80xi32, #tpu.memory_space<vmem>> -> memref<80xi32, #tpu.memory_space<vmem>>
      %dma_wait3A_1033 = arith.constant 0 : i32
      %dma_wait3A_1034 = arith.constant 0 : i32
      %dma_wait3A_1035 = tpu.memref_slice %arg20[%dma_wait3A_1033, %dma_wait3A_1034] : memref<10240x128xf32, #tpu.memory_space<vmem_shared>> -> memref<10240x128xf32, #tpu.memory_space<vmem_shared>>
      tpu.wait_indirect_dma semaphore(%arg32 : memref<!tpu.dma_semaphore, #tpu.memory_space<semaphore_mem>>) src(%arg16 : memref<80x128xf32, #tpu.memory_space<vmem>>) dst(%dma_wait3A_1035 : memref<10240x128xf32, #tpu.memory_space<vmem_shared>>)
      %dma_wait3A_1036 = arith.constant 1 : i32
      %dma_wait3A_1037 = arith.constant 0 : i32
      %dma_wait3A_1038 = tpu.memref_slice %arg13[%dma_wait3A_1036, %dma_wait3A_1037] : memref<2x80xi32, #tpu.memory_space<vmem>> -> memref<1x80xi32, #tpu.memory_space<vmem>>
      %dma_wait3A_1039 = tpu.memref_squeeze %dma_wait3A_1038 : memref<1x80xi32, #tpu.memory_space<vmem>> -> memref<80xi32, #tpu.memory_space<vmem>>
      %dma_wait3A_1040 = arith.constant 0 : i32
      %dma_wait3A_1041 = arith.constant 0 : i32
      %dma_wait3A_1042 = tpu.memref_slice %arg21[%dma_wait3A_1040, %dma_wait3A_1041] : memref<10240x16xf32, #tpu.memory_space<vmem_shared>> -> memref<10240x16xf32, #tpu.memory_space<vmem_shared>>
      tpu.wait_indirect_dma semaphore(%arg32 : memref<!tpu.dma_semaphore, #tpu.memory_space<semaphore_mem>>) src(%arg18 : memref<80x16xf32, #tpu.memory_space<vmem>>) dst(%dma_wait3A_1042 : memref<10240x16xf32, #tpu.memory_space<vmem_shared>>)
      %dma_wait3A_1043 = arith.constant 0 : i32
      %dma_wait3A_1044 = arith.constant 0 : i32
      %dma_wait3A_1045 = tpu.memref_slice %arg2[%dma_wait3A_1043, %dma_wait3A_1044] : memref<2x320000xi32, #tpu.memory_space<hbm>> -> memref<2x80xi32, #tpu.memory_space<hbm>>
      %dma_wait3A_1046 = arith.constant 0 : i32
      %dma_wait3A_1047 = arith.constant 0 : i32
      %dma_wait3A_1048 = tpu.memref_slice %arg2[%dma_wait3A_1046, %dma_wait3A_1047] : memref<2x320000xi32, #tpu.memory_space<hbm>> -> memref<2x80xi32, #tpu.memory_space<hbm>>
      tpu.wait_dma2 semaphore(%arg23 : memref<!tpu.dma_semaphore, #tpu.memory_space<semaphore_mem>>) src(%dma_wait3A_1048 : memref<2x80xi32, #tpu.memory_space<hbm>>) dst(%arg10 : memref<2x80xi32, #tpu.memory_space<vmem>>)
      %dma_start3A_1049 = arith.constant 0 : i32
      %dma_start3A_1050 = arith.constant 0 : i32
      %dma_start3A_1051 = tpu.memref_slice %arg10[%dma_start3A_1049, %dma_start3A_1050] : memref<2x80xi32, #tpu.memory_space<vmem>> -> memref<1x80xi32, #tpu.memory_space<vmem>>
      %dma_start3A_1052 = tpu.memref_squeeze %dma_start3A_1051 : memref<1x80xi32, #tpu.memory_space<vmem>> -> memref<80xi32, #tpu.memory_space<vmem>>
      %dma_start3A_1053 = arith.constant 0 : i32
      %dma_start3A_1054 = arith.constant 0 : i32
      %dma_start3A_1055 = tpu.memref_slice %arg3[%dma_start3A_1053, %dma_start3A_1054] : memref<10000x128xf32, #tpu.memory_space<hbm>> -> memref<10000x128xf32, #tpu.memory_space<hbm>>
      tpu.enqueue_indirect_dma source(%dma_start3A_1055 : memref<10000x128xf32, #tpu.memory_space<hbm>>) target(%arg16 : memref<80x128xf32, #tpu.memory_space<vmem>>) offsets(%dma_start3A_1052 : memref<80xi32, #tpu.memory_space<vmem>>) semaphore(%arg29 : memref<!tpu.dma_semaphore, #tpu.memory_space<semaphore_mem>>)
      %dma_wait3A_1056 = arith.constant 0 : i32
      %dma_wait3A_1057 = arith.constant 0 : i32
      %dma_wait3A_1058 = tpu.memref_slice %arg9[%dma_wait3A_1056, %dma_wait3A_1057] : memref<2x80xi32, #tpu.memory_space<vmem>> -> memref<1x80xi32, #tpu.memory_space<vmem>>
      %dma_wait3A_1059 = tpu.memref_squeeze %dma_wait3A_1058 : memref<1x80xi32, #tpu.memory_space<vmem>> -> memref<80xi32, #tpu.memory_space<vmem>>
      %dma_wait3A_1060 = arith.constant 0 : i32
      %dma_wait3A_1061 = arith.constant 0 : i32
      %dma_wait3A_1062 = tpu.memref_slice %arg3[%dma_wait3A_1060, %dma_wait3A_1061] : memref<10000x128xf32, #tpu.memory_space<hbm>> -> memref<10000x128xf32, #tpu.memory_space<hbm>>
      tpu.wait_indirect_dma semaphore(%arg28 : memref<!tpu.dma_semaphore, #tpu.memory_space<semaphore_mem>>) src(%dma_wait3A_1062 : memref<10000x128xf32, #tpu.memory_space<hbm>>) dst(%arg15 : memref<80x128xf32, #tpu.memory_space<vmem>>)
      %dma_start3A_1063 = arith.constant 1 : i32
      %dma_start3A_1064 = arith.constant 0 : i32
      %dma_start3A_1065 = tpu.memref_slice %arg9[%dma_start3A_1063, %dma_start3A_1064] : memref<2x80xi32, #tpu.memory_space<vmem>> -> memref<1x80xi32, #tpu.memory_space<vmem>>
      %dma_start3A_1066 = tpu.memref_squeeze %dma_start3A_1065 : memref<1x80xi32, #tpu.memory_space<vmem>> -> memref<80xi32, #tpu.memory_space<vmem>>
      %dma_start3A_1067 = arith.constant 0 : i32
      %dma_start3A_1068 = arith.constant 0 : i32
      %dma_start3A_1069 = tpu.memref_slice %arg20[%dma_start3A_1067, %dma_start3A_1068] : memref<10240x128xf32, #tpu.memory_space<vmem_shared>> -> memref<10240x128xf32, #tpu.memory_space<vmem_shared>>
      tpu.enqueue_indirect_dma source(%arg15 : memref<80x128xf32, #tpu.memory_space<vmem>>) target(%dma_start3A_1069 : memref<10240x128xf32, #tpu.memory_space<vmem_shared>>) offsets(%dma_start3A_1066 : memref<80xi32, #tpu.memory_space<vmem>>) semaphore(%arg31 : memref<!tpu.dma_semaphore, #tpu.memory_space<semaphore_mem>>) {add = true}
      %dma_start3A_1070 = arith.constant 1 : i32
      %dma_start3A_1071 = arith.constant 0 : i32
      %dma_start3A_1072 = tpu.memref_slice %arg9[%dma_start3A_1070, %dma_start3A_1071] : memref<2x80xi32, #tpu.memory_space<vmem>> -> memref<1x80xi32, #tpu.memory_space<vmem>>
      %dma_start3A_1073 = tpu.memref_squeeze %dma_start3A_1072 : memref<1x80xi32, #tpu.memory_space<vmem>> -> memref<80xi32, #tpu.memory_space<vmem>>
      %dma_start3A_1074 = arith.constant 0 : i32
      %dma_start3A_1075 = arith.constant 0 : i32
      %dma_start3A_1076 = tpu.memref_slice %arg21[%dma_start3A_1074, %dma_start3A_1075] : memref<10240x16xf32, #tpu.memory_space<vmem_shared>> -> memref<10240x16xf32, #tpu.memory_space<vmem_shared>>
      tpu.enqueue_indirect_dma source(%arg18 : memref<80x16xf32, #tpu.memory_space<vmem>>) target(%dma_start3A_1076 : memref<10240x16xf32, #tpu.memory_space<vmem_shared>>) offsets(%dma_start3A_1073 : memref<80xi32, #tpu.memory_space<vmem>>) semaphore(%arg31 : memref<!tpu.dma_semaphore, #tpu.memory_space<semaphore_mem>>) {add = true}
      %add3A_1077 = arith.constant 3 : i32
      %add3A_1078 = arith.addi %add3A_1028, %add3A_1077 : i32
      %mul3A_1079 = arith.constant 80 : i32
      %mul3A_1080 = arith.muli %add3A_1078, %mul3A_1079 : i32
      %add3A_1081 = arith.addi %mul3A_2, %mul3A_1080 : i32
      %dma_start3A_1082 = arith.constant 0 : i32
      %dma_start3A_1083 = tpu.memref_slice %arg2[%dma_start3A_1082, %add3A_1081] : memref<2x320000xi32, #tpu.memory_space<hbm>> -> memref<2x80xi32, #tpu.memory_space<hbm>>
      %dma_start3A_1084 = arith.constant 0 : i32
      %dma_start3A_1085 = tpu.memref_slice %arg2[%dma_start3A_1084, %add3A_1081] : memref<2x320000xi32, #tpu.memory_space<hbm>> -> memref<2x80xi32, #tpu.memory_space<hbm>>
      tpu.enqueue_dma source(%dma_start3A_1085 : memref<2x80xi32, #tpu.memory_space<hbm>>) target(%arg13 : memref<2x80xi32, #tpu.memory_space<vmem>>) target_semaphore(%arg26 : memref<!tpu.dma_semaphore, #tpu.memory_space<semaphore_mem>>)
      %add3A_1086 = arith.constant 5 : i32
      %add3A_1087 = arith.addi %add3A_790, %add3A_1086 : i32
      %dma_wait3A_1088 = arith.constant 1 : i32
      %dma_wait3A_1089 = arith.constant 0 : i32
      %dma_wait3A_1090 = tpu.memref_slice %arg14[%dma_wait3A_1088, %dma_wait3A_1089] : memref<2x80xi32, #tpu.memory_space<vmem>> -> memref<1x80xi32, #tpu.memory_space<vmem>>
      %dma_wait3A_1091 = tpu.memref_squeeze %dma_wait3A_1090 : memref<1x80xi32, #tpu.memory_space<vmem>> -> memref<80xi32, #tpu.memory_space<vmem>>
      %dma_wait3A_1092 = arith.constant 0 : i32
      %dma_wait3A_1093 = arith.constant 0 : i32
      %dma_wait3A_1094 = tpu.memref_slice %arg20[%dma_wait3A_1092, %dma_wait3A_1093] : memref<10240x128xf32, #tpu.memory_space<vmem_shared>> -> memref<10240x128xf32, #tpu.memory_space<vmem_shared>>
      tpu.wait_indirect_dma semaphore(%arg33 : memref<!tpu.dma_semaphore, #tpu.memory_space<semaphore_mem>>) src(%arg17 : memref<80x128xf32, #tpu.memory_space<vmem>>) dst(%dma_wait3A_1094 : memref<10240x128xf32, #tpu.memory_space<vmem_shared>>)
      %dma_wait3A_1095 = arith.constant 1 : i32
      %dma_wait3A_1096 = arith.constant 0 : i32
      %dma_wait3A_1097 = tpu.memref_slice %arg14[%dma_wait3A_1095, %dma_wait3A_1096] : memref<2x80xi32, #tpu.memory_space<vmem>> -> memref<1x80xi32, #tpu.memory_space<vmem>>
      %dma_wait3A_1098 = tpu.memref_squeeze %dma_wait3A_1097 : memref<1x80xi32, #tpu.memory_space<vmem>> -> memref<80xi32, #tpu.memory_space<vmem>>
      %dma_wait3A_1099 = arith.constant 0 : i32
      %dma_wait3A_1100 = arith.constant 0 : i32
      %dma_wait3A_1101 = tpu.memref_slice %arg21[%dma_wait3A_1099, %dma_wait3A_1100] : memref<10240x16xf32, #tpu.memory_space<vmem_shared>> -> memref<10240x16xf32, #tpu.memory_space<vmem_shared>>
      tpu.wait_indirect_dma semaphore(%arg33 : memref<!tpu.dma_semaphore, #tpu.memory_space<semaphore_mem>>) src(%arg18 : memref<80x16xf32, #tpu.memory_space<vmem>>) dst(%dma_wait3A_1101 : memref<10240x16xf32, #tpu.memory_space<vmem_shared>>)
      %dma_wait3A_1102 = arith.constant 0 : i32
      %dma_wait3A_1103 = arith.constant 0 : i32
      %dma_wait3A_1104 = tpu.memref_slice %arg2[%dma_wait3A_1102, %dma_wait3A_1103] : memref<2x320000xi32, #tpu.memory_space<hbm>> -> memref<2x80xi32, #tpu.memory_space<hbm>>
      %dma_wait3A_1105 = arith.constant 0 : i32
      %dma_wait3A_1106 = arith.constant 0 : i32
      %dma_wait3A_1107 = tpu.memref_slice %arg2[%dma_wait3A_1105, %dma_wait3A_1106] : memref<2x320000xi32, #tpu.memory_space<hbm>> -> memref<2x80xi32, #tpu.memory_space<hbm>>
      tpu.wait_dma2 semaphore(%arg24 : memref<!tpu.dma_semaphore, #tpu.memory_space<semaphore_mem>>) src(%dma_wait3A_1107 : memref<2x80xi32, #tpu.memory_space<hbm>>) dst(%arg11 : memref<2x80xi32, #tpu.memory_space<vmem>>)
      %dma_start3A_1108 = arith.constant 0 : i32
      %dma_start3A_1109 = arith.constant 0 : i32
      %dma_start3A_1110 = tpu.memref_slice %arg11[%dma_start3A_1108, %dma_start3A_1109] : memref<2x80xi32, #tpu.memory_space<vmem>> -> memref<1x80xi32, #tpu.memory_space<vmem>>
      %dma_start3A_1111 = tpu.memref_squeeze %dma_start3A_1110 : memref<1x80xi32, #tpu.memory_space<vmem>> -> memref<80xi32, #tpu.memory_space<vmem>>
      %dma_start3A_1112 = arith.constant 0 : i32
      %dma_start3A_1113 = arith.constant 0 : i32
      %dma_start3A_1114 = tpu.memref_slice %arg3[%dma_start3A_1112, %dma_start3A_1113] : memref<10000x128xf32, #tpu.memory_space<hbm>> -> memref<10000x128xf32, #tpu.memory_space<hbm>>
      tpu.enqueue_indirect_dma source(%dma_start3A_1114 : memref<10000x128xf32, #tpu.memory_space<hbm>>) target(%arg17 : memref<80x128xf32, #tpu.memory_space<vmem>>) offsets(%dma_start3A_1111 : memref<80xi32, #tpu.memory_space<vmem>>) semaphore(%arg30 : memref<!tpu.dma_semaphore, #tpu.memory_space<semaphore_mem>>)
      %dma_wait3A_1115 = arith.constant 0 : i32
      %dma_wait3A_1116 = arith.constant 0 : i32
      %dma_wait3A_1117 = tpu.memref_slice %arg10[%dma_wait3A_1115, %dma_wait3A_1116] : memref<2x80xi32, #tpu.memory_space<vmem>> -> memref<1x80xi32, #tpu.memory_space<vmem>>
      %dma_wait3A_1118 = tpu.memref_squeeze %dma_wait3A_1117 : memref<1x80xi32, #tpu.memory_space<vmem>> -> memref<80xi32, #tpu.memory_space<vmem>>
      %dma_wait3A_1119 = arith.constant 0 : i32
      %dma_wait3A_1120 = arith.constant 0 : i32
      %dma_wait3A_1121 = tpu.memref_slice %arg3[%dma_wait3A_1119, %dma_wait3A_1120] : memref<10000x128xf32, #tpu.memory_space<hbm>> -> memref<10000x128xf32, #tpu.memory_space<hbm>>
      tpu.wait_indirect_dma semaphore(%arg29 : memref<!tpu.dma_semaphore, #tpu.memory_space<semaphore_mem>>) src(%dma_wait3A_1121 : memref<10000x128xf32, #tpu.memory_space<hbm>>) dst(%arg16 : memref<80x128xf32, #tpu.memory_space<vmem>>)
      %dma_start3A_1122 = arith.constant 1 : i32
      %dma_start3A_1123 = arith.constant 0 : i32
      %dma_start3A_1124 = tpu.memref_slice %arg10[%dma_start3A_1122, %dma_start3A_1123] : memref<2x80xi32, #tpu.memory_space<vmem>> -> memref<1x80xi32, #tpu.memory_space<vmem>>
      %dma_start3A_1125 = tpu.memref_squeeze %dma_start3A_1124 : memref<1x80xi32, #tpu.memory_space<vmem>> -> memref<80xi32, #tpu.memory_space<vmem>>
      %dma_start3A_1126 = arith.constant 0 : i32
      %dma_start3A_1127 = arith.constant 0 : i32
      %dma_start3A_1128 = tpu.memref_slice %arg20[%dma_start3A_1126, %dma_start3A_1127] : memref<10240x128xf32, #tpu.memory_space<vmem_shared>> -> memref<10240x128xf32, #tpu.memory_space<vmem_shared>>
      tpu.enqueue_indirect_dma source(%arg16 : memref<80x128xf32, #tpu.memory_space<vmem>>) target(%dma_start3A_1128 : memref<10240x128xf32, #tpu.memory_space<vmem_shared>>) offsets(%dma_start3A_1125 : memref<80xi32, #tpu.memory_space<vmem>>) semaphore(%arg32 : memref<!tpu.dma_semaphore, #tpu.memory_space<semaphore_mem>>) {add = true}
      %dma_start3A_1129 = arith.constant 1 : i32
      %dma_start3A_1130 = arith.constant 0 : i32
      %dma_start3A_1131 = tpu.memref_slice %arg10[%dma_start3A_1129, %dma_start3A_1130] : memref<2x80xi32, #tpu.memory_space<vmem>> -> memref<1x80xi32, #tpu.memory_space<vmem>>
      %dma_start3A_1132 = tpu.memref_squeeze %dma_start3A_1131 : memref<1x80xi32, #tpu.memory_space<vmem>> -> memref<80xi32, #tpu.memory_space<vmem>>
      %dma_start3A_1133 = arith.constant 0 : i32
      %dma_start3A_1134 = arith.constant 0 : i32
      %dma_start3A_1135 = tpu.memref_slice %arg21[%dma_start3A_1133, %dma_start3A_1134] : memref<10240x16xf32, #tpu.memory_space<vmem_shared>> -> memref<10240x16xf32, #tpu.memory_space<vmem_shared>>
      tpu.enqueue_indirect_dma source(%arg18 : memref<80x16xf32, #tpu.memory_space<vmem>>) target(%dma_start3A_1135 : memref<10240x16xf32, #tpu.memory_space<vmem_shared>>) offsets(%dma_start3A_1132 : memref<80xi32, #tpu.memory_space<vmem>>) semaphore(%arg32 : memref<!tpu.dma_semaphore, #tpu.memory_space<semaphore_mem>>) {add = true}
      %add3A_1136 = arith.constant 3 : i32
      %add3A_1137 = arith.addi %add3A_1087, %add3A_1136 : i32
      %mul3A_1138 = arith.constant 80 : i32
      %mul3A_1139 = arith.muli %add3A_1137, %mul3A_1138 : i32
      %add3A_1140 = arith.addi %mul3A_2, %mul3A_1139 : i32
      %dma_start3A_1141 = arith.constant 0 : i32
      %dma_start3A_1142 = tpu.memref_slice %arg2[%dma_start3A_1141, %add3A_1140] : memref<2x320000xi32, #tpu.memory_space<hbm>> -> memref<2x80xi32, #tpu.memory_space<hbm>>
      %dma_start3A_1143 = arith.constant 0 : i32
      %dma_start3A_1144 = tpu.memref_slice %arg2[%dma_start3A_1143, %add3A_1140] : memref<2x320000xi32, #tpu.memory_space<hbm>> -> memref<2x80xi32, #tpu.memory_space<hbm>>
      tpu.enqueue_dma source(%dma_start3A_1144 : memref<2x80xi32, #tpu.memory_space<hbm>>) target(%arg14 : memref<2x80xi32, #tpu.memory_space<vmem>>) target_semaphore(%arg27 : memref<!tpu.dma_semaphore, #tpu.memory_space<semaphore_mem>>)
    }
    %scan3A_283 = arith.constant 19 : i32
    %dma_wait3A_284 = arith.constant 1 : i32
    %dma_wait3A_285 = arith.constant 0 : i32
    %dma_wait3A_286 = tpu.memref_slice %arg9[%dma_wait3A_284, %dma_wait3A_285] : memref<2x80xi32, #tpu.memory_space<vmem>> -> memref<1x80xi32, #tpu.memory_space<vmem>>
    %dma_wait3A_287 = tpu.memref_squeeze %dma_wait3A_286 : memref<1x80xi32, #tpu.memory_space<vmem>> -> memref<80xi32, #tpu.memory_space<vmem>>
    %dma_wait3A_288 = arith.constant 0 : i32
    %dma_wait3A_289 = arith.constant 0 : i32
    %dma_wait3A_290 = tpu.memref_slice %arg20[%dma_wait3A_288, %dma_wait3A_289] : memref<10240x128xf32, #tpu.memory_space<vmem_shared>> -> memref<10240x128xf32, #tpu.memory_space<vmem_shared>>
    tpu.wait_indirect_dma semaphore(%arg31 : memref<!tpu.dma_semaphore, #tpu.memory_space<semaphore_mem>>) src(%arg15 : memref<80x128xf32, #tpu.memory_space<vmem>>) dst(%dma_wait3A_290 : memref<10240x128xf32, #tpu.memory_space<vmem_shared>>)
    %dma_wait3A_291 = arith.constant 1 : i32
    %dma_wait3A_292 = arith.constant 0 : i32
    %dma_wait3A_293 = tpu.memref_slice %arg9[%dma_wait3A_291, %dma_wait3A_292] : memref<2x80xi32, #tpu.memory_space<vmem>> -> memref<1x80xi32, #tpu.memory_space<vmem>>
    %dma_wait3A_294 = tpu.memref_squeeze %dma_wait3A_293 : memref<1x80xi32, #tpu.memory_space<vmem>> -> memref<80xi32, #tpu.memory_space<vmem>>
    %dma_wait3A_295 = arith.constant 0 : i32
    %dma_wait3A_296 = arith.constant 0 : i32
    %dma_wait3A_297 = tpu.memref_slice %arg21[%dma_wait3A_295, %dma_wait3A_296] : memref<10240x16xf32, #tpu.memory_space<vmem_shared>> -> memref<10240x16xf32, #tpu.memory_space<vmem_shared>>
    tpu.wait_indirect_dma semaphore(%arg31 : memref<!tpu.dma_semaphore, #tpu.memory_space<semaphore_mem>>) src(%arg18 : memref<80x16xf32, #tpu.memory_space<vmem>>) dst(%dma_wait3A_297 : memref<10240x16xf32, #tpu.memory_space<vmem_shared>>)
    %dma_wait3A_298 = arith.constant 0 : i32
    %dma_wait3A_299 = arith.constant 0 : i32
    %dma_wait3A_300 = tpu.memref_slice %arg2[%dma_wait3A_298, %dma_wait3A_299] : memref<2x320000xi32, #tpu.memory_space<hbm>> -> memref<2x80xi32, #tpu.memory_space<hbm>>
    %dma_wait3A_301 = arith.constant 0 : i32
    %dma_wait3A_302 = arith.constant 0 : i32
    %dma_wait3A_303 = tpu.memref_slice %arg2[%dma_wait3A_301, %dma_wait3A_302] : memref<2x320000xi32, #tpu.memory_space<hbm>> -> memref<2x80xi32, #tpu.memory_space<hbm>>
    tpu.wait_dma2 semaphore(%arg25 : memref<!tpu.dma_semaphore, #tpu.memory_space<semaphore_mem>>) src(%dma_wait3A_303 : memref<2x80xi32, #tpu.memory_space<hbm>>) dst(%arg12 : memref<2x80xi32, #tpu.memory_space<vmem>>)
    %dma_start3A_304 = arith.constant 0 : i32
    %dma_start3A_305 = arith.constant 0 : i32
    %dma_start3A_306 = tpu.memref_slice %arg12[%dma_start3A_304, %dma_start3A_305] : memref<2x80xi32, #tpu.memory_space<vmem>> -> memref<1x80xi32, #tpu.memory_space<vmem>>
    %dma_start3A_307 = tpu.memref_squeeze %dma_start3A_306 : memref<1x80xi32, #tpu.memory_space<vmem>> -> memref<80xi32, #tpu.memory_space<vmem>>
    %dma_start3A_308 = arith.constant 0 : i32
    %dma_start3A_309 = arith.constant 0 : i32
    %dma_start3A_310 = tpu.memref_slice %arg3[%dma_start3A_308, %dma_start3A_309] : memref<10000x128xf32, #tpu.memory_space<hbm>> -> memref<10000x128xf32, #tpu.memory_space<hbm>>
    tpu.enqueue_indirect_dma source(%dma_start3A_310 : memref<10000x128xf32, #tpu.memory_space<hbm>>) target(%arg15 : memref<80x128xf32, #tpu.memory_space<vmem>>) offsets(%dma_start3A_307 : memref<80xi32, #tpu.memory_space<vmem>>) semaphore(%arg28 : memref<!tpu.dma_semaphore, #tpu.memory_space<semaphore_mem>>)
    %dma_wait3A_311 = arith.constant 0 : i32
    %dma_wait3A_312 = arith.constant 0 : i32
    %dma_wait3A_313 = tpu.memref_slice %arg11[%dma_wait3A_311, %dma_wait3A_312] : memref<2x80xi32, #tpu.memory_space<vmem>> -> memref<1x80xi32, #tpu.memory_space<vmem>>
    %dma_wait3A_314 = tpu.memref_squeeze %dma_wait3A_313 : memref<1x80xi32, #tpu.memory_space<vmem>> -> memref<80xi32, #tpu.memory_space<vmem>>
    %dma_wait3A_315 = arith.constant 0 : i32
    %dma_wait3A_316 = arith.constant 0 : i32
    %dma_wait3A_317 = tpu.memref_slice %arg3[%dma_wait3A_315, %dma_wait3A_316] : memref<10000x128xf32, #tpu.memory_space<hbm>> -> memref<10000x128xf32, #tpu.memory_space<hbm>>
    tpu.wait_indirect_dma semaphore(%arg30 : memref<!tpu.dma_semaphore, #tpu.memory_space<semaphore_mem>>) src(%dma_wait3A_317 : memref<10000x128xf32, #tpu.memory_space<hbm>>) dst(%arg17 : memref<80x128xf32, #tpu.memory_space<vmem>>)
    %dma_start3A_318 = arith.constant 1 : i32
    %dma_start3A_319 = arith.constant 0 : i32
    %dma_start3A_320 = tpu.memref_slice %arg11[%dma_start3A_318, %dma_start3A_319] : memref<2x80xi32, #tpu.memory_space<vmem>> -> memref<1x80xi32, #tpu.memory_space<vmem>>
    %dma_start3A_321 = tpu.memref_squeeze %dma_start3A_320 : memref<1x80xi32, #tpu.memory_space<vmem>> -> memref<80xi32, #tpu.memory_space<vmem>>
    %dma_start3A_322 = arith.constant 0 : i32
    %dma_start3A_323 = arith.constant 0 : i32
    %dma_start3A_324 = tpu.memref_slice %arg20[%dma_start3A_322, %dma_start3A_323] : memref<10240x128xf32, #tpu.memory_space<vmem_shared>> -> memref<10240x128xf32, #tpu.memory_space<vmem_shared>>
    tpu.enqueue_indirect_dma source(%arg17 : memref<80x128xf32, #tpu.memory_space<vmem>>) target(%dma_start3A_324 : memref<10240x128xf32, #tpu.memory_space<vmem_shared>>) offsets(%dma_start3A_321 : memref<80xi32, #tpu.memory_space<vmem>>) semaphore(%arg33 : memref<!tpu.dma_semaphore, #tpu.memory_space<semaphore_mem>>) {add = true}
    %dma_start3A_325 = arith.constant 1 : i32
    %dma_start3A_326 = arith.constant 0 : i32
    %dma_start3A_327 = tpu.memref_slice %arg11[%dma_start3A_325, %dma_start3A_326] : memref<2x80xi32, #tpu.memory_space<vmem>> -> memref<1x80xi32, #tpu.memory_space<vmem>>
    %dma_start3A_328 = tpu.memref_squeeze %dma_start3A_327 : memref<1x80xi32, #tpu.memory_space<vmem>> -> memref<80xi32, #tpu.memory_space<vmem>>
    %dma_start3A_329 = arith.constant 0 : i32
    %dma_start3A_330 = arith.constant 0 : i32
    %dma_start3A_331 = tpu.memref_slice %arg21[%dma_start3A_329, %dma_start3A_330] : memref<10240x16xf32, #tpu.memory_space<vmem_shared>> -> memref<10240x16xf32, #tpu.memory_space<vmem_shared>>
    tpu.enqueue_indirect_dma source(%arg18 : memref<80x16xf32, #tpu.memory_space<vmem>>) target(%dma_start3A_331 : memref<10240x16xf32, #tpu.memory_space<vmem_shared>>) offsets(%dma_start3A_328 : memref<80xi32, #tpu.memory_space<vmem>>) semaphore(%arg33 : memref<!tpu.dma_semaphore, #tpu.memory_space<semaphore_mem>>) {add = true}
    %add3A_332 = arith.constant 9600 : i32
    %add3A_333 = arith.addi %mul3A_2, %add3A_332 : i32
    %dma_start3A_334 = arith.constant 0 : i32
    %dma_start3A_335 = tpu.memref_slice %arg2[%dma_start3A_334, %add3A_333] : memref<2x320000xi32, #tpu.memory_space<hbm>> -> memref<2x80xi32, #tpu.memory_space<hbm>>
    %dma_start3A_336 = arith.constant 0 : i32
    %dma_start3A_337 = tpu.memref_slice %arg2[%dma_start3A_336, %add3A_333] : memref<2x320000xi32, #tpu.memory_space<hbm>> -> memref<2x80xi32, #tpu.memory_space<hbm>>
    tpu.enqueue_dma source(%dma_start3A_337 : memref<2x80xi32, #tpu.memory_space<hbm>>) target(%arg9 : memref<2x80xi32, #tpu.memory_space<vmem>>) target_semaphore(%arg22 : memref<!tpu.dma_semaphore, #tpu.memory_space<semaphore_mem>>)
    %dma_wait3A_338 = arith.constant 1 : i32
    %dma_wait3A_339 = arith.constant 0 : i32
    %dma_wait3A_340 = tpu.memref_slice %arg10[%dma_wait3A_338, %dma_wait3A_339] : memref<2x80xi32, #tpu.memory_space<vmem>> -> memref<1x80xi32, #tpu.memory_space<vmem>>
    %dma_wait3A_341 = tpu.memref_squeeze %dma_wait3A_340 : memref<1x80xi32, #tpu.memory_space<vmem>> -> memref<80xi32, #tpu.memory_space<vmem>>
    %dma_wait3A_342 = arith.constant 0 : i32
    %dma_wait3A_343 = arith.constant 0 : i32
    %dma_wait3A_344 = tpu.memref_slice %arg20[%dma_wait3A_342, %dma_wait3A_343] : memref<10240x128xf32, #tpu.memory_space<vmem_shared>> -> memref<10240x128xf32, #tpu.memory_space<vmem_shared>>
    tpu.wait_indirect_dma semaphore(%arg32 : memref<!tpu.dma_semaphore, #tpu.memory_space<semaphore_mem>>) src(%arg16 : memref<80x128xf32, #tpu.memory_space<vmem>>) dst(%dma_wait3A_344 : memref<10240x128xf32, #tpu.memory_space<vmem_shared>>)
    %dma_wait3A_345 = arith.constant 1 : i32
    %dma_wait3A_346 = arith.constant 0 : i32
    %dma_wait3A_347 = tpu.memref_slice %arg10[%dma_wait3A_345, %dma_wait3A_346] : memref<2x80xi32, #tpu.memory_space<vmem>> -> memref<1x80xi32, #tpu.memory_space<vmem>>
    %dma_wait3A_348 = tpu.memref_squeeze %dma_wait3A_347 : memref<1x80xi32, #tpu.memory_space<vmem>> -> memref<80xi32, #tpu.memory_space<vmem>>
    %dma_wait3A_349 = arith.constant 0 : i32
    %dma_wait3A_350 = arith.constant 0 : i32
    %dma_wait3A_351 = tpu.memref_slice %arg21[%dma_wait3A_349, %dma_wait3A_350] : memref<10240x16xf32, #tpu.memory_space<vmem_shared>> -> memref<10240x16xf32, #tpu.memory_space<vmem_shared>>
    tpu.wait_indirect_dma semaphore(%arg32 : memref<!tpu.dma_semaphore, #tpu.memory_space<semaphore_mem>>) src(%arg18 : memref<80x16xf32, #tpu.memory_space<vmem>>) dst(%dma_wait3A_351 : memref<10240x16xf32, #tpu.memory_space<vmem_shared>>)
    %dma_wait3A_352 = arith.constant 0 : i32
    %dma_wait3A_353 = arith.constant 0 : i32
    %dma_wait3A_354 = tpu.memref_slice %arg2[%dma_wait3A_352, %dma_wait3A_353] : memref<2x320000xi32, #tpu.memory_space<hbm>> -> memref<2x80xi32, #tpu.memory_space<hbm>>
    %dma_wait3A_355 = arith.constant 0 : i32
    %dma_wait3A_356 = arith.constant 0 : i32
    %dma_wait3A_357 = tpu.memref_slice %arg2[%dma_wait3A_355, %dma_wait3A_356] : memref<2x320000xi32, #tpu.memory_space<hbm>> -> memref<2x80xi32, #tpu.memory_space<hbm>>
    tpu.wait_dma2 semaphore(%arg26 : memref<!tpu.dma_semaphore, #tpu.memory_space<semaphore_mem>>) src(%dma_wait3A_357 : memref<2x80xi32, #tpu.memory_space<hbm>>) dst(%arg13 : memref<2x80xi32, #tpu.memory_space<vmem>>)
    %dma_start3A_358 = arith.constant 0 : i32
    %dma_start3A_359 = arith.constant 0 : i32
    %dma_start3A_360 = tpu.memref_slice %arg13[%dma_start3A_358, %dma_start3A_359] : memref<2x80xi32, #tpu.memory_space<vmem>> -> memref<1x80xi32, #tpu.memory_space<vmem>>
    %dma_start3A_361 = tpu.memref_squeeze %dma_start3A_360 : memref<1x80xi32, #tpu.memory_space<vmem>> -> memref<80xi32, #tpu.memory_space<vmem>>
    %dma_start3A_362 = arith.constant 0 : i32
    %dma_start3A_363 = arith.constant 0 : i32
    %dma_start3A_364 = tpu.memref_slice %arg3[%dma_start3A_362, %dma_start3A_363] : memref<10000x128xf32, #tpu.memory_space<hbm>> -> memref<10000x128xf32, #tpu.memory_space<hbm>>
    tpu.enqueue_indirect_dma source(%dma_start3A_364 : memref<10000x128xf32, #tpu.memory_space<hbm>>) target(%arg16 : memref<80x128xf32, #tpu.memory_space<vmem>>) offsets(%dma_start3A_361 : memref<80xi32, #tpu.memory_space<vmem>>) semaphore(%arg29 : memref<!tpu.dma_semaphore, #tpu.memory_space<semaphore_mem>>)
    %dma_wait3A_365 = arith.constant 0 : i32
    %dma_wait3A_366 = arith.constant 0 : i32
    %dma_wait3A_367 = tpu.memref_slice %arg12[%dma_wait3A_365, %dma_wait3A_366] : memref<2x80xi32, #tpu.memory_space<vmem>> -> memref<1x80xi32, #tpu.memory_space<vmem>>
    %dma_wait3A_368 = tpu.memref_squeeze %dma_wait3A_367 : memref<1x80xi32, #tpu.memory_space<vmem>> -> memref<80xi32, #tpu.memory_space<vmem>>
    %dma_wait3A_369 = arith.constant 0 : i32
    %dma_wait3A_370 = arith.constant 0 : i32
    %dma_wait3A_371 = tpu.memref_slice %arg3[%dma_wait3A_369, %dma_wait3A_370] : memref<10000x128xf32, #tpu.memory_space<hbm>> -> memref<10000x128xf32, #tpu.memory_space<hbm>>
    tpu.wait_indirect_dma semaphore(%arg28 : memref<!tpu.dma_semaphore, #tpu.memory_space<semaphore_mem>>) src(%dma_wait3A_371 : memref<10000x128xf32, #tpu.memory_space<hbm>>) dst(%arg15 : memref<80x128xf32, #tpu.memory_space<vmem>>)
    %dma_start3A_372 = arith.constant 1 : i32
    %dma_start3A_373 = arith.constant 0 : i32
    %dma_start3A_374 = tpu.memref_slice %arg12[%dma_start3A_372, %dma_start3A_373] : memref<2x80xi32, #tpu.memory_space<vmem>> -> memref<1x80xi32, #tpu.memory_space<vmem>>
    %dma_start3A_375 = tpu.memref_squeeze %dma_start3A_374 : memref<1x80xi32, #tpu.memory_space<vmem>> -> memref<80xi32, #tpu.memory_space<vmem>>
    %dma_start3A_376 = arith.constant 0 : i32
    %dma_start3A_377 = arith.constant 0 : i32
    %dma_start3A_378 = tpu.memref_slice %arg20[%dma_start3A_376, %dma_start3A_377] : memref<10240x128xf32, #tpu.memory_space<vmem_shared>> -> memref<10240x128xf32, #tpu.memory_space<vmem_shared>>
    tpu.enqueue_indirect_dma source(%arg15 : memref<80x128xf32, #tpu.memory_space<vmem>>) target(%dma_start3A_378 : memref<10240x128xf32, #tpu.memory_space<vmem_shared>>) offsets(%dma_start3A_375 : memref<80xi32, #tpu.memory_space<vmem>>) semaphore(%arg31 : memref<!tpu.dma_semaphore, #tpu.memory_space<semaphore_mem>>) {add = true}
    %dma_start3A_379 = arith.constant 1 : i32
    %dma_start3A_380 = arith.constant 0 : i32
    %dma_start3A_381 = tpu.memref_slice %arg12[%dma_start3A_379, %dma_start3A_380] : memref<2x80xi32, #tpu.memory_space<vmem>> -> memref<1x80xi32, #tpu.memory_space<vmem>>
    %dma_start3A_382 = tpu.memref_squeeze %dma_start3A_381 : memref<1x80xi32, #tpu.memory_space<vmem>> -> memref<80xi32, #tpu.memory_space<vmem>>
    %dma_start3A_383 = arith.constant 0 : i32
    %dma_start3A_384 = arith.constant 0 : i32
    %dma_start3A_385 = tpu.memref_slice %arg21[%dma_start3A_383, %dma_start3A_384] : memref<10240x16xf32, #tpu.memory_space<vmem_shared>> -> memref<10240x16xf32, #tpu.memory_space<vmem_shared>>
    tpu.enqueue_indirect_dma source(%arg18 : memref<80x16xf32, #tpu.memory_space<vmem>>) target(%dma_start3A_385 : memref<10240x16xf32, #tpu.memory_space<vmem_shared>>) offsets(%dma_start3A_382 : memref<80xi32, #tpu.memory_space<vmem>>) semaphore(%arg31 : memref<!tpu.dma_semaphore, #tpu.memory_space<semaphore_mem>>) {add = true}
    %add3A_386 = arith.constant 9680 : i32
    %add3A_387 = arith.addi %mul3A_2, %add3A_386 : i32
    %dma_start3A_388 = arith.constant 0 : i32
    %dma_start3A_389 = tpu.memref_slice %arg2[%dma_start3A_388, %add3A_387] : memref<2x320000xi32, #tpu.memory_space<hbm>> -> memref<2x80xi32, #tpu.memory_space<hbm>>
    %dma_start3A_390 = arith.constant 0 : i32
    %dma_start3A_391 = tpu.memref_slice %arg2[%dma_start3A_390, %add3A_387] : memref<2x320000xi32, #tpu.memory_space<hbm>> -> memref<2x80xi32, #tpu.memory_space<hbm>>
    tpu.enqueue_dma source(%dma_start3A_391 : memref<2x80xi32, #tpu.memory_space<hbm>>) target(%arg10 : memref<2x80xi32, #tpu.memory_space<vmem>>) target_semaphore(%arg23 : memref<!tpu.dma_semaphore, #tpu.memory_space<semaphore_mem>>)
    %dma_wait3A_392 = arith.constant 1 : i32
    %dma_wait3A_393 = arith.constant 0 : i32
    %dma_wait3A_394 = tpu.memref_slice %arg11[%dma_wait3A_392, %dma_wait3A_393] : memref<2x80xi32, #tpu.memory_space<vmem>> -> memref<1x80xi32, #tpu.memory_space<vmem>>
    %dma_wait3A_395 = tpu.memref_squeeze %dma_wait3A_394 : memref<1x80xi32, #tpu.memory_space<vmem>> -> memref<80xi32, #tpu.memory_space<vmem>>
    %dma_wait3A_396 = arith.constant 0 : i32
    %dma_wait3A_397 = arith.constant 0 : i32
    %dma_wait3A_398 = tpu.memref_slice %arg20[%dma_wait3A_396, %dma_wait3A_397] : memref<10240x128xf32, #tpu.memory_space<vmem_shared>> -> memref<10240x128xf32, #tpu.memory_space<vmem_shared>>
    tpu.wait_indirect_dma semaphore(%arg33 : memref<!tpu.dma_semaphore, #tpu.memory_space<semaphore_mem>>) src(%arg17 : memref<80x128xf32, #tpu.memory_space<vmem>>) dst(%dma_wait3A_398 : memref<10240x128xf32, #tpu.memory_space<vmem_shared>>)
    %dma_wait3A_399 = arith.constant 1 : i32
    %dma_wait3A_400 = arith.constant 0 : i32
    %dma_wait3A_401 = tpu.memref_slice %arg11[%dma_wait3A_399, %dma_wait3A_400] : memref<2x80xi32, #tpu.memory_space<vmem>> -> memref<1x80xi32, #tpu.memory_space<vmem>>
    %dma_wait3A_402 = tpu.memref_squeeze %dma_wait3A_401 : memref<1x80xi32, #tpu.memory_space<vmem>> -> memref<80xi32, #tpu.memory_space<vmem>>
    %dma_wait3A_403 = arith.constant 0 : i32
    %dma_wait3A_404 = arith.constant 0 : i32
    %dma_wait3A_405 = tpu.memref_slice %arg21[%dma_wait3A_403, %dma_wait3A_404] : memref<10240x16xf32, #tpu.memory_space<vmem_shared>> -> memref<10240x16xf32, #tpu.memory_space<vmem_shared>>
    tpu.wait_indirect_dma semaphore(%arg33 : memref<!tpu.dma_semaphore, #tpu.memory_space<semaphore_mem>>) src(%arg18 : memref<80x16xf32, #tpu.memory_space<vmem>>) dst(%dma_wait3A_405 : memref<10240x16xf32, #tpu.memory_space<vmem_shared>>)
    %dma_wait3A_406 = arith.constant 0 : i32
    %dma_wait3A_407 = arith.constant 0 : i32
    %dma_wait3A_408 = tpu.memref_slice %arg2[%dma_wait3A_406, %dma_wait3A_407] : memref<2x320000xi32, #tpu.memory_space<hbm>> -> memref<2x80xi32, #tpu.memory_space<hbm>>
    %dma_wait3A_409 = arith.constant 0 : i32
    %dma_wait3A_410 = arith.constant 0 : i32
    %dma_wait3A_411 = tpu.memref_slice %arg2[%dma_wait3A_409, %dma_wait3A_410] : memref<2x320000xi32, #tpu.memory_space<hbm>> -> memref<2x80xi32, #tpu.memory_space<hbm>>
    tpu.wait_dma2 semaphore(%arg27 : memref<!tpu.dma_semaphore, #tpu.memory_space<semaphore_mem>>) src(%dma_wait3A_411 : memref<2x80xi32, #tpu.memory_space<hbm>>) dst(%arg14 : memref<2x80xi32, #tpu.memory_space<vmem>>)
    %dma_start3A_412 = arith.constant 0 : i32
    %dma_start3A_413 = arith.constant 0 : i32
    %dma_start3A_414 = tpu.memref_slice %arg14[%dma_start3A_412, %dma_start3A_413] : memref<2x80xi32, #tpu.memory_space<vmem>> -> memref<1x80xi32, #tpu.memory_space<vmem>>
    %dma_start3A_415 = tpu.memref_squeeze %dma_start3A_414 : memref<1x80xi32, #tpu.memory_space<vmem>> -> memref<80xi32, #tpu.memory_space<vmem>>
    %dma_start3A_416 = arith.constant 0 : i32
    %dma_start3A_417 = arith.constant 0 : i32
    %dma_start3A_418 = tpu.memref_slice %arg3[%dma_start3A_416, %dma_start3A_417] : memref<10000x128xf32, #tpu.memory_space<hbm>> -> memref<10000x128xf32, #tpu.memory_space<hbm>>
    tpu.enqueue_indirect_dma source(%dma_start3A_418 : memref<10000x128xf32, #tpu.memory_space<hbm>>) target(%arg17 : memref<80x128xf32, #tpu.memory_space<vmem>>) offsets(%dma_start3A_415 : memref<80xi32, #tpu.memory_space<vmem>>) semaphore(%arg30 : memref<!tpu.dma_semaphore, #tpu.memory_space<semaphore_mem>>)
    %dma_wait3A_419 = arith.constant 0 : i32
    %dma_wait3A_420 = arith.constant 0 : i32
    %dma_wait3A_421 = tpu.memref_slice %arg13[%dma_wait3A_419, %dma_wait3A_420] : memref<2x80xi32, #tpu.memory_space<vmem>> -> memref<1x80xi32, #tpu.memory_space<vmem>>
    %dma_wait3A_422 = tpu.memref_squeeze %dma_wait3A_421 : memref<1x80xi32, #tpu.memory_space<vmem>> -> memref<80xi32, #tpu.memory_space<vmem>>
    %dma_wait3A_423 = arith.constant 0 : i32
    %dma_wait3A_424 = arith.constant 0 : i32
    %dma_wait3A_425 = tpu.memref_slice %arg3[%dma_wait3A_423, %dma_wait3A_424] : memref<10000x128xf32, #tpu.memory_space<hbm>> -> memref<10000x128xf32, #tpu.memory_space<hbm>>
    tpu.wait_indirect_dma semaphore(%arg29 : memref<!tpu.dma_semaphore, #tpu.memory_space<semaphore_mem>>) src(%dma_wait3A_425 : memref<10000x128xf32, #tpu.memory_space<hbm>>) dst(%arg16 : memref<80x128xf32, #tpu.memory_space<vmem>>)
    %dma_start3A_426 = arith.constant 1 : i32
    %dma_start3A_427 = arith.constant 0 : i32
    %dma_start3A_428 = tpu.memref_slice %arg13[%dma_start3A_426, %dma_start3A_427] : memref<2x80xi32, #tpu.memory_space<vmem>> -> memref<1x80xi32, #tpu.memory_space<vmem>>
    %dma_start3A_429 = tpu.memref_squeeze %dma_start3A_428 : memref<1x80xi32, #tpu.memory_space<vmem>> -> memref<80xi32, #tpu.memory_space<vmem>>
    %dma_start3A_430 = arith.constant 0 : i32
    %dma_start3A_431 = arith.constant 0 : i32
    %dma_start3A_432 = tpu.memref_slice %arg20[%dma_start3A_430, %dma_start3A_431] : memref<10240x128xf32, #tpu.memory_space<vmem_shared>> -> memref<10240x128xf32, #tpu.memory_space<vmem_shared>>
    tpu.enqueue_indirect_dma source(%arg16 : memref<80x128xf32, #tpu.memory_space<vmem>>) target(%dma_start3A_432 : memref<10240x128xf32, #tpu.memory_space<vmem_shared>>) offsets(%dma_start3A_429 : memref<80xi32, #tpu.memory_space<vmem>>) semaphore(%arg32 : memref<!tpu.dma_semaphore, #tpu.memory_space<semaphore_mem>>) {add = true}
    %dma_start3A_433 = arith.constant 1 : i32
    %dma_start3A_434 = arith.constant 0 : i32
    %dma_start3A_435 = tpu.memref_slice %arg13[%dma_start3A_433, %dma_start3A_434] : memref<2x80xi32, #tpu.memory_space<vmem>> -> memref<1x80xi32, #tpu.memory_space<vmem>>
    %dma_start3A_436 = tpu.memref_squeeze %dma_start3A_435 : memref<1x80xi32, #tpu.memory_space<vmem>> -> memref<80xi32, #tpu.memory_space<vmem>>
    %dma_start3A_437 = arith.constant 0 : i32
    %dma_start3A_438 = arith.constant 0 : i32
    %dma_start3A_439 = tpu.memref_slice %arg21[%dma_start3A_437, %dma_start3A_438] : memref<10240x16xf32, #tpu.memory_space<vmem_shared>> -> memref<10240x16xf32, #tpu.memory_space<vmem_shared>>
    tpu.enqueue_indirect_dma source(%arg18 : memref<80x16xf32, #tpu.memory_space<vmem>>) target(%dma_start3A_439 : memref<10240x16xf32, #tpu.memory_space<vmem_shared>>) offsets(%dma_start3A_436 : memref<80xi32, #tpu.memory_space<vmem>>) semaphore(%arg32 : memref<!tpu.dma_semaphore, #tpu.memory_space<semaphore_mem>>) {add = true}
    %add3A_440 = arith.constant 9760 : i32
    %add3A_441 = arith.addi %mul3A_2, %add3A_440 : i32
    %dma_start3A_442 = arith.constant 0 : i32
    %dma_start3A_443 = tpu.memref_slice %arg2[%dma_start3A_442, %add3A_441] : memref<2x320000xi32, #tpu.memory_space<hbm>> -> memref<2x80xi32, #tpu.memory_space<hbm>>
    %dma_start3A_444 = arith.constant 0 : i32
    %dma_start3A_445 = tpu.memref_slice %arg2[%dma_start3A_444, %add3A_441] : memref<2x320000xi32, #tpu.memory_space<hbm>> -> memref<2x80xi32, #tpu.memory_space<hbm>>
    tpu.enqueue_dma source(%dma_start3A_445 : memref<2x80xi32, #tpu.memory_space<hbm>>) target(%arg11 : memref<2x80xi32, #tpu.memory_space<vmem>>) target_semaphore(%arg24 : memref<!tpu.dma_semaphore, #tpu.memory_space<semaphore_mem>>)
    %dma_wait3A_446 = arith.constant 1 : i32
    %dma_wait3A_447 = arith.constant 0 : i32
    %dma_wait3A_448 = tpu.memref_slice %arg12[%dma_wait3A_446, %dma_wait3A_447] : memref<2x80xi32, #tpu.memory_space<vmem>> -> memref<1x80xi32, #tpu.memory_space<vmem>>
    %dma_wait3A_449 = tpu.memref_squeeze %dma_wait3A_448 : memref<1x80xi32, #tpu.memory_space<vmem>> -> memref<80xi32, #tpu.memory_space<vmem>>
    %dma_wait3A_450 = arith.constant 0 : i32
    %dma_wait3A_451 = arith.constant 0 : i32
    %dma_wait3A_452 = tpu.memref_slice %arg20[%dma_wait3A_450, %dma_wait3A_451] : memref<10240x128xf32, #tpu.memory_space<vmem_shared>> -> memref<10240x128xf32, #tpu.memory_space<vmem_shared>>
    tpu.wait_indirect_dma semaphore(%arg31 : memref<!tpu.dma_semaphore, #tpu.memory_space<semaphore_mem>>) src(%arg15 : memref<80x128xf32, #tpu.memory_space<vmem>>) dst(%dma_wait3A_452 : memref<10240x128xf32, #tpu.memory_space<vmem_shared>>)
    %dma_wait3A_453 = arith.constant 1 : i32
    %dma_wait3A_454 = arith.constant 0 : i32
    %dma_wait3A_455 = tpu.memref_slice %arg12[%dma_wait3A_453, %dma_wait3A_454] : memref<2x80xi32, #tpu.memory_space<vmem>> -> memref<1x80xi32, #tpu.memory_space<vmem>>
    %dma_wait3A_456 = tpu.memref_squeeze %dma_wait3A_455 : memref<1x80xi32, #tpu.memory_space<vmem>> -> memref<80xi32, #tpu.memory_space<vmem>>
    %dma_wait3A_457 = arith.constant 0 : i32
    %dma_wait3A_458 = arith.constant 0 : i32
    %dma_wait3A_459 = tpu.memref_slice %arg21[%dma_wait3A_457, %dma_wait3A_458] : memref<10240x16xf32, #tpu.memory_space<vmem_shared>> -> memref<10240x16xf32, #tpu.memory_space<vmem_shared>>
    tpu.wait_indirect_dma semaphore(%arg31 : memref<!tpu.dma_semaphore, #tpu.memory_space<semaphore_mem>>) src(%arg18 : memref<80x16xf32, #tpu.memory_space<vmem>>) dst(%dma_wait3A_459 : memref<10240x16xf32, #tpu.memory_space<vmem_shared>>)
    %dma_wait3A_460 = arith.constant 0 : i32
    %dma_wait3A_461 = arith.constant 0 : i32
    %dma_wait3A_462 = tpu.memref_slice %arg2[%dma_wait3A_460, %dma_wait3A_461] : memref<2x320000xi32, #tpu.memory_space<hbm>> -> memref<2x80xi32, #tpu.memory_space<hbm>>
    %dma_wait3A_463 = arith.constant 0 : i32
    %dma_wait3A_464 = arith.constant 0 : i32
    %dma_wait3A_465 = tpu.memref_slice %arg2[%dma_wait3A_463, %dma_wait3A_464] : memref<2x320000xi32, #tpu.memory_space<hbm>> -> memref<2x80xi32, #tpu.memory_space<hbm>>
    tpu.wait_dma2 semaphore(%arg22 : memref<!tpu.dma_semaphore, #tpu.memory_space<semaphore_mem>>) src(%dma_wait3A_465 : memref<2x80xi32, #tpu.memory_space<hbm>>) dst(%arg9 : memref<2x80xi32, #tpu.memory_space<vmem>>)
    %dma_start3A_466 = arith.constant 0 : i32
    %dma_start3A_467 = arith.constant 0 : i32
    %dma_start3A_468 = tpu.memref_slice %arg9[%dma_start3A_466, %dma_start3A_467] : memref<2x80xi32, #tpu.memory_space<vmem>> -> memref<1x80xi32, #tpu.memory_space<vmem>>
    %dma_start3A_469 = tpu.memref_squeeze %dma_start3A_468 : memref<1x80xi32, #tpu.memory_space<vmem>> -> memref<80xi32, #tpu.memory_space<vmem>>
    %dma_start3A_470 = arith.constant 0 : i32
    %dma_start3A_471 = arith.constant 0 : i32
    %dma_start3A_472 = tpu.memref_slice %arg3[%dma_start3A_470, %dma_start3A_471] : memref<10000x128xf32, #tpu.memory_space<hbm>> -> memref<10000x128xf32, #tpu.memory_space<hbm>>
    tpu.enqueue_indirect_dma source(%dma_start3A_472 : memref<10000x128xf32, #tpu.memory_space<hbm>>) target(%arg15 : memref<80x128xf32, #tpu.memory_space<vmem>>) offsets(%dma_start3A_469 : memref<80xi32, #tpu.memory_space<vmem>>) semaphore(%arg28 : memref<!tpu.dma_semaphore, #tpu.memory_space<semaphore_mem>>)
    %dma_wait3A_473 = arith.constant 0 : i32
    %dma_wait3A_474 = arith.constant 0 : i32
    %dma_wait3A_475 = tpu.memref_slice %arg14[%dma_wait3A_473, %dma_wait3A_474] : memref<2x80xi32, #tpu.memory_space<vmem>> -> memref<1x80xi32, #tpu.memory_space<vmem>>
    %dma_wait3A_476 = tpu.memref_squeeze %dma_wait3A_475 : memref<1x80xi32, #tpu.memory_space<vmem>> -> memref<80xi32, #tpu.memory_space<vmem>>
    %dma_wait3A_477 = arith.constant 0 : i32
    %dma_wait3A_478 = arith.constant 0 : i32
    %dma_wait3A_479 = tpu.memref_slice %arg3[%dma_wait3A_477, %dma_wait3A_478] : memref<10000x128xf32, #tpu.memory_space<hbm>> -> memref<10000x128xf32, #tpu.memory_space<hbm>>
    tpu.wait_indirect_dma semaphore(%arg30 : memref<!tpu.dma_semaphore, #tpu.memory_space<semaphore_mem>>) src(%dma_wait3A_479 : memref<10000x128xf32, #tpu.memory_space<hbm>>) dst(%arg17 : memref<80x128xf32, #tpu.memory_space<vmem>>)
    %dma_start3A_480 = arith.constant 1 : i32
    %dma_start3A_481 = arith.constant 0 : i32
    %dma_start3A_482 = tpu.memref_slice %arg14[%dma_start3A_480, %dma_start3A_481] : memref<2x80xi32, #tpu.memory_space<vmem>> -> memref<1x80xi32, #tpu.memory_space<vmem>>
    %dma_start3A_483 = tpu.memref_squeeze %dma_start3A_482 : memref<1x80xi32, #tpu.memory_space<vmem>> -> memref<80xi32, #tpu.memory_space<vmem>>
    %dma_start3A_484 = arith.constant 0 : i32
    %dma_start3A_485 = arith.constant 0 : i32
    %dma_start3A_486 = tpu.memref_slice %arg20[%dma_start3A_484, %dma_start3A_485] : memref<10240x128xf32, #tpu.memory_space<vmem_shared>> -> memref<10240x128xf32, #tpu.memory_space<vmem_shared>>
    tpu.enqueue_indirect_dma source(%arg17 : memref<80x128xf32, #tpu.memory_space<vmem>>) target(%dma_start3A_486 : memref<10240x128xf32, #tpu.memory_space<vmem_shared>>) offsets(%dma_start3A_483 : memref<80xi32, #tpu.memory_space<vmem>>) semaphore(%arg33 : memref<!tpu.dma_semaphore, #tpu.memory_space<semaphore_mem>>) {add = true}
    %dma_start3A_487 = arith.constant 1 : i32
    %dma_start3A_488 = arith.constant 0 : i32
    %dma_start3A_489 = tpu.memref_slice %arg14[%dma_start3A_487, %dma_start3A_488] : memref<2x80xi32, #tpu.memory_space<vmem>> -> memref<1x80xi32, #tpu.memory_space<vmem>>
    %dma_start3A_490 = tpu.memref_squeeze %dma_start3A_489 : memref<1x80xi32, #tpu.memory_space<vmem>> -> memref<80xi32, #tpu.memory_space<vmem>>
    %dma_start3A_491 = arith.constant 0 : i32
    %dma_start3A_492 = arith.constant 0 : i32
    %dma_start3A_493 = tpu.memref_slice %arg21[%dma_start3A_491, %dma_start3A_492] : memref<10240x16xf32, #tpu.memory_space<vmem_shared>> -> memref<10240x16xf32, #tpu.memory_space<vmem_shared>>
    tpu.enqueue_indirect_dma source(%arg18 : memref<80x16xf32, #tpu.memory_space<vmem>>) target(%dma_start3A_493 : memref<10240x16xf32, #tpu.memory_space<vmem_shared>>) offsets(%dma_start3A_490 : memref<80xi32, #tpu.memory_space<vmem>>) semaphore(%arg33 : memref<!tpu.dma_semaphore, #tpu.memory_space<semaphore_mem>>) {add = true}
    %add3A_494 = arith.constant 9840 : i32
    %add3A_495 = arith.addi %mul3A_2, %add3A_494 : i32
    %dma_start3A_496 = arith.constant 0 : i32
    %dma_start3A_497 = tpu.memref_slice %arg2[%dma_start3A_496, %add3A_495] : memref<2x320000xi32, #tpu.memory_space<hbm>> -> memref<2x80xi32, #tpu.memory_space<hbm>>
    %dma_start3A_498 = arith.constant 0 : i32
    %dma_start3A_499 = tpu.memref_slice %arg2[%dma_start3A_498, %add3A_495] : memref<2x320000xi32, #tpu.memory_space<hbm>> -> memref<2x80xi32, #tpu.memory_space<hbm>>
    tpu.enqueue_dma source(%dma_start3A_499 : memref<2x80xi32, #tpu.memory_space<hbm>>) target(%arg12 : memref<2x80xi32, #tpu.memory_space<vmem>>) target_semaphore(%arg25 : memref<!tpu.dma_semaphore, #tpu.memory_space<semaphore_mem>>)
    %dma_wait3A_500 = arith.constant 1 : i32
    %dma_wait3A_501 = arith.constant 0 : i32
    %dma_wait3A_502 = tpu.memref_slice %arg13[%dma_wait3A_500, %dma_wait3A_501] : memref<2x80xi32, #tpu.memory_space<vmem>> -> memref<1x80xi32, #tpu.memory_space<vmem>>
    %dma_wait3A_503 = tpu.memref_squeeze %dma_wait3A_502 : memref<1x80xi32, #tpu.memory_space<vmem>> -> memref<80xi32, #tpu.memory_space<vmem>>
    %dma_wait3A_504 = arith.constant 0 : i32
    %dma_wait3A_505 = arith.constant 0 : i32
    %dma_wait3A_506 = tpu.memref_slice %arg20[%dma_wait3A_504, %dma_wait3A_505] : memref<10240x128xf32, #tpu.memory_space<vmem_shared>> -> memref<10240x128xf32, #tpu.memory_space<vmem_shared>>
    tpu.wait_indirect_dma semaphore(%arg32 : memref<!tpu.dma_semaphore, #tpu.memory_space<semaphore_mem>>) src(%arg16 : memref<80x128xf32, #tpu.memory_space<vmem>>) dst(%dma_wait3A_506 : memref<10240x128xf32, #tpu.memory_space<vmem_shared>>)
    %dma_wait3A_507 = arith.constant 1 : i32
    %dma_wait3A_508 = arith.constant 0 : i32
    %dma_wait3A_509 = tpu.memref_slice %arg13[%dma_wait3A_507, %dma_wait3A_508] : memref<2x80xi32, #tpu.memory_space<vmem>> -> memref<1x80xi32, #tpu.memory_space<vmem>>
    %dma_wait3A_510 = tpu.memref_squeeze %dma_wait3A_509 : memref<1x80xi32, #tpu.memory_space<vmem>> -> memref<80xi32, #tpu.memory_space<vmem>>
    %dma_wait3A_511 = arith.constant 0 : i32
    %dma_wait3A_512 = arith.constant 0 : i32
    %dma_wait3A_513 = tpu.memref_slice %arg21[%dma_wait3A_511, %dma_wait3A_512] : memref<10240x16xf32, #tpu.memory_space<vmem_shared>> -> memref<10240x16xf32, #tpu.memory_space<vmem_shared>>
    tpu.wait_indirect_dma semaphore(%arg32 : memref<!tpu.dma_semaphore, #tpu.memory_space<semaphore_mem>>) src(%arg18 : memref<80x16xf32, #tpu.memory_space<vmem>>) dst(%dma_wait3A_513 : memref<10240x16xf32, #tpu.memory_space<vmem_shared>>)
    %dma_wait3A_514 = arith.constant 0 : i32
    %dma_wait3A_515 = arith.constant 0 : i32
    %dma_wait3A_516 = tpu.memref_slice %arg2[%dma_wait3A_514, %dma_wait3A_515] : memref<2x320000xi32, #tpu.memory_space<hbm>> -> memref<2x80xi32, #tpu.memory_space<hbm>>
    %dma_wait3A_517 = arith.constant 0 : i32
    %dma_wait3A_518 = arith.constant 0 : i32
    %dma_wait3A_519 = tpu.memref_slice %arg2[%dma_wait3A_517, %dma_wait3A_518] : memref<2x320000xi32, #tpu.memory_space<hbm>> -> memref<2x80xi32, #tpu.memory_space<hbm>>
    tpu.wait_dma2 semaphore(%arg23 : memref<!tpu.dma_semaphore, #tpu.memory_space<semaphore_mem>>) src(%dma_wait3A_519 : memref<2x80xi32, #tpu.memory_space<hbm>>) dst(%arg10 : memref<2x80xi32, #tpu.memory_space<vmem>>)
    %dma_start3A_520 = arith.constant 0 : i32
    %dma_start3A_521 = arith.constant 0 : i32
    %dma_start3A_522 = tpu.memref_slice %arg10[%dma_start3A_520, %dma_start3A_521] : memref<2x80xi32, #tpu.memory_space<vmem>> -> memref<1x80xi32, #tpu.memory_space<vmem>>
    %dma_start3A_523 = tpu.memref_squeeze %dma_start3A_522 : memref<1x80xi32, #tpu.memory_space<vmem>> -> memref<80xi32, #tpu.memory_space<vmem>>
    %dma_start3A_524 = arith.constant 0 : i32
    %dma_start3A_525 = arith.constant 0 : i32
    %dma_start3A_526 = tpu.memref_slice %arg3[%dma_start3A_524, %dma_start3A_525] : memref<10000x128xf32, #tpu.memory_space<hbm>> -> memref<10000x128xf32, #tpu.memory_space<hbm>>
    tpu.enqueue_indirect_dma source(%dma_start3A_526 : memref<10000x128xf32, #tpu.memory_space<hbm>>) target(%arg16 : memref<80x128xf32, #tpu.memory_space<vmem>>) offsets(%dma_start3A_523 : memref<80xi32, #tpu.memory_space<vmem>>) semaphore(%arg29 : memref<!tpu.dma_semaphore, #tpu.memory_space<semaphore_mem>>)
    %dma_wait3A_527 = arith.constant 0 : i32
    %dma_wait3A_528 = arith.constant 0 : i32
    %dma_wait3A_529 = tpu.memref_slice %arg9[%dma_wait3A_527, %dma_wait3A_528] : memref<2x80xi32, #tpu.memory_space<vmem>> -> memref<1x80xi32, #tpu.memory_space<vmem>>
    %dma_wait3A_530 = tpu.memref_squeeze %dma_wait3A_529 : memref<1x80xi32, #tpu.memory_space<vmem>> -> memref<80xi32, #tpu.memory_space<vmem>>
    %dma_wait3A_531 = arith.constant 0 : i32
    %dma_wait3A_532 = arith.constant 0 : i32
    %dma_wait3A_533 = tpu.memref_slice %arg3[%dma_wait3A_531, %dma_wait3A_532] : memref<10000x128xf32, #tpu.memory_space<hbm>> -> memref<10000x128xf32, #tpu.memory_space<hbm>>
    tpu.wait_indirect_dma semaphore(%arg28 : memref<!tpu.dma_semaphore, #tpu.memory_space<semaphore_mem>>) src(%dma_wait3A_533 : memref<10000x128xf32, #tpu.memory_space<hbm>>) dst(%arg15 : memref<80x128xf32, #tpu.memory_space<vmem>>)
    %dma_start3A_534 = arith.constant 1 : i32
    %dma_start3A_535 = arith.constant 0 : i32
    %dma_start3A_536 = tpu.memref_slice %arg9[%dma_start3A_534, %dma_start3A_535] : memref<2x80xi32, #tpu.memory_space<vmem>> -> memref<1x80xi32, #tpu.memory_space<vmem>>
    %dma_start3A_537 = tpu.memref_squeeze %dma_start3A_536 : memref<1x80xi32, #tpu.memory_space<vmem>> -> memref<80xi32, #tpu.memory_space<vmem>>
    %dma_start3A_538 = arith.constant 0 : i32
    %dma_start3A_539 = arith.constant 0 : i32
    %dma_start3A_540 = tpu.memref_slice %arg20[%dma_start3A_538, %dma_start3A_539] : memref<10240x128xf32, #tpu.memory_space<vmem_shared>> -> memref<10240x128xf32, #tpu.memory_space<vmem_shared>>
    tpu.enqueue_indirect_dma source(%arg15 : memref<80x128xf32, #tpu.memory_space<vmem>>) target(%dma_start3A_540 : memref<10240x128xf32, #tpu.memory_space<vmem_shared>>) offsets(%dma_start3A_537 : memref<80xi32, #tpu.memory_space<vmem>>) semaphore(%arg31 : memref<!tpu.dma_semaphore, #tpu.memory_space<semaphore_mem>>) {add = true}
    %dma_start3A_541 = arith.constant 1 : i32
    %dma_start3A_542 = arith.constant 0 : i32
    %dma_start3A_543 = tpu.memref_slice %arg9[%dma_start3A_541, %dma_start3A_542] : memref<2x80xi32, #tpu.memory_space<vmem>> -> memref<1x80xi32, #tpu.memory_space<vmem>>
    %dma_start3A_544 = tpu.memref_squeeze %dma_start3A_543 : memref<1x80xi32, #tpu.memory_space<vmem>> -> memref<80xi32, #tpu.memory_space<vmem>>
    %dma_start3A_545 = arith.constant 0 : i32
    %dma_start3A_546 = arith.constant 0 : i32
    %dma_start3A_547 = tpu.memref_slice %arg21[%dma_start3A_545, %dma_start3A_546] : memref<10240x16xf32, #tpu.memory_space<vmem_shared>> -> memref<10240x16xf32, #tpu.memory_space<vmem_shared>>
    tpu.enqueue_indirect_dma source(%arg18 : memref<80x16xf32, #tpu.memory_space<vmem>>) target(%dma_start3A_547 : memref<10240x16xf32, #tpu.memory_space<vmem_shared>>) offsets(%dma_start3A_544 : memref<80xi32, #tpu.memory_space<vmem>>) semaphore(%arg31 : memref<!tpu.dma_semaphore, #tpu.memory_space<semaphore_mem>>) {add = true}
    %add3A_548 = arith.constant 9920 : i32
    %add3A_549 = arith.addi %mul3A_2, %add3A_548 : i32
    %dma_start3A_550 = arith.constant 0 : i32
    %dma_start3A_551 = tpu.memref_slice %arg2[%dma_start3A_550, %add3A_549] : memref<2x320000xi32, #tpu.memory_space<hbm>> -> memref<2x80xi32, #tpu.memory_space<hbm>>
    %dma_start3A_552 = arith.constant 0 : i32
    %dma_start3A_553 = tpu.memref_slice %arg2[%dma_start3A_552, %add3A_549] : memref<2x320000xi32, #tpu.memory_space<hbm>> -> memref<2x80xi32, #tpu.memory_space<hbm>>
    tpu.enqueue_dma source(%dma_start3A_553 : memref<2x80xi32, #tpu.memory_space<hbm>>) target(%arg13 : memref<2x80xi32, #tpu.memory_space<vmem>>) target_semaphore(%arg26 : memref<!tpu.dma_semaphore, #tpu.memory_space<semaphore_mem>>)
    %dma_wait3A_554 = arith.constant 1 : i32
    %dma_wait3A_555 = arith.constant 0 : i32
    %dma_wait3A_556 = tpu.memref_slice %arg14[%dma_wait3A_554, %dma_wait3A_555] : memref<2x80xi32, #tpu.memory_space<vmem>> -> memref<1x80xi32, #tpu.memory_space<vmem>>
    %dma_wait3A_557 = tpu.memref_squeeze %dma_wait3A_556 : memref<1x80xi32, #tpu.memory_space<vmem>> -> memref<80xi32, #tpu.memory_space<vmem>>
    %dma_wait3A_558 = arith.constant 0 : i32
    %dma_wait3A_559 = arith.constant 0 : i32
    %dma_wait3A_560 = tpu.memref_slice %arg20[%dma_wait3A_558, %dma_wait3A_559] : memref<10240x128xf32, #tpu.memory_space<vmem_shared>> -> memref<10240x128xf32, #tpu.memory_space<vmem_shared>>
    tpu.wait_indirect_dma semaphore(%arg33 : memref<!tpu.dma_semaphore, #tpu.memory_space<semaphore_mem>>) src(%arg17 : memref<80x128xf32, #tpu.memory_space<vmem>>) dst(%dma_wait3A_560 : memref<10240x128xf32, #tpu.memory_space<vmem_shared>>)
    %dma_wait3A_561 = arith.constant 1 : i32
    %dma_wait3A_562 = arith.constant 0 : i32
    %dma_wait3A_563 = tpu.memref_slice %arg14[%dma_wait3A_561, %dma_wait3A_562] : memref<2x80xi32, #tpu.memory_space<vmem>> -> memref<1x80xi32, #tpu.memory_space<vmem>>
    %dma_wait3A_564 = tpu.memref_squeeze %dma_wait3A_563 : memref<1x80xi32, #tpu.memory_space<vmem>> -> memref<80xi32, #tpu.memory_space<vmem>>
    %dma_wait3A_565 = arith.constant 0 : i32
    %dma_wait3A_566 = arith.constant 0 : i32
    %dma_wait3A_567 = tpu.memref_slice %arg21[%dma_wait3A_565, %dma_wait3A_566] : memref<10240x16xf32, #tpu.memory_space<vmem_shared>> -> memref<10240x16xf32, #tpu.memory_space<vmem_shared>>
    tpu.wait_indirect_dma semaphore(%arg33 : memref<!tpu.dma_semaphore, #tpu.memory_space<semaphore_mem>>) src(%arg18 : memref<80x16xf32, #tpu.memory_space<vmem>>) dst(%dma_wait3A_567 : memref<10240x16xf32, #tpu.memory_space<vmem_shared>>)
    %dma_wait3A_568 = arith.constant 0 : i32
    %dma_wait3A_569 = arith.constant 0 : i32
    %dma_wait3A_570 = tpu.memref_slice %arg2[%dma_wait3A_568, %dma_wait3A_569] : memref<2x320000xi32, #tpu.memory_space<hbm>> -> memref<2x80xi32, #tpu.memory_space<hbm>>
    %dma_wait3A_571 = arith.constant 0 : i32
    %dma_wait3A_572 = arith.constant 0 : i32
    %dma_wait3A_573 = tpu.memref_slice %arg2[%dma_wait3A_571, %dma_wait3A_572] : memref<2x320000xi32, #tpu.memory_space<hbm>> -> memref<2x80xi32, #tpu.memory_space<hbm>>
    tpu.wait_dma2 semaphore(%arg24 : memref<!tpu.dma_semaphore, #tpu.memory_space<semaphore_mem>>) src(%dma_wait3A_573 : memref<2x80xi32, #tpu.memory_space<hbm>>) dst(%arg11 : memref<2x80xi32, #tpu.memory_space<vmem>>)
    %dma_start3A_574 = arith.constant 0 : i32
    %dma_start3A_575 = arith.constant 0 : i32
    %dma_start3A_576 = tpu.memref_slice %arg11[%dma_start3A_574, %dma_start3A_575] : memref<2x80xi32, #tpu.memory_space<vmem>> -> memref<1x80xi32, #tpu.memory_space<vmem>>
    %dma_start3A_577 = tpu.memref_squeeze %dma_start3A_576 : memref<1x80xi32, #tpu.memory_space<vmem>> -> memref<80xi32, #tpu.memory_space<vmem>>
    %dma_start3A_578 = arith.constant 0 : i32
    %dma_start3A_579 = arith.constant 0 : i32
    %dma_start3A_580 = tpu.memref_slice %arg3[%dma_start3A_578, %dma_start3A_579] : memref<10000x128xf32, #tpu.memory_space<hbm>> -> memref<10000x128xf32, #tpu.memory_space<hbm>>
    tpu.enqueue_indirect_dma source(%dma_start3A_580 : memref<10000x128xf32, #tpu.memory_space<hbm>>) target(%arg17 : memref<80x128xf32, #tpu.memory_space<vmem>>) offsets(%dma_start3A_577 : memref<80xi32, #tpu.memory_space<vmem>>) semaphore(%arg30 : memref<!tpu.dma_semaphore, #tpu.memory_space<semaphore_mem>>)
    %dma_wait3A_581 = arith.constant 0 : i32
    %dma_wait3A_582 = arith.constant 0 : i32
    %dma_wait3A_583 = tpu.memref_slice %arg10[%dma_wait3A_581, %dma_wait3A_582] : memref<2x80xi32, #tpu.memory_space<vmem>> -> memref<1x80xi32, #tpu.memory_space<vmem>>
    %dma_wait3A_584 = tpu.memref_squeeze %dma_wait3A_583 : memref<1x80xi32, #tpu.memory_space<vmem>> -> memref<80xi32, #tpu.memory_space<vmem>>
    %dma_wait3A_585 = arith.constant 0 : i32
    %dma_wait3A_586 = arith.constant 0 : i32
    %dma_wait3A_587 = tpu.memref_slice %arg3[%dma_wait3A_585, %dma_wait3A_586] : memref<10000x128xf32, #tpu.memory_space<hbm>> -> memref<10000x128xf32, #tpu.memory_space<hbm>>
    tpu.wait_indirect_dma semaphore(%arg29 : memref<!tpu.dma_semaphore, #tpu.memory_space<semaphore_mem>>) src(%dma_wait3A_587 : memref<10000x128xf32, #tpu.memory_space<hbm>>) dst(%arg16 : memref<80x128xf32, #tpu.memory_space<vmem>>)
    %dma_start3A_588 = arith.constant 1 : i32
    %dma_start3A_589 = arith.constant 0 : i32
    %dma_start3A_590 = tpu.memref_slice %arg10[%dma_start3A_588, %dma_start3A_589] : memref<2x80xi32, #tpu.memory_space<vmem>> -> memref<1x80xi32, #tpu.memory_space<vmem>>
    %dma_start3A_591 = tpu.memref_squeeze %dma_start3A_590 : memref<1x80xi32, #tpu.memory_space<vmem>> -> memref<80xi32, #tpu.memory_space<vmem>>
    %dma_start3A_592 = arith.constant 0 : i32
    %dma_start3A_593 = arith.constant 0 : i32
    %dma_start3A_594 = tpu.memref_slice %arg20[%dma_start3A_592, %dma_start3A_593] : memref<10240x128xf32, #tpu.memory_space<vmem_shared>> -> memref<10240x128xf32, #tpu.memory_space<vmem_shared>>
    tpu.enqueue_indirect_dma source(%arg16 : memref<80x128xf32, #tpu.memory_space<vmem>>) target(%dma_start3A_594 : memref<10240x128xf32, #tpu.memory_space<vmem_shared>>) offsets(%dma_start3A_591 : memref<80xi32, #tpu.memory_space<vmem>>) semaphore(%arg32 : memref<!tpu.dma_semaphore, #tpu.memory_space<semaphore_mem>>) {add = true}
    %dma_start3A_595 = arith.constant 1 : i32
    %dma_start3A_596 = arith.constant 0 : i32
    %dma_start3A_597 = tpu.memref_slice %arg10[%dma_start3A_595, %dma_start3A_596] : memref<2x80xi32, #tpu.memory_space<vmem>> -> memref<1x80xi32, #tpu.memory_space<vmem>>
    %dma_start3A_598 = tpu.memref_squeeze %dma_start3A_597 : memref<1x80xi32, #tpu.memory_space<vmem>> -> memref<80xi32, #tpu.memory_space<vmem>>
    %dma_start3A_599 = arith.constant 0 : i32
    %dma_start3A_600 = arith.constant 0 : i32
    %dma_start3A_601 = tpu.memref_slice %arg21[%dma_start3A_599, %dma_start3A_600] : memref<10240x16xf32, #tpu.memory_space<vmem_shared>> -> memref<10240x16xf32, #tpu.memory_space<vmem_shared>>
    tpu.enqueue_indirect_dma source(%arg18 : memref<80x16xf32, #tpu.memory_space<vmem>>) target(%dma_start3A_601 : memref<10240x16xf32, #tpu.memory_space<vmem_shared>>) offsets(%dma_start3A_598 : memref<80xi32, #tpu.memory_space<vmem>>) semaphore(%arg32 : memref<!tpu.dma_semaphore, #tpu.memory_space<semaphore_mem>>) {add = true}
    %dma_wait3A_602 = arith.constant 1 : i32
    %dma_wait3A_603 = arith.constant 0 : i32
    %dma_wait3A_604 = tpu.memref_slice %arg9[%dma_wait3A_602, %dma_wait3A_603] : memref<2x80xi32, #tpu.memory_space<vmem>> -> memref<1x80xi32, #tpu.memory_space<vmem>>
    %dma_wait3A_605 = tpu.memref_squeeze %dma_wait3A_604 : memref<1x80xi32, #tpu.memory_space<vmem>> -> memref<80xi32, #tpu.memory_space<vmem>>
    %dma_wait3A_606 = arith.constant 0 : i32
    %dma_wait3A_607 = arith.constant 0 : i32
    %dma_wait3A_608 = tpu.memref_slice %arg20[%dma_wait3A_606, %dma_wait3A_607] : memref<10240x128xf32, #tpu.memory_space<vmem_shared>> -> memref<10240x128xf32, #tpu.memory_space<vmem_shared>>
    tpu.wait_indirect_dma semaphore(%arg31 : memref<!tpu.dma_semaphore, #tpu.memory_space<semaphore_mem>>) src(%arg15 : memref<80x128xf32, #tpu.memory_space<vmem>>) dst(%dma_wait3A_608 : memref<10240x128xf32, #tpu.memory_space<vmem_shared>>)
    %dma_wait3A_609 = arith.constant 1 : i32
    %dma_wait3A_610 = arith.constant 0 : i32
    %dma_wait3A_611 = tpu.memref_slice %arg9[%dma_wait3A_609, %dma_wait3A_610] : memref<2x80xi32, #tpu.memory_space<vmem>> -> memref<1x80xi32, #tpu.memory_space<vmem>>
    %dma_wait3A_612 = tpu.memref_squeeze %dma_wait3A_611 : memref<1x80xi32, #tpu.memory_space<vmem>> -> memref<80xi32, #tpu.memory_space<vmem>>
    %dma_wait3A_613 = arith.constant 0 : i32
    %dma_wait3A_614 = arith.constant 0 : i32
    %dma_wait3A_615 = tpu.memref_slice %arg21[%dma_wait3A_613, %dma_wait3A_614] : memref<10240x16xf32, #tpu.memory_space<vmem_shared>> -> memref<10240x16xf32, #tpu.memory_space<vmem_shared>>
    tpu.wait_indirect_dma semaphore(%arg31 : memref<!tpu.dma_semaphore, #tpu.memory_space<semaphore_mem>>) src(%arg18 : memref<80x16xf32, #tpu.memory_space<vmem>>) dst(%dma_wait3A_615 : memref<10240x16xf32, #tpu.memory_space<vmem_shared>>)
    %dma_wait3A_616 = arith.constant 0 : i32
    %dma_wait3A_617 = arith.constant 0 : i32
    %dma_wait3A_618 = tpu.memref_slice %arg2[%dma_wait3A_616, %dma_wait3A_617] : memref<2x320000xi32, #tpu.memory_space<hbm>> -> memref<2x80xi32, #tpu.memory_space<hbm>>
    %dma_wait3A_619 = arith.constant 0 : i32
    %dma_wait3A_620 = arith.constant 0 : i32
    %dma_wait3A_621 = tpu.memref_slice %arg2[%dma_wait3A_619, %dma_wait3A_620] : memref<2x320000xi32, #tpu.memory_space<hbm>> -> memref<2x80xi32, #tpu.memory_space<hbm>>
    tpu.wait_dma2 semaphore(%arg25 : memref<!tpu.dma_semaphore, #tpu.memory_space<semaphore_mem>>) src(%dma_wait3A_621 : memref<2x80xi32, #tpu.memory_space<hbm>>) dst(%arg12 : memref<2x80xi32, #tpu.memory_space<vmem>>)
    %dma_start3A_622 = arith.constant 0 : i32
    %dma_start3A_623 = arith.constant 0 : i32
    %dma_start3A_624 = tpu.memref_slice %arg12[%dma_start3A_622, %dma_start3A_623] : memref<2x80xi32, #tpu.memory_space<vmem>> -> memref<1x80xi32, #tpu.memory_space<vmem>>
    %dma_start3A_625 = tpu.memref_squeeze %dma_start3A_624 : memref<1x80xi32, #tpu.memory_space<vmem>> -> memref<80xi32, #tpu.memory_space<vmem>>
    %dma_start3A_626 = arith.constant 0 : i32
    %dma_start3A_627 = arith.constant 0 : i32
    %dma_start3A_628 = tpu.memref_slice %arg3[%dma_start3A_626, %dma_start3A_627] : memref<10000x128xf32, #tpu.memory_space<hbm>> -> memref<10000x128xf32, #tpu.memory_space<hbm>>
    tpu.enqueue_indirect_dma source(%dma_start3A_628 : memref<10000x128xf32, #tpu.memory_space<hbm>>) target(%arg15 : memref<80x128xf32, #tpu.memory_space<vmem>>) offsets(%dma_start3A_625 : memref<80xi32, #tpu.memory_space<vmem>>) semaphore(%arg28 : memref<!tpu.dma_semaphore, #tpu.memory_space<semaphore_mem>>)
    %dma_wait3A_629 = arith.constant 0 : i32
    %dma_wait3A_630 = arith.constant 0 : i32
    %dma_wait3A_631 = tpu.memref_slice %arg11[%dma_wait3A_629, %dma_wait3A_630] : memref<2x80xi32, #tpu.memory_space<vmem>> -> memref<1x80xi32, #tpu.memory_space<vmem>>
    %dma_wait3A_632 = tpu.memref_squeeze %dma_wait3A_631 : memref<1x80xi32, #tpu.memory_space<vmem>> -> memref<80xi32, #tpu.memory_space<vmem>>
    %dma_wait3A_633 = arith.constant 0 : i32
    %dma_wait3A_634 = arith.constant 0 : i32
    %dma_wait3A_635 = tpu.memref_slice %arg3[%dma_wait3A_633, %dma_wait3A_634] : memref<10000x128xf32, #tpu.memory_space<hbm>> -> memref<10000x128xf32, #tpu.memory_space<hbm>>
    tpu.wait_indirect_dma semaphore(%arg30 : memref<!tpu.dma_semaphore, #tpu.memory_space<semaphore_mem>>) src(%dma_wait3A_635 : memref<10000x128xf32, #tpu.memory_space<hbm>>) dst(%arg17 : memref<80x128xf32, #tpu.memory_space<vmem>>)
    %dma_start3A_636 = arith.constant 1 : i32
    %dma_start3A_637 = arith.constant 0 : i32
    %dma_start3A_638 = tpu.memref_slice %arg11[%dma_start3A_636, %dma_start3A_637] : memref<2x80xi32, #tpu.memory_space<vmem>> -> memref<1x80xi32, #tpu.memory_space<vmem>>
    %dma_start3A_639 = tpu.memref_squeeze %dma_start3A_638 : memref<1x80xi32, #tpu.memory_space<vmem>> -> memref<80xi32, #tpu.memory_space<vmem>>
    %dma_start3A_640 = arith.constant 0 : i32
    %dma_start3A_641 = arith.constant 0 : i32
    %dma_start3A_642 = tpu.memref_slice %arg20[%dma_start3A_640, %dma_start3A_641] : memref<10240x128xf32, #tpu.memory_space<vmem_shared>> -> memref<10240x128xf32, #tpu.memory_space<vmem_shared>>
    tpu.enqueue_indirect_dma source(%arg17 : memref<80x128xf32, #tpu.memory_space<vmem>>) target(%dma_start3A_642 : memref<10240x128xf32, #tpu.memory_space<vmem_shared>>) offsets(%dma_start3A_639 : memref<80xi32, #tpu.memory_space<vmem>>) semaphore(%arg33 : memref<!tpu.dma_semaphore, #tpu.memory_space<semaphore_mem>>) {add = true}
    %dma_start3A_643 = arith.constant 1 : i32
    %dma_start3A_644 = arith.constant 0 : i32
    %dma_start3A_645 = tpu.memref_slice %arg11[%dma_start3A_643, %dma_start3A_644] : memref<2x80xi32, #tpu.memory_space<vmem>> -> memref<1x80xi32, #tpu.memory_space<vmem>>
    %dma_start3A_646 = tpu.memref_squeeze %dma_start3A_645 : memref<1x80xi32, #tpu.memory_space<vmem>> -> memref<80xi32, #tpu.memory_space<vmem>>
    %dma_start3A_647 = arith.constant 0 : i32
    %dma_start3A_648 = arith.constant 0 : i32
    %dma_start3A_649 = tpu.memref_slice %arg21[%dma_start3A_647, %dma_start3A_648] : memref<10240x16xf32, #tpu.memory_space<vmem_shared>> -> memref<10240x16xf32, #tpu.memory_space<vmem_shared>>
    tpu.enqueue_indirect_dma source(%arg18 : memref<80x16xf32, #tpu.memory_space<vmem>>) target(%dma_start3A_649 : memref<10240x16xf32, #tpu.memory_space<vmem_shared>>) offsets(%dma_start3A_646 : memref<80xi32, #tpu.memory_space<vmem>>) semaphore(%arg33 : memref<!tpu.dma_semaphore, #tpu.memory_space<semaphore_mem>>) {add = true}
    %dma_wait3A_650 = arith.constant 1 : i32
    %dma_wait3A_651 = arith.constant 0 : i32
    %dma_wait3A_652 = tpu.memref_slice %arg10[%dma_wait3A_650, %dma_wait3A_651] : memref<2x80xi32, #tpu.memory_space<vmem>> -> memref<1x80xi32, #tpu.memory_space<vmem>>
    %dma_wait3A_653 = tpu.memref_squeeze %dma_wait3A_652 : memref<1x80xi32, #tpu.memory_space<vmem>> -> memref<80xi32, #tpu.memory_space<vmem>>
    %dma_wait3A_654 = arith.constant 0 : i32
    %dma_wait3A_655 = arith.constant 0 : i32
    %dma_wait3A_656 = tpu.memref_slice %arg20[%dma_wait3A_654, %dma_wait3A_655] : memref<10240x128xf32, #tpu.memory_space<vmem_shared>> -> memref<10240x128xf32, #tpu.memory_space<vmem_shared>>
    tpu.wait_indirect_dma semaphore(%arg32 : memref<!tpu.dma_semaphore, #tpu.memory_space<semaphore_mem>>) src(%arg16 : memref<80x128xf32, #tpu.memory_space<vmem>>) dst(%dma_wait3A_656 : memref<10240x128xf32, #tpu.memory_space<vmem_shared>>)
    %dma_wait3A_657 = arith.constant 1 : i32
    %dma_wait3A_658 = arith.constant 0 : i32
    %dma_wait3A_659 = tpu.memref_slice %arg10[%dma_wait3A_657, %dma_wait3A_658] : memref<2x80xi32, #tpu.memory_space<vmem>> -> memref<1x80xi32, #tpu.memory_space<vmem>>
    %dma_wait3A_660 = tpu.memref_squeeze %dma_wait3A_659 : memref<1x80xi32, #tpu.memory_space<vmem>> -> memref<80xi32, #tpu.memory_space<vmem>>
    %dma_wait3A_661 = arith.constant 0 : i32
    %dma_wait3A_662 = arith.constant 0 : i32
    %dma_wait3A_663 = tpu.memref_slice %arg21[%dma_wait3A_661, %dma_wait3A_662] : memref<10240x16xf32, #tpu.memory_space<vmem_shared>> -> memref<10240x16xf32, #tpu.memory_space<vmem_shared>>
    tpu.wait_indirect_dma semaphore(%arg32 : memref<!tpu.dma_semaphore, #tpu.memory_space<semaphore_mem>>) src(%arg18 : memref<80x16xf32, #tpu.memory_space<vmem>>) dst(%dma_wait3A_663 : memref<10240x16xf32, #tpu.memory_space<vmem_shared>>)
    %dma_wait3A_664 = arith.constant 0 : i32
    %dma_wait3A_665 = arith.constant 0 : i32
    %dma_wait3A_666 = tpu.memref_slice %arg2[%dma_wait3A_664, %dma_wait3A_665] : memref<2x320000xi32, #tpu.memory_space<hbm>> -> memref<2x80xi32, #tpu.memory_space<hbm>>
    %dma_wait3A_667 = arith.constant 0 : i32
    %dma_wait3A_668 = arith.constant 0 : i32
    %dma_wait3A_669 = tpu.memref_slice %arg2[%dma_wait3A_667, %dma_wait3A_668] : memref<2x320000xi32, #tpu.memory_space<hbm>> -> memref<2x80xi32, #tpu.memory_space<hbm>>
    tpu.wait_dma2 semaphore(%arg26 : memref<!tpu.dma_semaphore, #tpu.memory_space<semaphore_mem>>) src(%dma_wait3A_669 : memref<2x80xi32, #tpu.memory_space<hbm>>) dst(%arg13 : memref<2x80xi32, #tpu.memory_space<vmem>>)
    %dma_start3A_670 = arith.constant 0 : i32
    %dma_start3A_671 = arith.constant 0 : i32
    %dma_start3A_672 = tpu.memref_slice %arg13[%dma_start3A_670, %dma_start3A_671] : memref<2x80xi32, #tpu.memory_space<vmem>> -> memref<1x80xi32, #tpu.memory_space<vmem>>
    %dma_start3A_673 = tpu.memref_squeeze %dma_start3A_672 : memref<1x80xi32, #tpu.memory_space<vmem>> -> memref<80xi32, #tpu.memory_space<vmem>>
    %dma_start3A_674 = arith.constant 0 : i32
    %dma_start3A_675 = arith.constant 0 : i32
    %dma_start3A_676 = tpu.memref_slice %arg3[%dma_start3A_674, %dma_start3A_675] : memref<10000x128xf32, #tpu.memory_space<hbm>> -> memref<10000x128xf32, #tpu.memory_space<hbm>>
    tpu.enqueue_indirect_dma source(%dma_start3A_676 : memref<10000x128xf32, #tpu.memory_space<hbm>>) target(%arg16 : memref<80x128xf32, #tpu.memory_space<vmem>>) offsets(%dma_start3A_673 : memref<80xi32, #tpu.memory_space<vmem>>) semaphore(%arg29 : memref<!tpu.dma_semaphore, #tpu.memory_space<semaphore_mem>>)
    %dma_wait3A_677 = arith.constant 0 : i32
    %dma_wait3A_678 = arith.constant 0 : i32
    %dma_wait3A_679 = tpu.memref_slice %arg12[%dma_wait3A_677, %dma_wait3A_678] : memref<2x80xi32, #tpu.memory_space<vmem>> -> memref<1x80xi32, #tpu.memory_space<vmem>>
    %dma_wait3A_680 = tpu.memref_squeeze %dma_wait3A_679 : memref<1x80xi32, #tpu.memory_space<vmem>> -> memref<80xi32, #tpu.memory_space<vmem>>
    %dma_wait3A_681 = arith.constant 0 : i32
    %dma_wait3A_682 = arith.constant 0 : i32
    %dma_wait3A_683 = tpu.memref_slice %arg3[%dma_wait3A_681, %dma_wait3A_682] : memref<10000x128xf32, #tpu.memory_space<hbm>> -> memref<10000x128xf32, #tpu.memory_space<hbm>>
    tpu.wait_indirect_dma semaphore(%arg28 : memref<!tpu.dma_semaphore, #tpu.memory_space<semaphore_mem>>) src(%dma_wait3A_683 : memref<10000x128xf32, #tpu.memory_space<hbm>>) dst(%arg15 : memref<80x128xf32, #tpu.memory_space<vmem>>)
    %dma_start3A_684 = arith.constant 1 : i32
    %dma_start3A_685 = arith.constant 0 : i32
    %dma_start3A_686 = tpu.memref_slice %arg12[%dma_start3A_684, %dma_start3A_685] : memref<2x80xi32, #tpu.memory_space<vmem>> -> memref<1x80xi32, #tpu.memory_space<vmem>>
    %dma_start3A_687 = tpu.memref_squeeze %dma_start3A_686 : memref<1x80xi32, #tpu.memory_space<vmem>> -> memref<80xi32, #tpu.memory_space<vmem>>
    %dma_start3A_688 = arith.constant 0 : i32
    %dma_start3A_689 = arith.constant 0 : i32
    %dma_start3A_690 = tpu.memref_slice %arg20[%dma_start3A_688, %dma_start3A_689] : memref<10240x128xf32, #tpu.memory_space<vmem_shared>> -> memref<10240x128xf32, #tpu.memory_space<vmem_shared>>
    tpu.enqueue_indirect_dma source(%arg15 : memref<80x128xf32, #tpu.memory_space<vmem>>) target(%dma_start3A_690 : memref<10240x128xf32, #tpu.memory_space<vmem_shared>>) offsets(%dma_start3A_687 : memref<80xi32, #tpu.memory_space<vmem>>) semaphore(%arg31 : memref<!tpu.dma_semaphore, #tpu.memory_space<semaphore_mem>>) {add = true}
    %dma_start3A_691 = arith.constant 1 : i32
    %dma_start3A_692 = arith.constant 0 : i32
    %dma_start3A_693 = tpu.memref_slice %arg12[%dma_start3A_691, %dma_start3A_692] : memref<2x80xi32, #tpu.memory_space<vmem>> -> memref<1x80xi32, #tpu.memory_space<vmem>>
    %dma_start3A_694 = tpu.memref_squeeze %dma_start3A_693 : memref<1x80xi32, #tpu.memory_space<vmem>> -> memref<80xi32, #tpu.memory_space<vmem>>
    %dma_start3A_695 = arith.constant 0 : i32
    %dma_start3A_696 = arith.constant 0 : i32
    %dma_start3A_697 = tpu.memref_slice %arg21[%dma_start3A_695, %dma_start3A_696] : memref<10240x16xf32, #tpu.memory_space<vmem_shared>> -> memref<10240x16xf32, #tpu.memory_space<vmem_shared>>
    tpu.enqueue_indirect_dma source(%arg18 : memref<80x16xf32, #tpu.memory_space<vmem>>) target(%dma_start3A_697 : memref<10240x16xf32, #tpu.memory_space<vmem_shared>>) offsets(%dma_start3A_694 : memref<80xi32, #tpu.memory_space<vmem>>) semaphore(%arg31 : memref<!tpu.dma_semaphore, #tpu.memory_space<semaphore_mem>>) {add = true}
    %dma_wait3A_698 = arith.constant 0 : i32
    %dma_wait3A_699 = arith.constant 0 : i32
    %dma_wait3A_700 = tpu.memref_slice %arg13[%dma_wait3A_698, %dma_wait3A_699] : memref<2x80xi32, #tpu.memory_space<vmem>> -> memref<1x80xi32, #tpu.memory_space<vmem>>
    %dma_wait3A_701 = tpu.memref_squeeze %dma_wait3A_700 : memref<1x80xi32, #tpu.memory_space<vmem>> -> memref<80xi32, #tpu.memory_space<vmem>>
    %dma_wait3A_702 = arith.constant 0 : i32
    %dma_wait3A_703 = arith.constant 0 : i32
    %dma_wait3A_704 = tpu.memref_slice %arg3[%dma_wait3A_702, %dma_wait3A_703] : memref<10000x128xf32, #tpu.memory_space<hbm>> -> memref<10000x128xf32, #tpu.memory_space<hbm>>
    tpu.wait_indirect_dma semaphore(%arg29 : memref<!tpu.dma_semaphore, #tpu.memory_space<semaphore_mem>>) src(%dma_wait3A_704 : memref<10000x128xf32, #tpu.memory_space<hbm>>) dst(%arg16 : memref<80x128xf32, #tpu.memory_space<vmem>>)
    %dma_start3A_705 = arith.constant 1 : i32
    %dma_start3A_706 = arith.constant 0 : i32
    %dma_start3A_707 = tpu.memref_slice %arg13[%dma_start3A_705, %dma_start3A_706] : memref<2x80xi32, #tpu.memory_space<vmem>> -> memref<1x80xi32, #tpu.memory_space<vmem>>
    %dma_start3A_708 = tpu.memref_squeeze %dma_start3A_707 : memref<1x80xi32, #tpu.memory_space<vmem>> -> memref<80xi32, #tpu.memory_space<vmem>>
    %dma_start3A_709 = arith.constant 0 : i32
    %dma_start3A_710 = arith.constant 0 : i32
    %dma_start3A_711 = tpu.memref_slice %arg20[%dma_start3A_709, %dma_start3A_710] : memref<10240x128xf32, #tpu.memory_space<vmem_shared>> -> memref<10240x128xf32, #tpu.memory_space<vmem_shared>>
    tpu.enqueue_indirect_dma source(%arg16 : memref<80x128xf32, #tpu.memory_space<vmem>>) target(%dma_start3A_711 : memref<10240x128xf32, #tpu.memory_space<vmem_shared>>) offsets(%dma_start3A_708 : memref<80xi32, #tpu.memory_space<vmem>>) semaphore(%arg32 : memref<!tpu.dma_semaphore, #tpu.memory_space<semaphore_mem>>) {add = true}
    %dma_start3A_712 = arith.constant 1 : i32
    %dma_start3A_713 = arith.constant 0 : i32
    %dma_start3A_714 = tpu.memref_slice %arg13[%dma_start3A_712, %dma_start3A_713] : memref<2x80xi32, #tpu.memory_space<vmem>> -> memref<1x80xi32, #tpu.memory_space<vmem>>
    %dma_start3A_715 = tpu.memref_squeeze %dma_start3A_714 : memref<1x80xi32, #tpu.memory_space<vmem>> -> memref<80xi32, #tpu.memory_space<vmem>>
    %dma_start3A_716 = arith.constant 0 : i32
    %dma_start3A_717 = arith.constant 0 : i32
    %dma_start3A_718 = tpu.memref_slice %arg21[%dma_start3A_716, %dma_start3A_717] : memref<10240x16xf32, #tpu.memory_space<vmem_shared>> -> memref<10240x16xf32, #tpu.memory_space<vmem_shared>>
    tpu.enqueue_indirect_dma source(%arg18 : memref<80x16xf32, #tpu.memory_space<vmem>>) target(%dma_start3A_718 : memref<10240x16xf32, #tpu.memory_space<vmem_shared>>) offsets(%dma_start3A_715 : memref<80xi32, #tpu.memory_space<vmem>>) semaphore(%arg32 : memref<!tpu.dma_semaphore, #tpu.memory_space<semaphore_mem>>) {add = true}
    %dma_wait3A_719 = arith.constant 1 : i32
    %dma_wait3A_720 = arith.constant 0 : i32
    %dma_wait3A_721 = tpu.memref_slice %arg11[%dma_wait3A_719, %dma_wait3A_720] : memref<2x80xi32, #tpu.memory_space<vmem>> -> memref<1x80xi32, #tpu.memory_space<vmem>>
    %dma_wait3A_722 = tpu.memref_squeeze %dma_wait3A_721 : memref<1x80xi32, #tpu.memory_space<vmem>> -> memref<80xi32, #tpu.memory_space<vmem>>
    %dma_wait3A_723 = arith.constant 0 : i32
    %dma_wait3A_724 = arith.constant 0 : i32
    %dma_wait3A_725 = tpu.memref_slice %arg20[%dma_wait3A_723, %dma_wait3A_724] : memref<10240x128xf32, #tpu.memory_space<vmem_shared>> -> memref<10240x128xf32, #tpu.memory_space<vmem_shared>>
    tpu.wait_indirect_dma semaphore(%arg33 : memref<!tpu.dma_semaphore, #tpu.memory_space<semaphore_mem>>) src(%arg17 : memref<80x128xf32, #tpu.memory_space<vmem>>) dst(%dma_wait3A_725 : memref<10240x128xf32, #tpu.memory_space<vmem_shared>>)
    %dma_wait3A_726 = arith.constant 1 : i32
    %dma_wait3A_727 = arith.constant 0 : i32
    %dma_wait3A_728 = tpu.memref_slice %arg11[%dma_wait3A_726, %dma_wait3A_727] : memref<2x80xi32, #tpu.memory_space<vmem>> -> memref<1x80xi32, #tpu.memory_space<vmem>>
    %dma_wait3A_729 = tpu.memref_squeeze %dma_wait3A_728 : memref<1x80xi32, #tpu.memory_space<vmem>> -> memref<80xi32, #tpu.memory_space<vmem>>
    %dma_wait3A_730 = arith.constant 0 : i32
    %dma_wait3A_731 = arith.constant 0 : i32
    %dma_wait3A_732 = tpu.memref_slice %arg21[%dma_wait3A_730, %dma_wait3A_731] : memref<10240x16xf32, #tpu.memory_space<vmem_shared>> -> memref<10240x16xf32, #tpu.memory_space<vmem_shared>>
    tpu.wait_indirect_dma semaphore(%arg33 : memref<!tpu.dma_semaphore, #tpu.memory_space<semaphore_mem>>) src(%arg18 : memref<80x16xf32, #tpu.memory_space<vmem>>) dst(%dma_wait3A_732 : memref<10240x16xf32, #tpu.memory_space<vmem_shared>>)
    %dma_wait3A_733 = arith.constant 1 : i32
    %dma_wait3A_734 = arith.constant 0 : i32
    %dma_wait3A_735 = tpu.memref_slice %arg12[%dma_wait3A_733, %dma_wait3A_734] : memref<2x80xi32, #tpu.memory_space<vmem>> -> memref<1x80xi32, #tpu.memory_space<vmem>>
    %dma_wait3A_736 = tpu.memref_squeeze %dma_wait3A_735 : memref<1x80xi32, #tpu.memory_space<vmem>> -> memref<80xi32, #tpu.memory_space<vmem>>
    %dma_wait3A_737 = arith.constant 0 : i32
    %dma_wait3A_738 = arith.constant 0 : i32
    %dma_wait3A_739 = tpu.memref_slice %arg20[%dma_wait3A_737, %dma_wait3A_738] : memref<10240x128xf32, #tpu.memory_space<vmem_shared>> -> memref<10240x128xf32, #tpu.memory_space<vmem_shared>>
    tpu.wait_indirect_dma semaphore(%arg31 : memref<!tpu.dma_semaphore, #tpu.memory_space<semaphore_mem>>) src(%arg15 : memref<80x128xf32, #tpu.memory_space<vmem>>) dst(%dma_wait3A_739 : memref<10240x128xf32, #tpu.memory_space<vmem_shared>>)
    %dma_wait3A_740 = arith.constant 1 : i32
    %dma_wait3A_741 = arith.constant 0 : i32
    %dma_wait3A_742 = tpu.memref_slice %arg12[%dma_wait3A_740, %dma_wait3A_741] : memref<2x80xi32, #tpu.memory_space<vmem>> -> memref<1x80xi32, #tpu.memory_space<vmem>>
    %dma_wait3A_743 = tpu.memref_squeeze %dma_wait3A_742 : memref<1x80xi32, #tpu.memory_space<vmem>> -> memref<80xi32, #tpu.memory_space<vmem>>
    %dma_wait3A_744 = arith.constant 0 : i32
    %dma_wait3A_745 = arith.constant 0 : i32
    %dma_wait3A_746 = tpu.memref_slice %arg21[%dma_wait3A_744, %dma_wait3A_745] : memref<10240x16xf32, #tpu.memory_space<vmem_shared>> -> memref<10240x16xf32, #tpu.memory_space<vmem_shared>>
    tpu.wait_indirect_dma semaphore(%arg31 : memref<!tpu.dma_semaphore, #tpu.memory_space<semaphore_mem>>) src(%arg18 : memref<80x16xf32, #tpu.memory_space<vmem>>) dst(%dma_wait3A_746 : memref<10240x16xf32, #tpu.memory_space<vmem_shared>>)
    %dma_wait3A_747 = arith.constant 1 : i32
    %dma_wait3A_748 = arith.constant 0 : i32
    %dma_wait3A_749 = tpu.memref_slice %arg13[%dma_wait3A_747, %dma_wait3A_748] : memref<2x80xi32, #tpu.memory_space<vmem>> -> memref<1x80xi32, #tpu.memory_space<vmem>>
    %dma_wait3A_750 = tpu.memref_squeeze %dma_wait3A_749 : memref<1x80xi32, #tpu.memory_space<vmem>> -> memref<80xi32, #tpu.memory_space<vmem>>
    %dma_wait3A_751 = arith.constant 0 : i32
    %dma_wait3A_752 = arith.constant 0 : i32
    %dma_wait3A_753 = tpu.memref_slice %arg20[%dma_wait3A_751, %dma_wait3A_752] : memref<10240x128xf32, #tpu.memory_space<vmem_shared>> -> memref<10240x128xf32, #tpu.memory_space<vmem_shared>>
    tpu.wait_indirect_dma semaphore(%arg32 : memref<!tpu.dma_semaphore, #tpu.memory_space<semaphore_mem>>) src(%arg16 : memref<80x128xf32, #tpu.memory_space<vmem>>) dst(%dma_wait3A_753 : memref<10240x128xf32, #tpu.memory_space<vmem_shared>>)
    %dma_wait3A_754 = arith.constant 1 : i32
    %dma_wait3A_755 = arith.constant 0 : i32
    %dma_wait3A_756 = tpu.memref_slice %arg13[%dma_wait3A_754, %dma_wait3A_755] : memref<2x80xi32, #tpu.memory_space<vmem>> -> memref<1x80xi32, #tpu.memory_space<vmem>>
    %dma_wait3A_757 = tpu.memref_squeeze %dma_wait3A_756 : memref<1x80xi32, #tpu.memory_space<vmem>> -> memref<80xi32, #tpu.memory_space<vmem>>
    %dma_wait3A_758 = arith.constant 0 : i32
    %dma_wait3A_759 = arith.constant 0 : i32
    %dma_wait3A_760 = tpu.memref_slice %arg21[%dma_wait3A_758, %dma_wait3A_759] : memref<10240x16xf32, #tpu.memory_space<vmem_shared>> -> memref<10240x16xf32, #tpu.memory_space<vmem_shared>>
    tpu.wait_indirect_dma semaphore(%arg32 : memref<!tpu.dma_semaphore, #tpu.memory_space<semaphore_mem>>) src(%arg18 : memref<80x16xf32, #tpu.memory_space<vmem>>) dst(%dma_wait3A_760 : memref<10240x16xf32, #tpu.memory_space<vmem_shared>>)
    %barrier3A_761 = arith.constant 0 : index
    tpu.barrier barrier_id(%barrier3A_761)
    %dma_start3A_762 = arith.constant 0 : i32
    %dma_start3A_763 = tpu.memref_slice %arg7[%arg0, %mul3A_4, %dma_start3A_762] : memref<2x10240x128xf32, #tpu.memory_space<hbm>> -> memref<1x640x128xf32, #tpu.memory_space<hbm>>
    %dma_start3A_764 = tpu.memref_squeeze %dma_start3A_763 : memref<1x640x128xf32, #tpu.memory_space<hbm>> -> memref<640x128xf32, #tpu.memory_space<hbm>>
    %dma_start3A_765 = arith.constant 0 : i32
    %dma_start3A_766 = tpu.memref_slice %arg20[%mul3A_4, %dma_start3A_765] : memref<10240x128xf32, #tpu.memory_space<vmem_shared>> -> memref<640x128xf32, #tpu.memory_space<vmem_shared>>
    tpu.enqueue_dma source(%dma_start3A_766 : memref<640x128xf32, #tpu.memory_space<vmem_shared>>) target(%dma_start3A_764 : memref<640x128xf32, #tpu.memory_space<hbm>>) target_semaphore(%arg28 : memref<!tpu.dma_semaphore, #tpu.memory_space<semaphore_mem>>)
    %dma_start3A_767 = arith.constant 0 : i32
    %dma_start3A_768 = tpu.memref_slice %arg8[%arg0, %mul3A_4, %dma_start3A_767] : memref<2x10240x16xf32, #tpu.memory_space<hbm>> -> memref<1x640x16xf32, #tpu.memory_space<hbm>>
    %dma_start3A_769 = tpu.memref_squeeze %dma_start3A_768 : memref<1x640x16xf32, #tpu.memory_space<hbm>> -> memref<640x16xf32, #tpu.memory_space<hbm>>
    %dma_start3A_770 = arith.constant 0 : i32
    %dma_start3A_771 = tpu.memref_slice %arg21[%mul3A_4, %dma_start3A_770] : memref<10240x16xf32, #tpu.memory_space<vmem_shared>> -> memref<640x16xf32, #tpu.memory_space<vmem_shared>>
    tpu.enqueue_dma source(%dma_start3A_771 : memref<640x16xf32, #tpu.memory_space<vmem_shared>>) target(%dma_start3A_769 : memref<640x16xf32, #tpu.memory_space<hbm>>) target_semaphore(%arg29 : memref<!tpu.dma_semaphore, #tpu.memory_space<semaphore_mem>>)
    %dma_wait3A_772 = arith.constant 0 : i32
    %dma_wait3A_773 = tpu.memref_slice %arg7[%arg0, %mul3A_4, %dma_wait3A_772] : memref<2x10240x128xf32, #tpu.memory_space<hbm>> -> memref<1x640x128xf32, #tpu.memory_space<hbm>>
    %dma_wait3A_774 = tpu.memref_squeeze %dma_wait3A_773 : memref<1x640x128xf32, #tpu.memory_space<hbm>> -> memref<640x128xf32, #tpu.memory_space<hbm>>
    %dma_wait3A_775 = arith.constant 0 : i32
    %dma_wait3A_776 = tpu.memref_slice %arg20[%mul3A_4, %dma_wait3A_775] : memref<10240x128xf32, #tpu.memory_space<vmem_shared>> -> memref<640x128xf32, #tpu.memory_space<vmem_shared>>
    tpu.wait_dma2 semaphore(%arg28 : memref<!tpu.dma_semaphore, #tpu.memory_space<semaphore_mem>>) src(%dma_wait3A_776 : memref<640x128xf32, #tpu.memory_space<vmem_shared>>) dst(%dma_wait3A_774 : memref<640x128xf32, #tpu.memory_space<hbm>>)
    %dma_wait3A_777 = arith.constant 0 : i32
    %dma_wait3A_778 = tpu.memref_slice %arg8[%arg0, %mul3A_4, %dma_wait3A_777] : memref<2x10240x16xf32, #tpu.memory_space<hbm>> -> memref<1x640x16xf32, #tpu.memory_space<hbm>>
    %dma_wait3A_779 = tpu.memref_squeeze %dma_wait3A_778 : memref<1x640x16xf32, #tpu.memory_space<hbm>> -> memref<640x16xf32, #tpu.memory_space<hbm>>
    %dma_wait3A_780 = arith.constant 0 : i32
    %dma_wait3A_781 = tpu.memref_slice %arg21[%mul3A_4, %dma_wait3A_780] : memref<10240x16xf32, #tpu.memory_space<vmem_shared>> -> memref<640x16xf32, #tpu.memory_space<vmem_shared>>
    tpu.wait_dma2 semaphore(%arg29 : memref<!tpu.dma_semaphore, #tpu.memory_space<semaphore_mem>>) src(%dma_wait3A_781 : memref<640x16xf32, #tpu.memory_space<vmem_shared>>) dst(%dma_wait3A_779 : memref<640x16xf32, #tpu.memory_space<hbm>>)
    return
  }
}

module attributes {stable_mosaic.version = 14 : i64} {
  func.func @_tc_body(%arg0: i32, %arg1: memref<2000x128xf32, #tpu.memory_space<vmem>>, %arg2: memref<2x2000x128xf32, #tpu.memory_space<vmem>>, %arg3: memref<2x2000x16xf32, #tpu.memory_space<vmem>>, %arg4: memref<128x128xf32, #tpu.memory_space<vmem>>, %arg5: memref<128x128xf32, #tpu.memory_space<vmem>>, %arg6: memref<1x128xf32, #tpu.memory_space<vmem>>, %arg7: memref<2000x128xf32, #tpu.memory_space<vmem>>) attributes {dimension_semantics = [#tpu.dimension_semantics<arbitrary>], iteration_bounds = array<i64: 5>, scalar_prefetch = 0 : i64, scratch_operands = 0 : i64, tpu.core_type = #tpu.core_type<tc>, window_params = [{transform_indices = @transform_0, window_bounds = array<i64: 2000, 128>}, {transform_indices = @transform_1, window_bounds = array<i64: 2, 2000, 128>}, {transform_indices = @transform_2, window_bounds = array<i64: 2, 2000, 16>}, {pipeline_mode = #tpu.pipeline_mode<synchronous>, transform_indices = @transform_3, window_bounds = array<i64: 128, 128>}, {pipeline_mode = #tpu.pipeline_mode<synchronous>, transform_indices = @transform_4, window_bounds = array<i64: 128, 128>}, {pipeline_mode = #tpu.pipeline_mode<synchronous>, transform_indices = @transform_5, window_bounds = array<i64: 1, 128>}, {transform_indices = @transform_6, window_bounds = array<i64: 2000, 128>}]} {
    %get3A = arith.constant 0 : index
    %get3A_0 = arith.constant 0 : index
    %get3A_1 = arith.constant 0 : index
    %get3A_2 = vector.load %arg2[%get3A, %get3A_0, %get3A_1] : memref<2x2000x128xf32, #tpu.memory_space<vmem>>, vector<1x2000x128xf32>
    %get3A_3 = vector.shape_cast %get3A_2 : vector<1x2000x128xf32> to vector<2000x128xf32>
    %get3A_4 = arith.constant 1 : index
    %get3A_5 = arith.constant 0 : index
    %get3A_6 = arith.constant 0 : index
    %get3A_7 = vector.load %arg2[%get3A_4, %get3A_5, %get3A_6] : memref<2x2000x128xf32, #tpu.memory_space<vmem>>, vector<1x2000x128xf32>
    %get3A_8 = vector.shape_cast %get3A_7 : vector<1x2000x128xf32> to vector<2000x128xf32>
    %add3A = arith.addf %get3A_3, %get3A_8 : vector<2000x128xf32>
    %get3A_9 = arith.constant 0 : index
    %get3A_10 = arith.constant 0 : index
    %get3A_11 = arith.constant 0 : index
    %get3A_12 = vector.load %arg3[%get3A_9, %get3A_10, %get3A_11] : memref<2x2000x16xf32, #tpu.memory_space<vmem>>, vector<1x2000x16xf32>
    %get3A_13 = vector.shape_cast %get3A_12 : vector<1x2000x16xf32> to vector<2000x16xf32>
    %get3A_14 = arith.constant 1 : index
    %get3A_15 = arith.constant 0 : index
    %get3A_16 = arith.constant 0 : index
    %get3A_17 = vector.load %arg3[%get3A_14, %get3A_15, %get3A_16] : memref<2x2000x16xf32, #tpu.memory_space<vmem>>, vector<1x2000x16xf32>
    %get3A_18 = vector.shape_cast %get3A_17 : vector<1x2000x16xf32> to vector<2000x16xf32>
    %add3A_19 = arith.addf %get3A_13, %get3A_18 : vector<2000x16xf32>
    %reduce_sum3A = arith.constant dense<0.000000e+00> : vector<2000xf32>
    %reduce_sum3A_20 = vector.multi_reduction <add>, %add3A_19, %reduce_sum3A [1] : vector<2000x16xf32> to vector<2000xf32>
    %broadcast_in_dim3A = vector.shape_cast %reduce_sum3A_20 : vector<2000xf32> to vector<2000x1xf32>
    %max3A = arith.constant 1.000000e+00 : f32
    %max3A_21 = vector.broadcast %max3A : f32 to vector<2000x1xf32>
    %max3A_22 = arith.maximumf %broadcast_in_dim3A, %max3A_21 : vector<2000x1xf32>
    %div3A = arith.constant 1.000000e+00 : f32
    %div3A_23 = vector.broadcast %div3A : f32 to vector<2000x1xf32>
    %div3A_24 = arith.divf %div3A_23, %max3A_22 : vector<2000x1xf32>
    %mul3A = vector.broadcast %div3A_24 : vector<2000x1xf32> to vector<2000x128xf32>
    %mul3A_25 = arith.mulf %add3A, %mul3A : vector<2000x128xf32>
    %get3A_26 = arith.constant 0 : index
    %get3A_27 = arith.constant 0 : index
    %get3A_28 = vector.load %arg1[%get3A_26, %get3A_27] : memref<2000x128xf32, #tpu.memory_space<vmem>>, vector<2000x128xf32>
    %get3A_29 = arith.constant 0 : index
    %get3A_30 = arith.constant 0 : index
    %get3A_31 = vector.load %arg4[%get3A_29, %get3A_30] : memref<128x128xf32, #tpu.memory_space<vmem>>, vector<128x128xf32>
    %dot_general3A = arith.constant dense<0.000000e+00> : vector<2000x128xf32>
    %dot_general3A_32 = tpu.matmul %get3A_28, %get3A_31, %dot_general3A {dimension_numbers = #tpu.dot_dimension_numbers<[1], [0], [0], [1], [0, 0, 1, 1], [], []>, transpose_lhs_hint = false} : vector<2000x128xf32>, vector<128x128xf32>, vector<2000x128xf32> -> vector<2000x128xf32>
    %get3A_33 = arith.constant 0 : index
    %get3A_34 = arith.constant 0 : index
    %get3A_35 = vector.load %arg5[%get3A_33, %get3A_34] : memref<128x128xf32, #tpu.memory_space<vmem>>, vector<128x128xf32>
    %dot_general3A_36 = arith.constant dense<0.000000e+00> : vector<2000x128xf32>
    %dot_general3A_37 = tpu.matmul %mul3A_25, %get3A_35, %dot_general3A_36 {dimension_numbers = #tpu.dot_dimension_numbers<[1], [0], [0], [1], [0, 0, 1, 1], [], []>, transpose_lhs_hint = false} : vector<2000x128xf32>, vector<128x128xf32>, vector<2000x128xf32> -> vector<2000x128xf32>
    %add3A_38 = arith.addf %dot_general3A_32, %dot_general3A_37 : vector<2000x128xf32>
    %get3A_39 = arith.constant 0 : index
    %get3A_40 = arith.constant 0 : index
    %get3A_41 = vector.load %arg6[%get3A_39, %get3A_40] : memref<1x128xf32, #tpu.memory_space<vmem>>, vector<1x128xf32>
    %add3A_42 = vector.broadcast %get3A_41 : vector<1x128xf32> to vector<2000x128xf32>
    %add3A_43 = arith.addf %add3A_38, %add3A_42 : vector<2000x128xf32>
    %get3A_44 = arith.constant 0 : index
    %get3A_45 = arith.constant 0 : index
    %get3A_46 = vector.load %arg1[%get3A_44, %get3A_45] : memref<2000x128xf32, #tpu.memory_space<vmem>>, vector<2000x128xf32>
    %max3A_47 = arith.constant 0.000000e+00 : f32
    %max3A_48 = vector.broadcast %max3A_47 : f32 to vector<2000x128xf32>
    %max3A_49 = arith.maximumf %add3A_43, %max3A_48 : vector<2000x128xf32>
    %add3A_50 = arith.addf %get3A_46, %max3A_49 : vector<2000x128xf32>
    %swap3A = arith.constant 0 : index
    %swap3A_51 = arith.constant 0 : index
    %swap3A_52 = vector.load %arg7[%swap3A, %swap3A_51] : memref<2000x128xf32, #tpu.memory_space<vmem>>, vector<2000x128xf32>
    tpu.vector_store %arg7[%swap3A, %swap3A_51], %add3A_50 {strides = array<i32>} : memref<2000x128xf32, #tpu.memory_space<vmem>>, vector<2000x128xf32>,
    return
  }
  func.func @transform_0(%arg0: i32) -> (i32, i32) {
    %c0_i32 = arith.constant 0 : i32
    %c0_i32_0 = arith.constant 0 : i32
    return %arg0, %c0_i32 : i32, i32
  }
  func.func @transform_1(%arg0: i32) -> (i32, i32, i32) {
    %c0_i32 = arith.constant 0 : i32
    %c0_i32_0 = arith.constant 0 : i32
    %c0_i32_1 = arith.constant 0 : i32
    return %c0_i32, %arg0, %c0_i32_0 : i32, i32, i32
  }
  func.func @transform_2(%arg0: i32) -> (i32, i32, i32) {
    %c0_i32 = arith.constant 0 : i32
    %c0_i32_0 = arith.constant 0 : i32
    %c0_i32_1 = arith.constant 0 : i32
    return %c0_i32, %arg0, %c0_i32_0 : i32, i32, i32
  }
  func.func @transform_3(%arg0: i32) -> (i32, i32) {
    %c0_i32 = arith.constant 0 : i32
    %c0_i32_0 = arith.constant 0 : i32
    %c0_i32_1 = arith.constant 0 : i32
    return %c0_i32, %c0_i32_0 : i32, i32
  }
  func.func @transform_4(%arg0: i32) -> (i32, i32) {
    %c0_i32 = arith.constant 0 : i32
    %c0_i32_0 = arith.constant 0 : i32
    %c0_i32_1 = arith.constant 0 : i32
    return %c0_i32, %c0_i32_0 : i32, i32
  }
  func.func @transform_5(%arg0: i32) -> (i32, i32) {
    %c0_i32 = arith.constant 0 : i32
    %c0_i32_0 = arith.constant 0 : i32
    %c0_i32_1 = arith.constant 0 : i32
    return %c0_i32, %c0_i32_0 : i32, i32
  }
  func.func @transform_6(%arg0: i32) -> (i32, i32) {
    %c0_i32 = arith.constant 0 : i32
    %c0_i32_0 = arith.constant 0 : i32
    return %arg0, %c0_i32 : i32, i32
  }
}

</mosaic_0001>

<sc_bundles>
// kernel: kernel.4.cloned.1.call-start
scs
__scs_entry_jumppad:
0x0: {  	(pc) =	sbr.rel $0x88, $3  }
0x1: {  	(tag) =	ssettag $0x0;
	lr =	simm.s32 $0x1  }
0x2: {  	[smem:$0x3F9C] =	sst lr;
	_ =	strace $0xD0000000  }
0x3: {  	_ = 	snop  }
0x4: {  	_ = 	snop  }
0x5: {  	_ = 	snop  }
0x6: {  	_ = 	snop  }
0x7: {  	_ = 	snop  }
__scs_overlays_trampoline_lowered:
0x8: {  	[smem:$0x3FAB] =	sst s0  }
0x9: {  	[smem:$0x3FAC] =	sst s1  }
0xa: {  	[smem:$0x3FAD] =	sst s2  }
0xb: {  	[smem:$0x3FAE] =	sst s3  }
0xc: {  	[smem:$0x3FAF] =	sst s4  }
0xd: {  	[smem:$0x3FB0] =	sst s5  }
0xe: {  	[smem:$0x3FB1] =	sst s6  }
0xf: {  	[smem:$0x3FB2] =	sst s7  }
0x10: {  	[smem:$0x3FB3] =	sst s8  }
0x11: {  	[smem:$0x3FB4] =	sst s9;
	s0 =	simm.s32 @!p0 $0x0  }
0x12: {  	s1 =	sld [smem:$0x3F9A];
	s0 =	simm.s32 @p0 $0x1  }
0x13: {  	[smem:$0x3FB5] =	sst s0;
	s0 =	simm.s32 @!p1 $0x0  }
0x14: {  	s2 =	sld [smem:$0x3F99];
	s0 =	simm.s32 @p1 $0x1  }
0x15: {  	[smem:$0x3FB6] =	sst s0;
	s0 =	simm.s32 @!p2 $0x0  }
0x16: {  	s3 =	sld [smem:$0x3FDB];
	s0 =	simm.s32 @p2 $0x1  }
0x17: {  	s4 =	simm.s32 $0x1BF5;
	[smem:$0x3FB8] =	sst s0  }
0x18: {  	s0 =	sld [smem:$0x3F9B];
	_ =	swait.ge [sflag:s4], $0x0  }
0x19: {  	s7 =	sld [smem:$0x3F9C]  }
0x1a: {  	s8 =	sadd.s32 $0xFFFFE003, lr  }
0x1b: {  	s9 =	sadd.s32 $0xFFFFFEF7, lr;
	s5 =	simm.s32 $0xFFFFFFFF;
	p2 =	slt.u32 s8, $0xFFFFF086  }
0x1c: {  	p1 =	slt.u32 s9, $0xF7A;
	s5 =	simm.s32 @!p2 $0x0  }
0x1d: {  	s5 =	simm.s32 @p1 $0x1;
	p0 =	seq.s32 s7, s2  }
0x1e: {  	s7 =	smul.u32 @!p0 $0xF7A, s2;
	p2 =	seq.s32 @!p0 s5, $0x0  }
0x1f: {  	s9 =	smul.u32 $0xF7A, s1;
	s8 =	simm.s32 @!p0 $0x1BF5;
	p2 =	por !p2, p0  }
0x20: {  	[sflag:s8] =	ssyncset.s32 @!p0 $0xFFFFF086;
	s6 =	sadd.s32 @!p0 s3, s7;
	s7 =	simm.s32 @!p0 $0x108  }
0x21: {  	s3 =	sadd.s32 s3, s9;
	s6 =	sadd.s32 @!p0 $0x88, s6;
	s7 =	simm.s32 @p2 $0x1082  }
0x22: {  	[simem:s7], [sflag:s8] =	dma.local @!p0 [hbm:s6], $0xF7A  }
0x23: {  	s9 =	sor.u32 $0xD0000000, s2;
	s6 =	simm.s32 $0x108;
	_ =	swait.ge @!p0 [sflag:s8], $0x0  }
0x24: {  	s3 =	sadd.s32 $0x88, s3;
	s6 =	simm.s32 @!p1 $0x1082;
	[sflag:s4] =	ssyncset.s32 $0xFFFFF086  }
0x25: {  	[simem:s6], [sflag:s4] =	dma.local [hbm:s3], $0xF7A  }
0x26: {  	[smem:$0x3F9C] =	sst s1;
	(tag) =	ssettag s2;
	_ =	strace s9  }
0x27: {  	s1 =	sld [smem:$0x3FAC]  }
0x28: {  	s2 =	sld [smem:$0x3FAD]  }
0x29: {  	s4 =	sld [smem:$0x3FAF]  }
0x2a: {  	p0 =	seq.s32 s5, $0x0;
	s5 =	sld [smem:$0x3FB0]  }
0x2b: {  	s6 =	sld [smem:$0x3FB1]  }
0x2c: {  	s7 =	sld [smem:$0x3FB2]  }
0x2d: {  	s3 =	simm.s32 $0x108;
	s8 =	sld [smem:$0x3FB3]  }
0x2e: {  	s3 =	simm.s32 @!p0 $0x1082;
	s9 =	sld [smem:$0x3FB4]  }
0x2f: {  	lr =	sadd.s32 s0, s3;
	s0 =	sld [smem:$0x3FAB]  }
0x30: {  	s3 =	sld [smem:$0x3FAE]  }
0x31: {  	[smem:$0x3FB7] =	sst s10  }
0x32: {  	s10 =	sld [smem:$0x3FB5];
	_ =	sdelay $0x3  }
0x33: {  	p0 =	seq.s32 s10, $0x1;
	s10 =	sld [smem:$0x3FB7];
	_ =	sdelay $0x3  }
0x34: {  	[smem:$0x3FB7] =	sst s10  }
0x35: {  	s10 =	sld [smem:$0x3FB6];
	_ =	sdelay $0x3  }
0x36: {  	p1 =	seq.s32 s10, $0x1;
	s10 =	sld [smem:$0x3FB7];
	_ =	sdelay $0x3  }
0x37: {  	[smem:$0x3FB7] =	sst s10  }
0x38: {  	s10 =	sld [smem:$0x3FB8]  }
0x39: {  	_ = 	snop;
	(pc) =	sbr.ind lr, $3  }
0x3a: {  	_ = 	snop  }
0x3b: {  	_ = 	snop  }
0x3c: {  	p2 =	seq.s32 s10, $0x1;
	s10 =	sld [smem:$0x3FB7]  }
0x3d: {  	_ =	shalt  }
0x3e: {  	_ =	shalt  }
0x3f: {  	_ =	shalt  }
0x40: {  	_ =	shalt  }
0x41: {  	_ =	shalt  }
0x42: {  	_ =	shalt  }
0x43: {  	_ =	shalt  }
0x44: {  	_ =	shalt  }
0x45: {  	_ =	shalt  }
0x46: {  	_ =	shalt  }
0x47: {  	_ =	shalt  }
0x48: {  	_ =	shalt  }
0x49: {  	_ =	shalt  }
0x4a: {  	_ =	shalt  }
0x4b: {  	_ =	shalt  }
0x4c: {  	_ =	shalt  }
0x4d: {  	_ =	shalt  }
0x4e: {  	_ =	shalt  }
0x4f: {  	_ =	shalt  }
0x50: {  	_ =	shalt  }
0x51: {  	_ =	shalt  }
0x52: {  	_ =	shalt  }
0x53: {  	_ =	shalt  }
0x54: {  	_ =	shalt  }
0x55: {  	_ =	shalt  }
0x56: {  	_ =	shalt  }
0x57: {  	_ =	shalt  }
0x58: {  	_ =	shalt  }
0x59: {  	_ =	shalt  }
0x5a: {  	_ =	shalt  }
0x5b: {  	_ =	shalt  }
0x5c: {  	_ =	shalt  }
0x5d: {  	_ =	shalt  }
0x5e: {  	_ =	shalt  }
0x5f: {  	_ =	shalt  }
0x60: {  	_ =	shalt  }
0x61: {  	_ =	shalt  }
0x62: {  	_ =	shalt  }
0x63: {  	_ =	shalt  }
0x64: {  	_ =	shalt  }
0x65: {  	_ =	shalt  }
0x66: {  	_ =	shalt  }
0x67: {  	_ =	shalt  }
0x68: {  	_ =	shalt  }
0x69: {  	_ =	shalt  }
0x6a: {  	_ =	shalt  }
0x6b: {  	_ =	shalt  }
0x6c: {  	_ =	shalt  }
0x6d: {  	_ =	shalt  }
0x6e: {  	_ =	shalt  }
0x6f: {  	_ =	shalt  }
0x70: {  	_ =	shalt  }
0x71: {  	_ =	shalt  }
0x72: {  	_ =	shalt  }
0x73: {  	_ =	shalt  }
0x74: {  	_ =	shalt  }
0x75: {  	_ =	shalt  }
0x76: {  	_ =	shalt  }
0x77: {  	_ =	shalt  }
0x78: {  	_ =	shalt  }
0x79: {  	_ =	shalt  }
0x7a: {  	_ =	shalt  }
0x7b: {  	_ =	shalt  }
0x7c: {  	_ =	shalt  }
0x7d: {  	_ =	shalt  }
0x7e: {  	_ =	shalt  }
0x7f: {  	_ =	shalt  }
0x80: {  	_ =	shalt  }
0x81: {  	_ =	shalt  }
0x82: {  	_ =	shalt  }
0x83: {  	_ =	shalt  }
0x84: {  	_ =	shalt  }
0x85: {  	_ =	shalt  }
0x86: {  	_ =	shalt  }
0x87: {  	_ =	shalt  }
.Lfunc_end0:
.L_simem_size_0:
called_computation_lowered:
.L_overlay_start_0:
0x88: {  	s2 =	sld [smem:$0x3FD9]  }
0x89: {  	s3 =	sld [smem:$0x3FFE];
	_ =	sdelay $0x1  }
0x8a: {  	s1 =	srdreg.scid  }
0x8b: {  	s0 =	sand.u32 $0x1, s1  }
0x8c: {  	s17 =	sshll.u32 s0, $0xA;
	s2 =	sadd.s32 s3, s2  }
0x8d: {  	s2 =	sadd.s32 s2, s17  }
0x8e: {  	[smem:$0x3FC3] =	sst s2  }
0x8f: {  	_ = 	snop  }
0x90: {  	s2 =	sld [smem:$0x3FC9]  }
0x91: {  	s18 =	sld [smem:$0x3FD0];
	(tm) =	ssettm $0x1  }
0x92: {  	s4 =	sld [smem:$0x3FFB];
	_ =	sdelay $0x3  }
0x93: {  	_ =	strace s4  }
0x94: {  	s4 =	sld [smem:$0x3FFC];
	_ =	sdelay $0x3  }
0x95: {  	_ =	strace s4  }
0x96: {  	s4 =	sld [smem:$0x3FFD];
	_ =	sdelay $0x3  }
0x97: {  	_ =	strace s4  }
0x98: {  	_ =	strace $0x8FFFFFFF  }
0x99: {  	s19 =	sld [smem:$0x3FDB];
	_ =	sdelay $0x1  }
0x9a: {  	s5 =	simm.s32 $_scs_section_size  }
0x9b: {  	s6 =	simm.s32 $_size__tile_overlayer_lowered;
	s7 =	simm.s32 $_tile_overlayer_lowered  }
0x9c: {  	s22 =	simm.s32 $0x1BFF;
	s21 =	sshll.u32 s7, $0x1;
	s4 =	sadd.s32 s5, s19  }
0x9d: {  	s8 =	simm.s32 $0x0;
	s20 =	sshll.u32 s6, $0x1;
	s6 =	sadd.s32 s21, s4  }
0x9e: {  	[timem:s8], [sflag:s22] =	dma.local [hbm:s6], s20  }
0x9f: {  	_ =	swait.ge [sflag:s22], s20  }
0xa0: {  	s5 =	ssub.s32 $0x0, s20;
	[sflag:s22] =	ssyncset.done $0x0  }
0xa1: {  	[sflag:s22] =	ssyncadd.s32 s5;
	_ =	sdelay $0x1  }
0xa2: {  	s23 =	simm.s32 $0x1B8B  }
0xa3: {  	_ =	swait.ge [sflag:s23], $0x1  }
0xa4: {  	[sflag:s23] =	ssyncset.done $0x0  }
0xa5: {  	s25 =	simm.s32 $0x1B8E;
	s24 =	sld [smem:$0x3FFE];
	[sflag:s23] =	ssyncadd.s32 $0xFFFFFFFF  }
0xa6: {  	s26 =	simm.s32 $execute0_lowered;
	[smem:$0x3FD2] =	sst s25  }
0xa7: {  	s6 =	sshll.u32 s26, $0x1;
	_ =	strace $0x80000046;
	[dreg:$0x1] =	wrdreg $0xFFFFFFFF  }
0xa8: {  	s28 =	simm.s32 $_size_execute0_lowered;
	s4 =	sadd.s32 s4, s6;
	[dreg:$0x0] =	wrdreg $0x0  }
0xa9: {  	s6 =	sshll.u32 s28, $0x1;
	[dreg:$0x2] =	wrdreg s4  }
0xaa: {  	[dreg:$0x3] =	wrdreg s6  }
0xab: {  	[dreg:$0x4] =	wrdreg $0xC0  }
0xac: {  	_ =	task [dreg:s8], $0x5FFFF  }
0xad: {  	[dreg:$0x1] =	wrdreg $0xFFFFFFFF  }
0xae: {  	[dreg:$0x0] =	wrdreg $0x60  }
0xaf: {  	[dreg:$0x2] =	wrdreg s18  }
0xb0: {  	[dreg:$0x3] =	wrdreg s2  }
0xb1: {  	[dreg:$0x4] =	wrdreg s24  }
0xb2: {  	[dreg:$0x5] =	wrdreg $0x85C00  }
0xb3: {  	[dreg:$0x6] =	wrdreg $0x1C5C00  }
0xb4: {  	[dreg:$0x7] =	wrdreg $0x9  }
0xb5: {  	_ =	task.clear_ibuf [dreg:s8], $0x8FFFF;
	_ =	strace $0x90000046  }
0xb6: {  	s29 =	simm.s32 $0x9;
	_ =	strace $0x80000048  }
0xb7: {  	_ =	swait.ge [sflag:s29], $0x1  }
0xb8: {  	[sflag:s29] =	ssyncadd.s32 $0xFFFFFFFF  }
0xb9: {  	_ =	strace $0x90000048  }
0xba: {  	_ =	sfence  }
0xbb: {  	s30 =	sld [smem:$0x0];
	_ =	sdelay $0x2  }
0xbc: {  	s31 =	sshll.u32 s1, $0xD;
	s1 =	sshrl.u32 s1, $0x2  }
0xbd: {  	s3 =	sand.u32 $0x4000, s31;
	s1 =	sadd.s32 s1, s30  }
0xbe: {  	s0 =	sor.u32 s3, s0;
	s1 =	sshll.u32 s1, $0x11  }
0xbf: {  	s0 =	sor.u32 s1, s0  }
0xc0: {  	s0 =	sadd.s32 $0x8F2B, s0  }
0xc1: {  	[sflag:s0] =	ssyncadd.remote.s32 $0x1  }
0xc2: {  	_ =	sfence.sel $0xFFFF  }
0xc3: {  	[dreg:$0x0] =	wrdreg $0xFFFFFFFF;
	(pc) =	sbr.abs _section_cstart, $3  }
0xc4: {  	[dreg:$0x1] =	wrdreg $0xFFFFFFFF  }
0xc5: {  	_ =	task.clear_ibuf [dreg:s8], $0x2FFFF;
	_ =	strace $0x9FFFFFFF  }
0xc6: {  	(tm) =	ssettm $0x7FFFFFFF  }
0xc7: {  	_ =	shalt  }
tec
execute0_lowered:
.L_overlay_start_1:
0x0: {  	(tag) =	ssettag $0x1  }
0x1: {  	s25 =	rddreg [dreg:$0x0]  }
0x2: {  	s2 =	rddreg [dreg:$0x1]  }
0x3: {  	s1 =	rddreg [dreg:$0x2]  }
0x4: {  	s4 =	rddreg [dreg:$0x3];
	s0 =	srdreg.scid  }
0x5: {  	s12 =	stileid.u32;
	s5 =	rddreg [dreg:$0x4]  }
0x6: {  	s3 =	simm.s32 $0x0;
	s6 =	sand.u32 $0x1, s0;
	s7 =	smul.u32 $0x14000, s12  }
0x7: {  	[smem:$0x7FF] =	sst s3;
	s8 =	smul.u32 $0x2800, s12;
	s9 =	sadd.s32 $0x1800, s1  }
0x8: {  	s15 =	sadd.s32 $0x1600, s1;
	s17 =	sshll.u32 s12, $0x1;
	s11 =	smul.u32 $0x280, s12  }
0x9: {  	s12 =	smul.u32 $0x4E20, s12;
	_ =	strace $0x80000047;
	[dreg:$0xb] =	wrdreg s9  }
0xa: {  	s16 =	sadd.s32 $0x1400, s1;
	s0 =	smul.u32 $0x140000, s6;
	[dreg:$0xc] =	wrdreg s15  }
0xb: {  	s29 =	simm.s32 $0x1;
	s14 =	smul.u32 $0x28000, s6;
	[dreg:$0xd] =	wrdreg s16  }
0xc: {  	s10 =	ssub.s32 $0x2, s6;
	s9 =	sor.u32 s6, s17;
	s6 =	smul.u32 $0x2710, s6  }
0xd: {  	s18 =	sshrl.u32 s10, $0x1;
	s9 =	smul.u32 $0x2710, s9;
	s19 =	sor.u32 $0x50, s11  }
0xe: {  	s13 =	sadd.s32 s7, s4;
	s30 =	sadd.s32 s8, s5;
	s22 =	sadd.s32 $0xA0, s11  }
0xf: {  	s28 =	sadd.s32 $0xF0, s11;
	s0 =	sadd.s32 s7, s0;
	s3 =	sadd.s32 s8, s14  }
0x10: {  	s20 =	sshll.u32 s19, $0x7;
	s21 =	sshll.u32 s19, $0x4;
	s6 =	sadd.s32 s6, s12  }
0x11: {  	s23 =	sshll.u32 s22, $0x7;
	s14 =	sshll.u32 s28, $0x7;
	[dreg:$0xe] =	wrdreg s13  }
0x12: {  	[dreg:$0xf] =	wrdreg s30;
	s0 =	sshrl.u32 s0, $0x3;
	s3 =	sshrl.u32 s3, $0x3  }
0x13: {  	s7 =	sadd.s32 s20, s4;
	s24 =	sadd.s32 $0x370, s6;
	s8 =	sadd.s32 s23, s4  }
0x14: {  	s31 =	sadd.s32 $0x320, s6;
	s12 =	sadd.s32 $0x2D0, s6;
	s16 =	sadd.s32 $0x280, s6  }
0x15: {  	s20 =	sadd.s32 $0x140, s11;
	s9 =	sshrl.u32 s9, $0x3;
	s0 =	sadd.s32 s0, s1  }
0x16: {  	s1 =	sadd.s32 s3, s1;
	s3 =	ssub.s32 s10, s18;
	[dreg:$0x10] =	wrdreg s7  }
0x17: {  	s7 =	sadd.s32 s21, s5;
	[dreg:$0x12] =	wrdreg s8;
	s26 =	sshrl.u32 s24, $0x3  }
0x18: {  	s10 =	sshrl.u32 s31, $0x3;
	s17 =	sshrl.u32 s16, $0x3;
	s8 =	sshll.u32 s28, $0x4  }
0x19: {  	s18 =	sadd.s32 $0x230, s6;
	[dreg:$0x11] =	wrdreg s7;
	s8 =	sadd.s32 s8, s5  }
0x1a: {  	s21 =	sshll.u32 s20, $0x7;
	s0 =	sadd.s32 $0xBE00, s0;
	[dreg:$0x15] =	wrdreg s8  }
0x1b: {  	s7 =	sshll.u32 s22, $0x4;
	s16 =	smax.u32 s3, $0x1;
	[dreg:$0x1f] =	wrdreg s0  }
0x1c: {  	s28 =	sadd.s32 $0x1E0, s11;
	s7 =	sadd.s32 s7, s5;
	[smem:$0x7F2] =	sst s16  }
0x1d: {  	s8 =	sshll.u32 s20, $0x4;
	[dreg:$0x13] =	wrdreg s7;
	s7 =	sadd.s32 s26, s25  }
0x1e: {  	s22 =	sadd.s32 $0x190, s11;
	s23 =	sadd.s32 s8, s5;
	[dreg:$0x6] =	wrdreg s7  }
0x1f: {  	s31 =	sshll.u32 s28, $0x7;
	s7 =	sadd.s32 s10, s25;
	[dreg:$0x17] =	wrdreg s23  }
0x20: {  	s10 =	sshrl.u32 s12, $0x3;
	s12 =	sadd.s32 s14, s4;
	[dreg:$0x7] =	wrdreg s7  }
0x21: {  	s11 =	sadd.s32 $0x230, s11;
	s14 =	sadd.s32 s25, s9;
	[dreg:$0x14] =	wrdreg s12  }
0x22: {  	s3 =	simm.s32 $0x2;
	s15 =	sadd.s32 s10, s25;
	[dreg:$0x1e] =	wrdreg s14  }
0x23: {  	s24 =	sshll.u32 s22, $0x7;
	s7 =	sadd.s32 s17, s25;
	[dreg:$0x8] =	wrdreg s15  }
0x24: {  	s16 =	simm.s32 $0x9;
	s17 =	sadd.s32 $0x1E0, s6;
	[dreg:$0x9] =	wrdreg s7  }
0x25: {  	s10 =	sshrl.u32 s18, $0x3;
	s18 =	sadd.s32 $0xA, s14;
	[smem:$0x7F3] =	sst s17  }
0x26: {  	s0 =	simm.s32 $0x0;
	s20 =	sadd.s32 $0x1E, s14;
	[smem:$0x7F4] =	sst s18  }
0x27: {  	s26 =	sshll.u32 s22, $0x4;
	s22 =	sadd.s32 $0x32, s14;
	[smem:$0x7F6] =	sst s20  }
0x28: {  	s8 =	sshll.u32 s28, $0x4;
	s23 =	sadd.s32 $0x4B0, s14;
	[smem:$0x7F8] =	sst s22  }
0x29: {  	s9 =	simm.s32 $0x53C0;
	s28 =	sadd.s32 $0x4CE, s14;
	[smem:$0x7F9] =	sst s23  }
0x2a: {  	s12 =	sshll.u32 s11, $0x7;
	s19 =	sadd.s32 s10, s25;
	[smem:$0x7FC] =	sst s28  }
0x2b: {  	s7 =	sadd.s32 s21, s4;
	s10 =	sadd.s32 s8, s5;
	[dreg:$0xa] =	wrdreg s19  }
0x2c: {  	s8 =	sadd.s32 s12, s4;
	s15 =	sadd.s32 $0x1E00, s1;
	[dreg:$0x16] =	wrdreg s7  }
0x2d: {  	s21 =	sadd.s32 $0x28, s14;
	s17 =	simm.s32 $0x7BC0;
	[dreg:$0x1b] =	wrdreg s10  }
0x2e: {  	s22 =	simm.s32 $0x8;
	s23 =	simm.s32 $0x50;
	[dreg:$0x1c] =	wrdreg s8  }
0x2f: {  	s1 =	simm.s32 $0x2BC0;
	s18 =	simm.s32 $0xC;
	[smem:$0x7F1] =	sst s15  }
0x30: {  	s20 =	simm.s32 $0x6;
	s7 =	sadd.s32 s24, s4;
	[smem:$0x7F7] =	sst s21  }
0x31: {  	s19 =	sadd.s32 $0x14, s14;
	s24 =	sadd.s32 $0x4BA, s14;
	[dreg:$0x18] =	wrdreg s7  }
0x32: {  	s21 =	simm.s32 $0x7;
	s8 =	simm.s32 $0x3;
	[smem:$0x7F5] =	sst s19  }
0x33: {  	s15 =	simm.s32 $0x4;
	s7 =	sadd.s32 s26, s5;
	[smem:$0x7FA] =	sst s24  }
0x34: {  	s10 =	simm.s32 $0xB;
	s26 =	sadd.s32 $0x4C4, s14;
	[dreg:$0x19] =	wrdreg s7  }
0x35: {  	s19 =	simm.s32 $0x3C0;
	s7 =	sadd.s32 s31, s4;
	[smem:$0x7FB] =	sst s26  }
0x36: {  	s31 =	sadd.s32 $0x4D8, s14;
	[dreg:$0x1a] =	wrdreg s7;
	s7 =	sshll.u32 s11, $0x4  }
0x37: {  	s24 =	simm.s32 $0x4E200;
	[smem:$0x7FD] =	sst s31;
	s7 =	sadd.s32 s7, s5  }
0x38: {  	s14 =	simm.s32 $0xA;
	s11 =	simm.s32 $0x5;
	[dreg:$0x1d] =	wrdreg s7  }
.LBB2_1:
0x39: {  	[smem:$0x7F0] =	sst s0  }
0x3a: {  	s7 =	simm.s32 $0x0;
	s12 =	rddreg [dreg:$0xd];
	s31 =	simm.s32 $0xD  }
0x3b: {  	[tilespmem:s17], [sflag:$0xD] =	stream.linear.gather [hbm4b:s12+s7], $0x500, $0x38;
	[tilespmem:$0x1EDC0] =	vst v63  }
0x3c: {  	_ =	swait.ge [sflag:s31], $0x500  }
0x3d: {  	[sflag:s31] =	ssyncset.done $0x0  }
0x3e: {  	s6 =	rddreg [dreg:$0xb];
	[sflag:s31] =	ssyncadd.s32 $0xFFFFFB00  }
0x3f: {  	[tilespmem:s19], [sflag:$0xD] =	stream.linear.gather [hbm4b:s6+s7], $0x2800, $0x38;
	[tilespmem:$0x1EDC0] =	vst v63  }
0x40: {  	_ =	swait.ge [sflag:s31], $0x2800  }
0x41: {  	[sflag:s31] =	ssyncset.done $0x0  }
0x42: {  	s28 =	simm.s32 $0x80C0;
	s26 =	rddreg [dreg:$0xc];
	[sflag:s31] =	ssyncadd.s32 $0xFFFFD800  }
0x43: {  	[tilespmem:s28], [sflag:$0xD] =	stream.linear.gather [hbm4b:s26+s7], $0x500, $0x38;
	[tilespmem:$0x1EDC0] =	vst v63  }
0x44: {  	_ =	swait.ge [sflag:s31], $0x500  }
0x45: {  	[sflag:s31] =	ssyncset.done $0x0  }
0x46: {  	[sflag:s31] =	ssyncadd.s32 $0xFFFFFB00  }
0x47: {  	[spmem:s13] =	stream.linear.scatter [tilespmem:s19], [sflag:$0x7], $0x2800, $0x38;
	[tilespmem:$0x1EDC0] =	vst v63  }
0x48: {  	_ = 	snop  }
0x49: {  	[spmem:s30] =	stream.linear.scatter [tilespmem:s28], [sflag:$0x8], $0x500, $0x38;
	[tilespmem:$0x1EDC0] =	vst v63  }
0x4a: {  	s31 =	rddreg [dreg:$0x10]  }
0x4b: {  	[spmem:s31] =	stream.linear.scatter [tilespmem:s19], [sflag:$0x7], $0x2800, $0x38;
	[tilespmem:$0x1EDC0] =	vst v63  }
0x4c: {  	s6 =	rddreg [dreg:$0x11]  }
0x4d: {  	[spmem:s6] =	stream.linear.scatter [tilespmem:s28], [sflag:$0x8], $0x500, $0x38;
	[tilespmem:$0x1EDC0] =	vst v63  }
0x4e: {  	s13 =	rddreg [dreg:$0x12]  }
0x4f: {  	[spmem:s13] =	stream.linear.scatter [tilespmem:s19], [sflag:$0x7], $0x2800, $0x38;
	[tilespmem:$0x1EDC0] =	vst v63  }
0x50: {  	s0 =	smov.u32 s25;
	s25 =	rddreg [dreg:$0x13]  }
0x51: {  	[spmem:s25] =	stream.linear.scatter [tilespmem:s28], [sflag:$0x8], $0x500, $0x38;
	[tilespmem:$0x1EDC0] =	vst v63  }
0x52: {  	s26 =	rddreg [dreg:$0x14]  }
0x53: {  	[spmem:s26] =	stream.linear.scatter [tilespmem:s19], [sflag:$0x7], $0x2800, $0x38;
	[tilespmem:$0x1EDC0] =	vst v63  }
0x54: {  	s31 =	rddreg [dreg:$0x15]  }
0x55: {  	[spmem:s31] =	stream.linear.scatter [tilespmem:s28], [sflag:$0x8], $0x500, $0x38;
	[tilespmem:$0x1EDC0] =	vst v63  }
0x56: {  	s6 =	rddreg [dreg:$0x16]  }
0x57: {  	[spmem:s6] =	stream.linear.scatter [tilespmem:s19], [sflag:$0x7], $0x2800, $0x38;
	[tilespmem:$0x1EDC0] =	vst v63  }
0x58: {  	s13 =	rddreg [dreg:$0x17]  }
0x59: {  	[spmem:s13] =	stream.linear.scatter [tilespmem:s28], [sflag:$0x8], $0x500, $0x38;
	[tilespmem:$0x1EDC0] =	vst v63  }
0x5a: {  	s25 =	rddreg [dreg:$0x18]  }
0x5b: {  	[spmem:s25] =	stream.linear.scatter [tilespmem:s19], [sflag:$0x7], $0x2800, $0x38;
	[tilespmem:$0x1EDC0] =	vst v63  }
0x5c: {  	s26 =	rddreg [dreg:$0x19]  }
0x5d: {  	[spmem:s26] =	stream.linear.scatter [tilespmem:s28], [sflag:$0x8], $0x500, $0x38;
	[tilespmem:$0x1EDC0] =	vst v63  }
0x5e: {  	s31 =	rddreg [dreg:$0x1a]  }
0x5f: {  	[spmem:s31] =	stream.linear.scatter [tilespmem:s19], [sflag:$0x7], $0x2800, $0x38;
	[tilespmem:$0x1EDC0] =	vst v63  }
0x60: {  	s6 =	rddreg [dreg:$0x1b]  }
0x61: {  	[spmem:s6] =	stream.linear.scatter [tilespmem:s28], [sflag:$0x8], $0x500, $0x38;
	[tilespmem:$0x1EDC0] =	vst v63  }
0x62: {  	s13 =	rddreg [dreg:$0x1c]  }
0x63: {  	[spmem:s13] =	stream.linear.scatter [tilespmem:s19], [sflag:$0x7], $0x2800, $0x38;
	[tilespmem:$0x1EDC0] =	vst v63  }
0x64: {  	s25 =	rddreg [dreg:$0x1d]  }
0x65: {  	[spmem:s25] =	stream.linear.scatter [tilespmem:s28], [sflag:$0x8], $0x500, $0x38;
	[tilespmem:$0x1EDC0] =	vst v63  }
0x66: {  	_ =	swait.ge [sflag:s21], $0x2800  }
0x67: {  	[sflag:s21] =	ssyncset.done $0x0  }
0x68: {  	[sflag:s21] =	ssyncadd.s32 $0xFFFFD800  }
0x69: {  	_ =	swait.ge [sflag:s22], $0x500  }
0x6a: {  	[sflag:s22] =	ssyncset.done $0x0  }
0x6b: {  	[sflag:s22] =	ssyncadd.s32 $0xFFFFFB00  }
0x6c: {  	_ =	swait.ge [sflag:s21], $0x2800  }
0x6d: {  	[sflag:s21] =	ssyncset.done $0x0  }
0x6e: {  	[sflag:s21] =	ssyncadd.s32 $0xFFFFD800  }
0x6f: {  	_ =	swait.ge [sflag:s22], $0x500  }
0x70: {  	[sflag:s22] =	ssyncset.done $0x0  }
0x71: {  	[sflag:s22] =	ssyncadd.s32 $0xFFFFFB00  }
0x72: {  	_ =	swait.ge [sflag:s21], $0x2800  }
0x73: {  	[sflag:s21] =	ssyncset.done $0x0  }
0x74: {  	[sflag:s21] =	ssyncadd.s32 $0xFFFFD800  }
0x75: {  	_ =	swait.ge [sflag:s22], $0x500  }
0x76: {  	[sflag:s22] =	ssyncset.done $0x0  }
0x77: {  	[sflag:s22] =	ssyncadd.s32 $0xFFFFFB00  }
0x78: {  	_ =	swait.ge [sflag:s21], $0x2800  }
0x79: {  	[sflag:s21] =	ssyncset.done $0x0  }
0x7a: {  	[sflag:s21] =	ssyncadd.s32 $0xFFFFD800  }
0x7b: {  	_ =	swait.ge [sflag:s22], $0x500  }
0x7c: {  	[sflag:s22] =	ssyncset.done $0x0  }
0x7d: {  	[sflag:s22] =	ssyncadd.s32 $0xFFFFFB00  }
0x7e: {  	_ =	swait.ge [sflag:s21], $0x2800  }
0x7f: {  	[sflag:s21] =	ssyncset.done $0x0  }
0x80: {  	[sflag:s21] =	ssyncadd.s32 $0xFFFFD800  }
0x81: {  	_ =	swait.ge [sflag:s22], $0x500  }
0x82: {  	[sflag:s22] =	ssyncset.done $0x0  }
0x83: {  	[sflag:s22] =	ssyncadd.s32 $0xFFFFFB00  }
0x84: {  	_ =	swait.ge [sflag:s21], $0x2800  }
0x85: {  	[sflag:s21] =	ssyncset.done $0x0  }
0x86: {  	[sflag:s21] =	ssyncadd.s32 $0xFFFFD800  }
0x87: {  	_ =	swait.ge [sflag:s22], $0x500  }
0x88: {  	[sflag:s22] =	ssyncset.done $0x0  }
0x89: {  	[sflag:s22] =	ssyncadd.s32 $0xFFFFFB00  }
0x8a: {  	_ =	swait.ge [sflag:s21], $0x2800  }
0x8b: {  	[sflag:s21] =	ssyncset.done $0x0  }
0x8c: {  	[sflag:s21] =	ssyncadd.s32 $0xFFFFD800  }
0x8d: {  	_ =	swait.ge [sflag:s22], $0x500  }
0x8e: {  	[sflag:s22] =	ssyncset.done $0x0  }
0x8f: {  	[sflag:s22] =	ssyncadd.s32 $0xFFFFFB00  }
0x90: {  	_ =	swait.ge [sflag:s21], $0x2800  }
0x91: {  	[sflag:s21] =	ssyncset.done $0x0  }
0x92: {  	[sflag:s21] =	ssyncadd.s32 $0xFFFFD800  }
0x93: {  	_ =	swait.ge [sflag:s22], $0x500  }
0x94: {  	[sflag:s22] =	ssyncset.done $0x0  }
0x95: {  	[sflag:s22] =	ssyncadd.s32 $0xFFFFFB00  }
0x96: {  	[bflag:$0x0] =	sbarrier.arrive $0xFFFF  }
0x97: {  	s26 =	rddreg [dreg:$0x1e]  }
0x98: {  	s31 =	sld [smem:$0x7F4]  }
0x99: {  	[tilespmem:s7], [sflag:$0x1] =	stream.strided.gather [hbm4b:s26+s23], $0xA0, s24, s23, $0x38;
	[tilespmem:$0x1EDC0] =	vst v63  }
0x9a: {  	s28 =	simm.s32 $0xA0;
	s6 =	sld [smem:$0x7F5]  }
0x9b: {  	[tilespmem:s28], [sflag:$0x2] =	stream.strided.gather [hbm4b:s31+s23], $0xA0, s24, s23, $0x38;
	[tilespmem:$0x1EDC0] =	vst v63  }
0x9c: {  	s26 =	simm.s32 $0x140  }
0x9d: {  	[tilespmem:s26], [sflag:$0x3] =	stream.strided.gather [hbm4b:s6+s23], $0xA0, s24, s23, $0x38;
	[tilespmem:$0x1EDC0] =	vst v63  }
0x9e: {  	_ =	swait.ge [sflag:s29], $0xA0  }
0x9f: {  	[sflag:s29] =	ssyncset.done $0x0  }
0xa0: {  	s13 =	sld [smem:$0x7F6];
	[sflag:s29] =	ssyncadd.s32 $0xFFFFFF60  }
0xa1: {  	[tilespmem:s19], [sflag:$0x7] =	stream.indirect.gather [hbm4b:s2+s23], $0x80, s7, s23, $0xb8;
	[tilespmem:$0x1EDC0] =	vst v63  }
0xa2: {  	s6 =	simm.s32 $0x1E0  }
0xa3: {  	[tilespmem:s6], [sflag:$0x4] =	stream.strided.gather [hbm4b:s13+s23], $0xA0, s24, s23, $0x38;
	[tilespmem:$0x1EDC0] =	vst v63  }
0xa4: {  	_ =	swait.ge [sflag:s3], $0xA0  }
0xa5: {  	[sflag:s3] =	ssyncset.done $0x0  }
0xa6: {  	[sflag:s3] =	ssyncadd.s32 $0xFFFFFF60  }
0xa7: {  	[tilespmem:s1], [sflag:$0x8] =	stream.indirect.gather [hbm4b:s2+s23], $0x80, s28, s23, $0xb8;
	[tilespmem:$0x1EDC0] =	vst v63  }
0xa8: {  	_ =	swait.ge [sflag:s21], $0x2800  }
0xa9: {  	[sflag:s21] =	ssyncset.done $0x0  }
0xaa: {  	[sflag:s21] =	ssyncadd.s32 $0xFFFFD800  }
0xab: {  	[spmem:s4] =	stream.indirect.scatter.add.f32 [tilespmem:s19], [sflag:$0xA], $0x80, s23, s23, $0xb8;
	[tilespmem:$0x1EDC0] =	vst v63  }
0xac: {  	s25 =	sld [smem:$0x7F7]  }
0xad: {  	[spmem:s5] =	stream.indirect.scatter.add.f32 [tilespmem:s17], [sflag:$0xA], $0x10, s23, s23, $0xb8;
	[tilespmem:$0x1EDC0] =	vst v63  }
0xae: {  	s31 =	simm.s32 $0x280  }
0xaf: {  	[tilespmem:s31], [sflag:$0x5] =	stream.strided.gather [hbm4b:s25+s23], $0xA0, s24, s23, $0x38;
	[tilespmem:$0x1EDC0] =	vst v63  }
0xb0: {  	_ =	swait.ge [sflag:s8], $0xA0  }
0xb1: {  	[sflag:s8] =	ssyncset.done $0x0  }
0xb2: {  	[sflag:s8] =	ssyncadd.s32 $0xFFFFFF60  }
0xb3: {  	[tilespmem:s9], [sflag:$0x9] =	stream.indirect.gather [hbm4b:s2+s23], $0x80, s26, s23, $0xb8;
	[tilespmem:$0x1EDC0] =	vst v63  }
0xb4: {  	_ =	swait.ge [sflag:s22], $0x2800  }
0xb5: {  	[sflag:s22] =	ssyncset.done $0x0  }
0xb6: {  	s30 =	simm.s32 $0xF0;
	[sflag:s22] =	ssyncadd.s32 $0xFFFFD800  }
0xb7: {  	[spmem:s4] =	stream.indirect.scatter.add.f32 [tilespmem:s1], [sflag:$0xB], $0x80, s30, s23, $0xb8;
	[tilespmem:$0x1EDC0] =	vst v63  }
0xb8: {  	s13 =	sld [smem:$0x7F8]  }
0xb9: {  	[spmem:s5] =	stream.indirect.scatter.add.f32 [tilespmem:s17], [sflag:$0xB], $0x10, s30, s23, $0xb8;
	[tilespmem:$0x1EDC0] =	vst v63  }
0xba: {  	s31 =	simm.s32 $0x320  }
0xbb: {  	[tilespmem:s31], [sflag:$0x6] =	stream.strided.gather [hbm4b:s13+s23], $0xA0, s24, s23, $0x38;
	[tilespmem:$0x1EDC0] =	vst v63  }
0xbc: {  	_ =	swait.ge [sflag:s14], $0x2800  }
0xbd: {  	[sflag:s14] =	ssyncset.done $0x0  }
0xbe: {  	[sflag:s14] =	ssyncadd.s32 $0xFFFFD800  }
0xbf: {  	_ =	swait.ge [sflag:s14], $0x500  }
0xc0: {  	[sflag:s14] =	ssyncset.done $0x0  }
0xc1: {  	[sflag:s14] =	ssyncadd.s32 $0xFFFFFB00  }
0xc2: {  	_ =	swait.ge [sflag:s15], $0xA0  }
0xc3: {  	[sflag:s15] =	ssyncset.done $0x0  }
0xc4: {  	[sflag:s15] =	ssyncadd.s32 $0xFFFFFF60  }
0xc5: {  	[tilespmem:s19], [sflag:$0x7] =	stream.indirect.gather [hbm4b:s2+s23], $0x80, s6, s23, $0xb8;
	[tilespmem:$0x1EDC0] =	vst v63  }
0xc6: {  	_ =	swait.ge [sflag:s16], $0x2800  }
0xc7: {  	[sflag:s16] =	ssyncset.done $0x0;
	s13 =	sld [smem:$0x7F3]  }
0xc8: {  	s12 =	simm.s32 $0x190;
	[sflag:s16] =	ssyncadd.s32 $0xFFFFD800  }
0xc9: {  	[spmem:s4] =	stream.indirect.scatter.add.f32 [tilespmem:s9], [sflag:$0xC], $0x80, s12, s23, $0xb8;
	[tilespmem:$0x1EDC0] =	vst v63  }
0xca: {  	s25 =	sshrl.u32 s13, $0x3  }
0xcb: {  	[spmem:s5] =	stream.indirect.scatter.add.f32 [tilespmem:s17], [sflag:$0xC], $0x10, s12, s23, $0xb8;
	[tilespmem:$0x1EDC0] =	vst v63  }
0xcc: {  	s25 =	sadd.s32 s0, s25  }
0xcd: {  	[tilespmem:s7], [sflag:$0x1] =	stream.strided.gather [hbm4b:s25+s23], $0xA0, s24, s23, $0x38;
	[tilespmem:$0x1EDC0] =	vst v63  }
0xce: {  	_ =	swait.ge [sflag:s10], $0x2800  }
0xcf: {  	[sflag:s10] =	ssyncset.done $0x0  }
0xd0: {  	[sflag:s10] =	ssyncadd.s32 $0xFFFFD800  }
0xd1: {  	_ =	swait.ge [sflag:s10], $0x500  }
0xd2: {  	[sflag:s10] =	ssyncset.done $0x0  }
0xd3: {  	[sflag:s10] =	ssyncadd.s32 $0xFFFFFB00  }
0xd4: {  	_ =	swait.ge [sflag:s11], $0xA0  }
0xd5: {  	[sflag:s11] =	ssyncset.done $0x0  }
0xd6: {  	s25 =	simm.s32 $0x280;
	[sflag:s11] =	ssyncadd.s32 $0xFFFFFF60  }
0xd7: {  	[tilespmem:s1], [sflag:$0x8] =	stream.indirect.gather [hbm4b:s2+s23], $0x80, s25, s23, $0xb8;
	[tilespmem:$0x1EDC0] =	vst v63  }
0xd8: {  	_ =	swait.ge [sflag:s21], $0x2800  }
0xd9: {  	[sflag:s21] =	ssyncset.done $0x0  }
0xda: {  	s12 =	simm.s32 $0x230;
	[sflag:s21] =	ssyncadd.s32 $0xFFFFD800  }
0xdb: {  	[spmem:s4] =	stream.indirect.scatter.add.f32 [tilespmem:s19], [sflag:$0xA], $0x80, s12, s23, $0xb8;
	[tilespmem:$0x1EDC0] =	vst v63  }
0xdc: {  	s25 =	rddreg [dreg:$0xa]  }
0xdd: {  	[spmem:s5] =	stream.indirect.scatter.add.f32 [tilespmem:s17], [sflag:$0xA], $0x10, s12, s23, $0xb8;
	[tilespmem:$0x1EDC0] =	vst v63  }
0xde: {  	s25 =	sadd.s32 $0x0, s25  }
0xdf: {  	[tilespmem:s28], [sflag:$0x2] =	stream.strided.gather [hbm4b:s25+s23], $0xA0, s24, s23, $0x38;
	[tilespmem:$0x1EDC0] =	vst v63  }
0xe0: {  	_ =	swait.ge [sflag:s18], $0x2800  }
0xe1: {  	[sflag:s18] =	ssyncset.done $0x0  }
0xe2: {  	[sflag:s18] =	ssyncadd.s32 $0xFFFFD800  }
0xe3: {  	_ =	swait.ge [sflag:s18], $0x500  }
0xe4: {  	[sflag:s18] =	ssyncset.done $0x0  }
0xe5: {  	[sflag:s18] =	ssyncadd.s32 $0xFFFFFB00  }
0xe6: {  	_ =	swait.ge [sflag:s20], $0xA0  }
0xe7: {  	[sflag:s20] =	ssyncset.done $0x0  }
0xe8: {  	[sflag:s20] =	ssyncadd.s32 $0xFFFFFF60  }
0xe9: {  	[tilespmem:s9], [sflag:$0x9] =	stream.indirect.gather [hbm4b:s2+s23], $0x80, s31, s23, $0xb8;
	[tilespmem:$0x1EDC0] =	vst v63  }
0xea: {  	_ =	swait.ge [sflag:s22], $0x2800  }
0xeb: {  	[sflag:s22] =	ssyncset.done $0x0  }
0xec: {  	s31 =	simm.s32 $0x2D0;
	[sflag:s22] =	ssyncadd.s32 $0xFFFFD800  }
0xed: {  	[spmem:s4] =	stream.indirect.scatter.add.f32 [tilespmem:s1], [sflag:$0xB], $0x80, s31, s23, $0xb8;
	[tilespmem:$0x1EDC0] =	vst v63  }
0xee: {  	s25 =	rddreg [dreg:$0x9]  }
0xef: {  	[spmem:s5] =	stream.indirect.scatter.add.f32 [tilespmem:s17], [sflag:$0xB], $0x10, s31, s23, $0xb8;
	[tilespmem:$0x1EDC0] =	vst v63  }
0xf0: {  	s25 =	sadd.s32 $0x0, s25  }
0xf1: {  	[tilespmem:s26], [sflag:$0x3] =	stream.strided.gather [hbm4b:s25+s23], $0xA0, s24, s23, $0x38;
	[tilespmem:$0x1EDC0] =	vst v63  }
0xf2: {  	_ =	swait.ge [sflag:s14], $0x2800  }
0xf3: {  	[sflag:s14] =	ssyncset.done $0x0  }
0xf4: {  	[sflag:s14] =	ssyncadd.s32 $0xFFFFD800  }
0xf5: {  	_ =	swait.ge [sflag:s14], $0x500  }
0xf6: {  	[sflag:s14] =	ssyncset.done $0x0  }
0xf7: {  	[sflag:s14] =	ssyncadd.s32 $0xFFFFFB00  }
0xf8: {  	_ =	swait.ge [sflag:s29], $0xA0  }
0xf9: {  	[sflag:s29] =	ssyncset.done $0x0  }
0xfa: {  	[sflag:s29] =	ssyncadd.s32 $0xFFFFFF60  }
0xfb: {  	[tilespmem:s19], [sflag:$0x7] =	stream.indirect.gather [hbm4b:s2+s23], $0x80, s7, s23, $0xb8;
	[tilespmem:$0x1EDC0] =	vst v63  }
0xfc: {  	_ =	swait.ge [sflag:s16], $0x2800  }
0xfd: {  	[sflag:s16] =	ssyncset.done $0x0  }
0xfe: {  	s31 =	simm.s32 $0x370;
	[sflag:s16] =	ssyncadd.s32 $0xFFFFD800  }
0xff: {  	[spmem:s4] =	stream.indirect.scatter.add.f32 [tilespmem:s9], [sflag:$0xC], $0x80, s31, s23, $0xb8;
	[tilespmem:$0x1EDC0] =	vst v63  }
0x100: {  	s12 =	rddreg [dreg:$0x8]  }
0x101: {  	[spmem:s5] =	stream.indirect.scatter.add.f32 [tilespmem:s17], [sflag:$0xC], $0x10, s31, s23, $0xb8;
	[tilespmem:$0x1EDC0] =	vst v63  }
0x102: {  	s25 =	sadd.s32 $0x0, s12  }
0x103: {  	[tilespmem:s6], [sflag:$0x4] =	stream.strided.gather [hbm4b:s25+s23], $0xA0, s24, s23, $0x38;
	[tilespmem:$0x1EDC0] =	vst v63  }
0x104: {  	_ =	swait.ge [sflag:s10], $0x2800  }
0x105: {  	[sflag:s10] =	ssyncset.done $0x0  }
0x106: {  	[sflag:s10] =	ssyncadd.s32 $0xFFFFD800  }
0x107: {  	_ =	swait.ge [sflag:s10], $0x500  }
0x108: {  	[sflag:s10] =	ssyncset.done $0x0  }
0x109: {  	[sflag:s10] =	ssyncadd.s32 $0xFFFFFB00  }
0x10a: {  	_ =	swait.ge [sflag:s3], $0xA0  }
0x10b: {  	[sflag:s3] =	ssyncset.done $0x0  }
0x10c: {  	[sflag:s3] =	ssyncadd.s32 $0xFFFFFF60  }
0x10d: {  	[tilespmem:s1], [sflag:$0x8] =	stream.indirect.gather [hbm4b:s2+s23], $0x80, s28, s23, $0xb8;
	[tilespmem:$0x1EDC0] =	vst v63  }
0x10e: {  	_ =	swait.ge [sflag:s21], $0x2800  }
0x10f: {  	[sflag:s21] =	ssyncset.done $0x0  }
0x110: {  	[sflag:s21] =	ssyncadd.s32 $0xFFFFD800  }
0x111: {  	[spmem:s4] =	stream.indirect.scatter.add.f32 [tilespmem:s19], [sflag:$0xA], $0x80, s23, s23, $0xb8;
	[tilespmem:$0x1EDC0] =	vst v63  }
0x112: {  	s12 =	rddreg [dreg:$0x7]  }
0x113: {  	[spmem:s5] =	stream.indirect.scatter.add.f32 [tilespmem:s17], [sflag:$0xA], $0x10, s23, s23, $0xb8;
	[tilespmem:$0x1EDC0] =	vst v63  }
0x114: {  	s31 =	simm.s32 $0x280;
	s25 =	sadd.s32 $0x0, s12  }
0x115: {  	[tilespmem:s31], [sflag:$0x5] =	stream.strided.gather [hbm4b:s25+s23], $0xA0, s24, s23, $0x38;
	[tilespmem:$0x1EDC0] =	vst v63  }
0x116: {  	_ =	swait.ge [sflag:s18], $0x2800  }
0x117: {  	[sflag:s18] =	ssyncset.done $0x0  }
0x118: {  	[sflag:s18] =	ssyncadd.s32 $0xFFFFD800  }
0x119: {  	_ =	swait.ge [sflag:s18], $0x500  }
0x11a: {  	[sflag:s18] =	ssyncset.done $0x0  }
0x11b: {  	[sflag:s18] =	ssyncadd.s32 $0xFFFFFB00  }
0x11c: {  	_ =	swait.ge [sflag:s8], $0xA0  }
0x11d: {  	[sflag:s8] =	ssyncset.done $0x0  }
0x11e: {  	[sflag:s8] =	ssyncadd.s32 $0xFFFFFF60  }
0x11f: {  	[tilespmem:s9], [sflag:$0x9] =	stream.indirect.gather [hbm4b:s2+s23], $0x80, s26, s23, $0xb8;
	[tilespmem:$0x1EDC0] =	vst v63  }
0x120: {  	_ =	swait.ge [sflag:s22], $0x2800  }
0x121: {  	[sflag:s22] =	ssyncset.done $0x0  }
0x122: {  	[sflag:s22] =	ssyncadd.s32 $0xFFFFD800  }
0x123: {  	[spmem:s4] =	stream.indirect.scatter.add.f32 [tilespmem:s1], [sflag:$0xB], $0x80, s30, s23, $0xb8;
	[tilespmem:$0x1EDC0] =	vst v63  }
0x124: {  	s12 =	smov.u32 s0;
	s28 =	rddreg [dreg:$0x6]  }
0x125: {  	[spmem:s5] =	stream.indirect.scatter.add.f32 [tilespmem:s17], [sflag:$0xB], $0x10, s30, s23, $0xb8;
	[tilespmem:$0x1EDC0] =	vst v63  }
0x126: {  	s25 =	simm.s32 $0x3C;
	s30 =	sadd.s32 $0x0, s28;
	s28 =	sadd.s32 $0x1E0, s13  }
.LBB2_2:
0x127: {  	s31 =	simm.s32 $0x320  }
0x128: {  	[tilespmem:s31], [sflag:$0x6] =	stream.strided.gather [hbm4b:s30+s23], $0xA0, s24, s23, $0x38;
	[tilespmem:$0x1EDC0] =	vst v63  }
0x129: {  	_ =	swait.ge [sflag:s14], $0x2800  }
0x12a: {  	[sflag:s14] =	ssyncset.done $0x0  }
0x12b: {  	[sflag:s14] =	ssyncadd.s32 $0xFFFFD800  }
0x12c: {  	_ =	swait.ge [sflag:s14], $0x500  }
0x12d: {  	[sflag:s14] =	ssyncset.done $0x0  }
0x12e: {  	[sflag:s14] =	ssyncadd.s32 $0xFFFFFB00  }
0x12f: {  	_ =	swait.ge [sflag:s15], $0xA0  }
0x130: {  	[sflag:s15] =	ssyncset.done $0x0  }
0x131: {  	s0 =	simm.s32 $0x1E0;
	[sflag:s15] =	ssyncadd.s32 $0xFFFFFF60  }
0x132: {  	[tilespmem:s19], [sflag:$0x7] =	stream.indirect.gather [hbm4b:s2+s23], $0x80, s0, s23, $0xb8;
	[tilespmem:$0x1EDC0] =	vst v63  }
0x133: {  	_ =	swait.ge [sflag:s16], $0x2800  }
0x134: {  	[sflag:s16] =	ssyncset.done $0x0  }
0x135: {  	s6 =	simm.s32 $0x190;
	[sflag:s16] =	ssyncadd.s32 $0xFFFFD800  }
0x136: {  	[spmem:s4] =	stream.indirect.scatter.add.f32 [tilespmem:s9], [sflag:$0xC], $0x80, s6, s23, $0xb8;
	[tilespmem:$0x1EDC0] =	vst v63  }
0x137: {  	s7 =	sshrl.u32 s28, $0x3  }
0x138: {  	[spmem:s5] =	stream.indirect.scatter.add.f32 [tilespmem:s17], [sflag:$0xC], $0x10, s6, s23, $0xb8;
	[tilespmem:$0x1EDC0] =	vst v63  }
0x139: {  	s13 =	simm.s32 $0x0;
	s7 =	sadd.s32 s12, s7  }
0x13a: {  	[tilespmem:s13], [sflag:$0x1] =	stream.strided.gather [hbm4b:s7+s23], $0xA0, s24, s23, $0x38;
	[tilespmem:$0x1EDC0] =	vst v63  }
0x13b: {  	_ =	swait.ge [sflag:s10], $0x2800  }
0x13c: {  	[sflag:s10] =	ssyncset.done $0x0  }
0x13d: {  	[sflag:s10] =	ssyncadd.s32 $0xFFFFD800  }
0x13e: {  	_ =	swait.ge [sflag:s10], $0x500  }
0x13f: {  	[sflag:s10] =	ssyncset.done $0x0  }
0x140: {  	[sflag:s10] =	ssyncadd.s32 $0xFFFFFB00  }
0x141: {  	_ =	swait.ge [sflag:s11], $0xA0  }
0x142: {  	[sflag:s11] =	ssyncset.done $0x0  }
0x143: {  	s6 =	simm.s32 $0x280;
	[sflag:s11] =	ssyncadd.s32 $0xFFFFFF60  }
0x144: {  	[tilespmem:s1], [sflag:$0x8] =	stream.indirect.gather [hbm4b:s2+s23], $0x80, s6, s23, $0xb8;
	[tilespmem:$0x1EDC0] =	vst v63  }
0x145: {  	_ =	swait.ge [sflag:s21], $0x2800  }
0x146: {  	[sflag:s21] =	ssyncset.done $0x0  }
0x147: {  	s26 =	simm.s32 $0x230;
	[sflag:s21] =	ssyncadd.s32 $0xFFFFD800  }
0x148: {  	[spmem:s4] =	stream.indirect.scatter.add.f32 [tilespmem:s19], [sflag:$0xA], $0x80, s26, s23, $0xb8;
	[tilespmem:$0x1EDC0] =	vst v63  }
0x149: {  	s30 =	smov.u32 s25;
	s7 =	rddreg [dreg:$0xa]  }
0x14a: {  	[spmem:s5] =	stream.indirect.scatter.add.f32 [tilespmem:s17], [sflag:$0xA], $0x10, s26, s23, $0xb8;
	[tilespmem:$0x1EDC0] =	vst v63  }
0x14b: {  	s7 =	sadd.s32 s30, s7;
	s26 =	simm.s32 $0xA0  }
0x14c: {  	[tilespmem:s26], [sflag:$0x2] =	stream.strided.gather [hbm4b:s7+s23], $0xA0, s24, s23, $0x38;
	[tilespmem:$0x1EDC0] =	vst v63  }
0x14d: {  	_ =	swait.ge [sflag:s18], $0x2800  }
0x14e: {  	[sflag:s18] =	ssyncset.done $0x0  }
0x14f: {  	[sflag:s18] =	ssyncadd.s32 $0xFFFFD800  }
0x150: {  	_ =	swait.ge [sflag:s18], $0x500  }
0x151: {  	[sflag:s18] =	ssyncset.done $0x0  }
0x152: {  	[sflag:s18] =	ssyncadd.s32 $0xFFFFFB00  }
0x153: {  	_ =	swait.ge [sflag:s20], $0xA0  }
0x154: {  	[sflag:s20] =	ssyncset.done $0x0  }
0x155: {  	[sflag:s20] =	ssyncadd.s32 $0xFFFFFF60  }
0x156: {  	[tilespmem:s9], [sflag:$0x9] =	stream.indirect.gather [hbm4b:s2+s23], $0x80, s31, s23, $0xb8;
	[tilespmem:$0x1EDC0] =	vst v63  }
0x157: {  	_ =	swait.ge [sflag:s22], $0x2800  }
0x158: {  	[sflag:s22] =	ssyncset.done $0x0  }
0x159: {  	s31 =	simm.s32 $0x2D0;
	[sflag:s22] =	ssyncadd.s32 $0xFFFFD800  }
0x15a: {  	[spmem:s4] =	stream.indirect.scatter.add.f32 [tilespmem:s1], [sflag:$0xB], $0x80, s31, s23, $0xb8;
	[tilespmem:$0x1EDC0] =	vst v63  }
0x15b: {  	s7 =	rddreg [dreg:$0x9]  }
0x15c: {  	[spmem:s5] =	stream.indirect.scatter.add.f32 [tilespmem:s17], [sflag:$0xB], $0x10, s31, s23, $0xb8;
	[tilespmem:$0x1EDC0] =	vst v63  }
0x15d: {  	s7 =	sadd.s32 s30, s7;
	s31 =	simm.s32 $0x140  }
0x15e: {  	[tilespmem:s31], [sflag:$0x3] =	stream.strided.gather [hbm4b:s7+s23], $0xA0, s24, s23, $0x38;
	[tilespmem:$0x1EDC0] =	vst v63  }
0x15f: {  	_ =	swait.ge [sflag:s14], $0x2800  }
0x160: {  	[sflag:s14] =	ssyncset.done $0x0  }
0x161: {  	[sflag:s14] =	ssyncadd.s32 $0xFFFFD800  }
0x162: {  	_ =	swait.ge [sflag:s14], $0x500  }
0x163: {  	[sflag:s14] =	ssyncset.done $0x0  }
0x164: {  	[sflag:s14] =	ssyncadd.s32 $0xFFFFFB00  }
0x165: {  	_ =	swait.ge [sflag:s29], $0xA0  }
0x166: {  	[sflag:s29] =	ssyncset.done $0x0  }
0x167: {  	[sflag:s29] =	ssyncadd.s32 $0xFFFFFF60  }
0x168: {  	[tilespmem:s19], [sflag:$0x7] =	stream.indirect.gather [hbm4b:s2+s23], $0x80, s13, s23, $0xb8;
	[tilespmem:$0x1EDC0] =	vst v63  }
0x169: {  	_ =	swait.ge [sflag:s16], $0x2800  }
0x16a: {  	[sflag:s16] =	ssyncset.done $0x0  }
0x16b: {  	s13 =	simm.s32 $0x370;
	[sflag:s16] =	ssyncadd.s32 $0xFFFFD800  }
0x16c: {  	[spmem:s4] =	stream.indirect.scatter.add.f32 [tilespmem:s9], [sflag:$0xC], $0x80, s13, s23, $0xb8;
	[tilespmem:$0x1EDC0] =	vst v63  }
0x16d: {  	s7 =	rddreg [dreg:$0x8]  }
0x16e: {  	[spmem:s5] =	stream.indirect.scatter.add.f32 [tilespmem:s17], [sflag:$0xC], $0x10, s13, s23, $0xb8;
	[tilespmem:$0x1EDC0] =	vst v63  }
0x16f: {  	s7 =	sadd.s32 s30, s7  }
0x170: {  	[tilespmem:s0], [sflag:$0x4] =	stream.strided.gather [hbm4b:s7+s23], $0xA0, s24, s23, $0x38;
	[tilespmem:$0x1EDC0] =	vst v63  }
0x171: {  	_ =	swait.ge [sflag:s10], $0x2800  }
0x172: {  	[sflag:s10] =	ssyncset.done $0x0  }
0x173: {  	[sflag:s10] =	ssyncadd.s32 $0xFFFFD800  }
0x174: {  	_ =	swait.ge [sflag:s10], $0x500  }
0x175: {  	[sflag:s10] =	ssyncset.done $0x0  }
0x176: {  	[sflag:s10] =	ssyncadd.s32 $0xFFFFFB00  }
0x177: {  	_ =	swait.ge [sflag:s3], $0xA0  }
0x178: {  	[sflag:s3] =	ssyncset.done $0x0  }
0x179: {  	[sflag:s3] =	ssyncadd.s32 $0xFFFFFF60  }
0x17a: {  	[tilespmem:s1], [sflag:$0x8] =	stream.indirect.gather [hbm4b:s2+s23], $0x80, s26, s23, $0xb8;
	[tilespmem:$0x1EDC0] =	vst v63  }
0x17b: {  	_ =	swait.ge [sflag:s21], $0x2800  }
0x17c: {  	[sflag:s21] =	ssyncset.done $0x0  }
0x17d: {  	[sflag:s21] =	ssyncadd.s32 $0xFFFFD800  }
0x17e: {  	[spmem:s4] =	stream.indirect.scatter.add.f32 [tilespmem:s19], [sflag:$0xA], $0x80, s23, s23, $0xb8;
	[tilespmem:$0x1EDC0] =	vst v63  }
0x17f: {  	s13 =	rddreg [dreg:$0x7]  }
0x180: {  	[spmem:s5] =	stream.indirect.scatter.add.f32 [tilespmem:s17], [sflag:$0xA], $0x10, s23, s23, $0xb8;
	[tilespmem:$0x1EDC0] =	vst v63  }
0x181: {  	s7 =	sadd.s32 s30, s13  }
0x182: {  	[tilespmem:s6], [sflag:$0x5] =	stream.strided.gather [hbm4b:s7+s23], $0xA0, s24, s23, $0x38;
	[tilespmem:$0x1EDC0] =	vst v63  }
0x183: {  	_ =	swait.ge [sflag:s18], $0x2800  }
0x184: {  	[sflag:s18] =	ssyncset.done $0x0  }
0x185: {  	[sflag:s18] =	ssyncadd.s32 $0xFFFFD800  }
0x186: {  	_ =	swait.ge [sflag:s18], $0x500  }
0x187: {  	[sflag:s18] =	ssyncset.done $0x0  }
0x188: {  	[sflag:s18] =	ssyncadd.s32 $0xFFFFFB00  }
0x189: {  	_ =	swait.ge [sflag:s8], $0xA0  }
0x18a: {  	[sflag:s8] =	ssyncset.done $0x0  }
0x18b: {  	[sflag:s8] =	ssyncadd.s32 $0xFFFFFF60  }
0x18c: {  	[tilespmem:s9], [sflag:$0x9] =	stream.indirect.gather [hbm4b:s2+s23], $0x80, s31, s23, $0xb8;
	[tilespmem:$0x1EDC0] =	vst v63  }
0x18d: {  	p0 =	sne.s32 s25, $0x438;
	_ =	swait.ge [sflag:s22], $0x2800  }
.Ltmp0:
0x18e: {  	[sflag:s22] =	ssyncset.done $0x0;
	(pc) =	sbr.rel @p0 .LBB2_2-.Ltmp0, $4  }
0x18f: {  	s31 =	simm.s32 $0xF0;
	s26 =	rddreg [dreg:$0x6];
	[sflag:s22] =	ssyncadd.s32 $0xFFFFD800  }
0x190: {  	[spmem:s4] =	stream.indirect.scatter.add.f32 [tilespmem:s1], [sflag:$0xB], $0x80, s31, s23, $0xb8;
	[tilespmem:$0x1EDC0] =	vst v63  }
0x191: {  	s28 =	sadd.s32 $0x1E0, s28;
	s25 =	sadd.s32 $0x3C, s25;
	s30 =	sadd.s32 s30, s26  }
0x192: {  	[spmem:s5] =	stream.indirect.scatter.add.f32 [tilespmem:s17], [sflag:$0xB], $0x10, s31, s23, $0xb8;
	[tilespmem:$0x1EDC0] =	vst v63  }
0x193: {  	s26 =	simm.s32 $0x320  }
0x194: {  	[tilespmem:s26], [sflag:$0x6] =	stream.strided.gather [hbm4b:s30+s23], $0xA0, s24, s23, $0x38;
	[tilespmem:$0x1EDC0] =	vst v63  }
0x195: {  	_ =	swait.ge [sflag:s14], $0x2800  }
0x196: {  	[sflag:s14] =	ssyncset.done $0x0  }
0x197: {  	[sflag:s14] =	ssyncadd.s32 $0xFFFFD800  }
0x198: {  	_ =	swait.ge [sflag:s14], $0x500  }
0x199: {  	[sflag:s14] =	ssyncset.done $0x0  }
0x19a: {  	[sflag:s14] =	ssyncadd.s32 $0xFFFFFB00  }
0x19b: {  	_ =	swait.ge [sflag:s15], $0xA0  }
0x19c: {  	[sflag:s15] =	ssyncset.done $0x0  }
0x19d: {  	s0 =	simm.s32 $0x1E0;
	[sflag:s15] =	ssyncadd.s32 $0xFFFFFF60  }
0x19e: {  	[tilespmem:s19], [sflag:$0x7] =	stream.indirect.gather [hbm4b:s2+s23], $0x80, s0, s23, $0xb8;
	[tilespmem:$0x1EDC0] =	vst v63  }
0x19f: {  	_ =	swait.ge [sflag:s16], $0x2800  }
0x1a0: {  	[sflag:s16] =	ssyncset.done $0x0  }
0x1a1: {  	s28 =	simm.s32 $0x190;
	[sflag:s16] =	ssyncadd.s32 $0xFFFFD800  }
0x1a2: {  	[spmem:s4] =	stream.indirect.scatter.add.f32 [tilespmem:s9], [sflag:$0xC], $0x80, s28, s23, $0xb8;
	[tilespmem:$0x1EDC0] =	vst v63  }
0x1a3: {  	s13 =	sld [smem:$0x7F9]  }
0x1a4: {  	[spmem:s5] =	stream.indirect.scatter.add.f32 [tilespmem:s17], [sflag:$0xC], $0x10, s28, s23, $0xb8;
	[tilespmem:$0x1EDC0] =	vst v63  }
0x1a5: {  	s7 =	simm.s32 $0x0  }
0x1a6: {  	[tilespmem:s7], [sflag:$0x1] =	stream.strided.gather [hbm4b:s13+s23], $0xA0, s24, s23, $0x38;
	[tilespmem:$0x1EDC0] =	vst v63  }
0x1a7: {  	_ =	swait.ge [sflag:s10], $0x2800  }
0x1a8: {  	[sflag:s10] =	ssyncset.done $0x0  }
0x1a9: {  	[sflag:s10] =	ssyncadd.s32 $0xFFFFD800  }
0x1aa: {  	_ =	swait.ge [sflag:s10], $0x500  }
0x1ab: {  	[sflag:s10] =	ssyncset.done $0x0  }
0x1ac: {  	[sflag:s10] =	ssyncadd.s32 $0xFFFFFB00  }
0x1ad: {  	_ =	swait.ge [sflag:s11], $0xA0  }
0x1ae: {  	[sflag:s11] =	ssyncset.done $0x0  }
0x1af: {  	s6 =	simm.s32 $0x280;
	[sflag:s11] =	ssyncadd.s32 $0xFFFFFF60  }
0x1b0: {  	[tilespmem:s1], [sflag:$0x8] =	stream.indirect.gather [hbm4b:s2+s23], $0x80, s6, s23, $0xb8;
	[tilespmem:$0x1EDC0] =	vst v63  }
0x1b1: {  	_ =	swait.ge [sflag:s21], $0x2800  }
0x1b2: {  	[sflag:s21] =	ssyncset.done $0x0  }
0x1b3: {  	s30 =	simm.s32 $0x230;
	[sflag:s21] =	ssyncadd.s32 $0xFFFFD800  }
0x1b4: {  	[spmem:s4] =	stream.indirect.scatter.add.f32 [tilespmem:s19], [sflag:$0xA], $0x80, s30, s23, $0xb8;
	[tilespmem:$0x1EDC0] =	vst v63  }
0x1b5: {  	s31 =	sld [smem:$0x7FA]  }
0x1b6: {  	[spmem:s5] =	stream.indirect.scatter.add.f32 [tilespmem:s17], [sflag:$0xA], $0x10, s30, s23, $0xb8;
	[tilespmem:$0x1EDC0] =	vst v63  }
0x1b7: {  	s25 =	simm.s32 $0xA0  }
0x1b8: {  	[tilespmem:s25], [sflag:$0x2] =	stream.strided.gather [hbm4b:s31+s23], $0xA0, s24, s23, $0x38;
	[tilespmem:$0x1EDC0] =	vst v63  }
0x1b9: {  	_ =	swait.ge [sflag:s18], $0x2800  }
0x1ba: {  	[sflag:s18] =	ssyncset.done $0x0  }
0x1bb: {  	[sflag:s18] =	ssyncadd.s32 $0xFFFFD800  }
0x1bc: {  	_ =	swait.ge [sflag:s18], $0x500  }
0x1bd: {  	[sflag:s18] =	ssyncset.done $0x0  }
0x1be: {  	[sflag:s18] =	ssyncadd.s32 $0xFFFFFB00  }
0x1bf: {  	_ =	swait.ge [sflag:s20], $0xA0  }
0x1c0: {  	[sflag:s20] =	ssyncset.done $0x0  }
0x1c1: {  	[sflag:s20] =	ssyncadd.s32 $0xFFFFFF60  }
0x1c2: {  	[tilespmem:s9], [sflag:$0x9] =	stream.indirect.gather [hbm4b:s2+s23], $0x80, s26, s23, $0xb8;
	[tilespmem:$0x1EDC0] =	vst v63  }
0x1c3: {  	_ =	swait.ge [sflag:s22], $0x2800  }
0x1c4: {  	[sflag:s22] =	ssyncset.done $0x0  }
0x1c5: {  	s31 =	simm.s32 $0x2D0;
	[sflag:s22] =	ssyncadd.s32 $0xFFFFD800  }
0x1c6: {  	[spmem:s4] =	stream.indirect.scatter.add.f32 [tilespmem:s1], [sflag:$0xB], $0x80, s31, s23, $0xb8;
	[tilespmem:$0x1EDC0] =	vst v63  }
0x1c7: {  	s13 =	sld [smem:$0x7FB]  }
0x1c8: {  	[spmem:s5] =	stream.indirect.scatter.add.f32 [tilespmem:s17], [sflag:$0xB], $0x10, s31, s23, $0xb8;
	[tilespmem:$0x1EDC0] =	vst v63  }
0x1c9: {  	s26 =	simm.s32 $0x140  }
0x1ca: {  	[tilespmem:s26], [sflag:$0x3] =	stream.strided.gather [hbm4b:s13+s23], $0xA0, s24, s23, $0x38;
	[tilespmem:$0x1EDC0] =	vst v63  }
0x1cb: {  	_ =	swait.ge [sflag:s14], $0x2800  }
0x1cc: {  	[sflag:s14] =	ssyncset.done $0x0  }
0x1cd: {  	[sflag:s14] =	ssyncadd.s32 $0xFFFFD800  }
0x1ce: {  	_ =	swait.ge [sflag:s14], $0x500  }
0x1cf: {  	[sflag:s14] =	ssyncset.done $0x0  }
0x1d0: {  	[sflag:s14] =	ssyncadd.s32 $0xFFFFFB00  }
0x1d1: {  	_ =	swait.ge [sflag:s29], $0xA0  }
0x1d2: {  	[sflag:s29] =	ssyncset.done $0x0  }
0x1d3: {  	[sflag:s29] =	ssyncadd.s32 $0xFFFFFF60  }
0x1d4: {  	[tilespmem:s19], [sflag:$0x7] =	stream.indirect.gather [hbm4b:s2+s23], $0x80, s7, s23, $0xb8;
	[tilespmem:$0x1EDC0] =	vst v63  }
0x1d5: {  	_ =	swait.ge [sflag:s16], $0x2800  }
0x1d6: {  	[sflag:s16] =	ssyncset.done $0x0  }
0x1d7: {  	s13 =	simm.s32 $0x370;
	[sflag:s16] =	ssyncadd.s32 $0xFFFFD800  }
0x1d8: {  	[spmem:s4] =	stream.indirect.scatter.add.f32 [tilespmem:s9], [sflag:$0xC], $0x80, s13, s23, $0xb8;
	[tilespmem:$0x1EDC0] =	vst v63  }
0x1d9: {  	_ = 	snop  }
0x1da: {  	[spmem:s5] =	stream.indirect.scatter.add.f32 [tilespmem:s17], [sflag:$0xC], $0x10, s13, s23, $0xb8;
	[tilespmem:$0x1EDC0] =	vst v63  }
0x1db: {  	s13 =	sld [smem:$0x7FC];
	_ =	sdelay $0x2  }
0x1dc: {  	[tilespmem:s0], [sflag:$0x4] =	stream.strided.gather [hbm4b:s13+s23], $0xA0, s24, s23, $0x38;
	[tilespmem:$0x1EDC0] =	vst v63  }
0x1dd: {  	_ =	swait.ge [sflag:s10], $0x2800  }
0x1de: {  	[sflag:s10] =	ssyncset.done $0x0  }
0x1df: {  	[sflag:s10] =	ssyncadd.s32 $0xFFFFD800  }
0x1e0: {  	_ =	swait.ge [sflag:s10], $0x500  }
0x1e1: {  	[sflag:s10] =	ssyncset.done $0x0  }
0x1e2: {  	[sflag:s10] =	ssyncadd.s32 $0xFFFFFB00  }
0x1e3: {  	_ =	swait.ge [sflag:s3], $0xA0  }
0x1e4: {  	[sflag:s3] =	ssyncset.done $0x0  }
0x1e5: {  	[sflag:s3] =	ssyncadd.s32 $0xFFFFFF60  }
0x1e6: {  	[tilespmem:s1], [sflag:$0x8] =	stream.indirect.gather [hbm4b:s2+s23], $0x80, s25, s23, $0xb8;
	[tilespmem:$0x1EDC0] =	vst v63  }
0x1e7: {  	_ =	swait.ge [sflag:s21], $0x2800  }
0x1e8: {  	[sflag:s21] =	ssyncset.done $0x0  }
0x1e9: {  	[sflag:s21] =	ssyncadd.s32 $0xFFFFD800  }
0x1ea: {  	[spmem:s4] =	stream.indirect.scatter.add.f32 [tilespmem:s19], [sflag:$0xA], $0x80, s23, s23, $0xb8;
	[tilespmem:$0x1EDC0] =	vst v63  }
0x1eb: {  	s25 =	sld [smem:$0x7FD]  }
0x1ec: {  	[spmem:s5] =	stream.indirect.scatter.add.f32 [tilespmem:s17], [sflag:$0xA], $0x10, s23, s23, $0xb8;
	[tilespmem:$0x1EDC0] =	vst v63  }
0x1ed: {  	_ = 	snop  }
0x1ee: {  	[tilespmem:s6], [sflag:$0x5] =	stream.strided.gather [hbm4b:s25+s23], $0xA0, s24, s23, $0x38;
	[tilespmem:$0x1EDC0] =	vst v63  }
0x1ef: {  	_ =	swait.ge [sflag:s18], $0x2800  }
0x1f0: {  	[sflag:s18] =	ssyncset.done $0x0  }
0x1f1: {  	[sflag:s18] =	ssyncadd.s32 $0xFFFFD800  }
0x1f2: {  	_ =	swait.ge [sflag:s18], $0x500  }
0x1f3: {  	[sflag:s18] =	ssyncset.done $0x0  }
0x1f4: {  	[sflag:s18] =	ssyncadd.s32 $0xFFFFFB00  }
0x1f5: {  	_ =	swait.ge [sflag:s8], $0xA0  }
0x1f6: {  	[sflag:s8] =	ssyncset.done $0x0  }
0x1f7: {  	[sflag:s8] =	ssyncadd.s32 $0xFFFFFF60  }
0x1f8: {  	[tilespmem:s9], [sflag:$0x9] =	stream.indirect.gather [hbm4b:s2+s23], $0x80, s26, s23, $0xb8;
	[tilespmem:$0x1EDC0] =	vst v63  }
0x1f9: {  	_ =	swait.ge [sflag:s22], $0x2800  }
0x1fa: {  	[sflag:s22] =	ssyncset.done $0x0  }
0x1fb: {  	s26 =	simm.s32 $0xF0;
	[sflag:s22] =	ssyncadd.s32 $0xFFFFD800  }
0x1fc: {  	[spmem:s4] =	stream.indirect.scatter.add.f32 [tilespmem:s1], [sflag:$0xB], $0x80, s26, s23, $0xb8;
	[tilespmem:$0x1EDC0] =	vst v63  }
0x1fd: {  	_ = 	snop  }
0x1fe: {  	[spmem:s5] =	stream.indirect.scatter.add.f32 [tilespmem:s17], [sflag:$0xB], $0x10, s26, s23, $0xb8;
	[tilespmem:$0x1EDC0] =	vst v63  }
0x1ff: {  	_ =	swait.ge [sflag:s14], $0x2800  }
0x200: {  	[sflag:s14] =	ssyncset.done $0x0  }
0x201: {  	[sflag:s14] =	ssyncadd.s32 $0xFFFFD800  }
0x202: {  	_ =	swait.ge [sflag:s14], $0x500  }
0x203: {  	[sflag:s14] =	ssyncset.done $0x0  }
0x204: {  	[sflag:s14] =	ssyncadd.s32 $0xFFFFFB00  }
0x205: {  	_ =	swait.ge [sflag:s15], $0xA0  }
0x206: {  	[sflag:s15] =	ssyncset.done $0x0  }
0x207: {  	[sflag:s15] =	ssyncadd.s32 $0xFFFFFF60  }
0x208: {  	[tilespmem:s19], [sflag:$0x7] =	stream.indirect.gather [hbm4b:s2+s23], $0x80, s0, s23, $0xb8;
	[tilespmem:$0x1EDC0] =	vst v63  }
0x209: {  	_ =	swait.ge [sflag:s16], $0x2800  }
0x20a: {  	[sflag:s16] =	ssyncset.done $0x0  }
0x20b: {  	[sflag:s16] =	ssyncadd.s32 $0xFFFFD800  }
0x20c: {  	[spmem:s4] =	stream.indirect.scatter.add.f32 [tilespmem:s9], [sflag:$0xC], $0x80, s28, s23, $0xb8;
	[tilespmem:$0x1EDC0] =	vst v63  }
0x20d: {  	_ = 	snop  }
0x20e: {  	[spmem:s5] =	stream.indirect.scatter.add.f32 [tilespmem:s17], [sflag:$0xC], $0x10, s28, s23, $0xb8;
	[tilespmem:$0x1EDC0] =	vst v63  }
0x20f: {  	_ =	swait.ge [sflag:s10], $0x2800  }
0x210: {  	[sflag:s10] =	ssyncset.done $0x0  }
0x211: {  	[sflag:s10] =	ssyncadd.s32 $0xFFFFD800  }
0x212: {  	_ =	swait.ge [sflag:s10], $0x500  }
0x213: {  	[sflag:s10] =	ssyncset.done $0x0  }
0x214: {  	[sflag:s10] =	ssyncadd.s32 $0xFFFFFB00  }
0x215: {  	_ =	swait.ge [sflag:s11], $0xA0  }
0x216: {  	[sflag:s11] =	ssyncset.done $0x0  }
0x217: {  	[sflag:s11] =	ssyncadd.s32 $0xFFFFFF60  }
0x218: {  	[tilespmem:s1], [sflag:$0x8] =	stream.indirect.gather [hbm4b:s2+s23], $0x80, s6, s23, $0xb8;
	[tilespmem:$0x1EDC0] =	vst v63  }
0x219: {  	_ =	swait.ge [sflag:s21], $0x2800  }
0x21a: {  	[sflag:s21] =	ssyncset.done $0x0  }
0x21b: {  	[sflag:s21] =	ssyncadd.s32 $0xFFFFD800  }
0x21c: {  	[spmem:s4] =	stream.indirect.scatter.add.f32 [tilespmem:s19], [sflag:$0xA], $0x80, s30, s23, $0xb8;
	[tilespmem:$0x1EDC0] =	vst v63  }
0x21d: {  	_ = 	snop  }
0x21e: {  	[spmem:s5] =	stream.indirect.scatter.add.f32 [tilespmem:s17], [sflag:$0xA], $0x10, s30, s23, $0xb8;
	[tilespmem:$0x1EDC0] =	vst v63  }
0x21f: {  	_ =	swait.ge [sflag:s22], $0x2800  }
0x220: {  	[sflag:s22] =	ssyncset.done $0x0  }
0x221: {  	[sflag:s22] =	ssyncadd.s32 $0xFFFFD800  }
0x222: {  	[spmem:s4] =	stream.indirect.scatter.add.f32 [tilespmem:s1], [sflag:$0xB], $0x80, s31, s23, $0xb8;
	[tilespmem:$0x1EDC0] =	vst v63  }
0x223: {  	_ = 	snop  }
0x224: {  	[spmem:s5] =	stream.indirect.scatter.add.f32 [tilespmem:s17], [sflag:$0xB], $0x10, s31, s23, $0xb8;
	[tilespmem:$0x1EDC0] =	vst v63  }
0x225: {  	_ =	swait.ge [sflag:s18], $0x2800  }
0x226: {  	[sflag:s18] =	ssyncset.done $0x0  }
0x227: {  	[sflag:s18] =	ssyncadd.s32 $0xFFFFD800  }
0x228: {  	_ =	swait.ge [sflag:s18], $0x500  }
0x229: {  	[sflag:s18] =	ssyncset.done $0x0  }
0x22a: {  	[sflag:s18] =	ssyncadd.s32 $0xFFFFFB00  }
0x22b: {  	_ =	swait.ge [sflag:s14], $0x2800  }
0x22c: {  	[sflag:s14] =	ssyncset.done $0x0  }
0x22d: {  	[sflag:s14] =	ssyncadd.s32 $0xFFFFD800  }
0x22e: {  	_ =	swait.ge [sflag:s14], $0x500  }
0x22f: {  	[sflag:s14] =	ssyncset.done $0x0  }
0x230: {  	[sflag:s14] =	ssyncadd.s32 $0xFFFFFB00  }
0x231: {  	_ =	swait.ge [sflag:s10], $0x2800  }
0x232: {  	[sflag:s10] =	ssyncset.done $0x0  }
0x233: {  	[sflag:s10] =	ssyncadd.s32 $0xFFFFD800  }
0x234: {  	_ =	swait.ge [sflag:s10], $0x500  }
0x235: {  	[sflag:s10] =	ssyncset.done $0x0  }
0x236: {  	[sflag:s10] =	ssyncadd.s32 $0xFFFFFB00  }
0x237: {  	s31 =	stileid.u32;
	[bflag:$0x0] =	sbarrier.arrive $0xFFFF  }
0x238: {  	s7 =	sshll.u32 s31, $0x6;
	s13 =	rddreg [dreg:$0xe]  }
0x239: {  	s0 =	sor.u32 $0x1C07, s7;
	s30 =	rddreg [dreg:$0x1f];
	s6 =	sshrl.u32 s13, $0x3  }
0x23a: {  	[hbm:s30], [sflag:s0] =	dma.local [spmem:s6], $0x2800  }
0x23b: {  	s28 =	sld [smem:$0x7F1]  }
0x23c: {  	s30 =	rddreg [dreg:$0xf]  }
0x23d: {  	s7 =	sor.u32 $0x1C08, s7;
	s26 =	sshrl.u32 s30, $0x3  }
0x23e: {  	[hbm:s28], [sflag:s7] =	dma.local [spmem:s26], $0x500  }
0x23f: {  	_ =	swait.ge [sflag:s21], $0x2800  }
0x240: {  	[sflag:s21] =	ssyncset.done $0x0  }
0x241: {  	[sflag:s21] =	ssyncadd.s32 $0xFFFFD800  }
0x242: {  	_ =	swait.ge [sflag:s22], $0x500  }
0x243: {  	s28 =	sld [smem:$0x7F0]  }
0x244: {  	s31 =	sld [smem:$0x7F2];
	_ =	sdelay $0x1  }
0x245: {  	s0 =	sadd.s32 $0x1, s28  }
0x246: {  	p0 =	sne.s32 s0, s31  }
.Ltmp1:
0x247: {  	_ = 	snop;
	(pc) =	sbr.rel @p0 .LBB2_1-.Ltmp1, $3  }
0x248: {  	_ =	sdelay $0x1  }
0x249: {  	[sflag:s22] =	ssyncset.done $0x0  }
0x24a: {  	s25 =	smov.u32 s12;
	[sflag:s22] =	ssyncadd.s32 $0xFFFFFB00  }
0x24b: {  	_ =	sfence.sel $0x180000  }
0x24c: {  	[bflag:$0x0] =	sbarrier.arrive $0xFFFF  }
0x24d: {  	_ =	strace $0x90000047  }
0x24e: {  	s0 =	stileid.u32;
	[bflag:$0x2] =	sbarrier.arrive $0xFFFF  }
0x24f: {  	p0 =	sne.s32 s0, $0x0;
	s0 =	rddreg [dreg:$0x5]  }
0x250: {  	s0 =	sadd.s32 @!p0 $0x100000, s0  }
0x251: {  	[sflag:s0] =	ssyncadd.tile.s32 @!p0 $0x1;
	_ =	shalt  }
.Lfunc_end2:
_tile_overlayer_lowered:
.L_overlay_start_2:
0x252: {  	(tag) =	ssettag $0x2  }
0x253: {  	s0 =	rddreg [dreg:$0x0];
	s2 =	stileid.u32  }
0x254: {  	s1 =	rddreg [dreg:$0x1];
	p0 =	sne.s32 s2, $0x0  }
0x255: {  	s3 =	rddreg [dreg:$0x2];
	[bflag:$0x3] =	sbarrier.arrive $0xFFFF;
	s2 =	simm.s32 @!p0 $0x1C0D  }
0x256: {  	[timem:s3], [sflag:s2] =	dma.local @!p0 [hbm:s0], s1  }
0x257: {  	s0 =	simm.s32 @!p0 $0xD  }
0x258: {  	_ =	swait.ge @!p0 [sflag:s0], s1  }
0x259: {  	s1 =	ssub.s32 @!p0 $0x0, s1;
	[sflag:s0] =	ssyncset.done @!p0 $0x0  }
0x25a: {  	[sflag:s0] =	ssyncadd.s32 @!p0 s1  }
0x25b: {  	[bflag:$0x3] =	sbarrier.arrive $0xFFFF  }
0x25c: {  	_ =	shalt  }

</sc_bundles>
